<compile_context>
chip_gen: v7x
topology: tpu7x:2x2x1
jax: 0.10.2.dev20260603
libtpu: 0.0.44.dev20260713+nightly
codegen_flags: <defaults>
</compile_context>

<pallas_src>
import functools

import jax
import jax.numpy as jnp
from jax import lax
from jax.experimental import pallas as pl
from jax.experimental.pallas import tpu as pltpu
from jax.experimental.pallas import tpu_sc as plsc

N = 10000
R = 17
F = 256
H = 128
NSC = 2
NT = 16
L = 16

KROWS = R * N
B = 128
PER_TILE = 20736
NBATCH = PER_TILE // B
E_PAD = NT * PER_TILE

KPAD = 170240
CPT = KPAD // NT
OROWS = 10016
OPT = OROWS // NT
WPT = 624
WTAIL = N - NT * WPT


def _fw_body(x_ref, w_ref, o_ref):
    o_ref[0] = jnp.dot(x_ref[...], w_ref[0], preferred_element_type=jnp.float32)


def _compute_fw(features, weights):
    bn = 1000
    grid = (N // bn, R, NSC)
    return pl.pallas_call(
        _fw_body,
        grid=grid,
        in_specs=[
            pl.BlockSpec((bn, F), lambda i, r, c: (i, 0)),
            pl.BlockSpec((1, F, H), lambda i, r, c: (r, 0, c)),
        ],
        out_specs=pl.BlockSpec((1, bn, H), lambda i, r, c: (c, r * (N // bn) + i, 0)),
        out_shape=jax.ShapeDtypeStruct((NSC, KROWS, H), jnp.float32),
    )(features, weights)


def _sc_body(fw_hbm, gidx_hbm, fr_hbm, key_hbm, out_hbm,
             counts, outacc,
             rows_v, gidx_v, fr_v, key_v, cnt_v, vals_v, gadj_v, ones_v,
             zcnt_v, sem):
    c = lax.axis_index("c")
    s = lax.axis_index("s")
    tile_base = s * PER_TILE
    z16 = jnp.zeros((L,), jnp.float32)

    def _zrow(e, carry):
        for j in range(H // L):
            rows_v[e, pl.ds(j * L, L)] = z16
        return carry
    lax.fori_loop(0, B, _zrow, 0)

    def _zcnt(m, carry):
        zcnt_v[pl.ds(m * L, L)] = z16
        return carry
    lax.fori_loop(0, CPT // L, _zcnt, 0)

    for m in range(B // L):
        ones_v[pl.ds(m * L, L)] = z16 + 1.0

    pltpu.sync_copy(zcnt_v, counts.at[pl.ds(s * CPT, CPT)])
    for rbase in range(0, OPT, B):
        rcnt = min(B, OPT - rbase)
        pltpu.sync_copy(rows_v.at[pl.ds(0, rcnt)],
                        outacc.at[pl.ds(s * OPT + rbase, rcnt)])
    plsc.subcore_barrier()

    def _hist(i, carry):
        base = tile_base + i * B
        pltpu.sync_copy(key_hbm.at[pl.ds(base, B)], key_v)
        pltpu.sync_copy(ones_v, counts.at[key_v], add=True)
        return carry
    lax.fori_loop(0, NBATCH, _hist, 0)
    plsc.subcore_barrier()

    half_off = c * KROWS

    def _edges(i, carry):
        base = tile_base + i * B
        pltpu.sync_copy(gidx_hbm.at[pl.ds(base, B)], gidx_v)
        pltpu.sync_copy(fr_hbm.at[pl.ds(base, B)], fr_v)
        pltpu.sync_copy(key_hbm.at[pl.ds(base, B)], key_v)
        for m in range(B // L):
            sl = pl.ds(m * L, L)
            gadj_v[sl] = gidx_v[sl] + half_off
        pltpu.async_copy(fw_hbm.at[gadj_v], rows_v, sem).wait()
        pltpu.sync_copy(counts.at[key_v], cnt_v)
        for m in range(B // L):
            sl = pl.ds(m * L, L)
            vals_v[sl] = 1.0 / cnt_v[sl]

        def _scale(m, cc):
            vchunk = vals_v[pl.ds(m * L, L)]
            for lane in range(L):
                e = m * L + lane
                spl = jnp.full((L,), vchunk[lane])
                for j in range(H // L):
                    sl = pl.ds(j * L, L)
                    rows_v[e, sl] = rows_v[e, sl] * spl
            return cc
        lax.fori_loop(0, B // L, _scale, 0)

        pltpu.sync_copy(rows_v, outacc.at[fr_v], add=True)
        return carry
    lax.fori_loop(0, NBATCH, _edges, 0)
    plsc.subcore_barrier()

    pltpu.sync_copy(outacc.at[pl.ds(s * WPT, WPT)],
                    out_hbm.at[c, pl.ds(s * WPT, WPT)])

    @pl.when(s == 0)
    def _tail():
        pltpu.sync_copy(outacc.at[pl.ds(NT * WPT, WTAIL)],
                        out_hbm.at[c, pl.ds(NT * WPT, WTAIL)])


def _sc_aggregate(fw, gidx, fr, key):
    mesh = plsc.VectorSubcoreMesh(core_axis_name="c", subcore_axis_name="s")
    run = pl.kernel(
        _sc_body,
        out_type=jax.ShapeDtypeStruct((NSC, N, H), jnp.float32),
        mesh=mesh,
        scratch_types=[
            pltpu.VMEM_SHARED((KPAD,), jnp.float32),
            pltpu.VMEM_SHARED((OROWS, H), jnp.float32),
            pltpu.VMEM((B, H), jnp.float32),
            pltpu.VMEM((B,), jnp.int32),
            pltpu.VMEM((B,), jnp.int32),
            pltpu.VMEM((B,), jnp.int32),
            pltpu.VMEM((B,), jnp.float32),
            pltpu.VMEM((B,), jnp.float32),
            pltpu.VMEM((B,), jnp.int32),
            pltpu.VMEM((B,), jnp.float32),
            pltpu.VMEM((CPT,), jnp.float32),
            pltpu.SemaphoreType.DMA,
        ],
    )
    return run(fw, gidx, fr, key)


def kernel(triples, features, weights):
    s = triples[:, 0]
    r = triples[:, 1]
    o = triples[:, 2]
    nodes = jnp.arange(N, dtype=jnp.int32)
    npad = E_PAD - (2 * triples.shape[0] + N)

    gidx = jnp.concatenate([
        r * N + o, (r + 8) * N + s, 16 * N + nodes,
        jnp.zeros((npad,), jnp.int32)])
    key = jnp.concatenate([
        r * N + s, (r + 8) * N + o, 16 * N + nodes,
        jnp.full((npad,), KROWS, jnp.int32)])
    fr = jnp.concatenate([s, o, nodes, jnp.full((npad,), N, jnp.int32)])

    fw = _compute_fw(features, weights).reshape(NSC * KROWS, H)
    out2 = _sc_aggregate(fw, gidx, fr, key)
    return jnp.concatenate([out2[0], out2[1]], axis=1)

# --- scband reference (transcript-rebuilt; emitter-appended) ---
"""Pipeline reference for scband-relational-graph-convolution-lp-78194174591511 (READ-ONLY COPY).

The authoritative reference and input builder live on the scoring server;
editing this copy changes nothing except your own understanding.
"""

import jax, jax.numpy as jnp
import numpy as np

NUM_NODES = 10000
NUM_RELATIONS = 17  # 2*8 (original + inverse) + 1 self-loop
ORIG_RELATIONS = 8
IN_FEATURES = 256
OUT_FEATURES = 256
NUM_TRIPLES = 160000


def setup_inputs(seed: int = 0) -> dict:
    key = jax.random.key(seed)
    k1, k2, k3, kf, kw = jax.random.split(key, 5)
    subj = jax.random.randint(k1, (NUM_TRIPLES,), 0, NUM_NODES, dtype=jnp.int32)
    rel = jax.random.randint(k2, (NUM_TRIPLES,), 0, ORIG_RELATIONS, dtype=jnp.int32)
    obj = jax.random.randint(k3, (NUM_TRIPLES,), 0, NUM_NODES, dtype=jnp.int32)
    triples = jnp.stack([subj, rel, obj], axis=1)
    features = jax.random.normal(kf, (NUM_NODES, IN_FEATURES), dtype=jnp.float32)
    # glorot-normal init for relational weight tensor [R, in, out]
    std = (2.0 / (IN_FEATURES + OUT_FEATURES)) ** 0.5
    weights = std * jax.random.normal(kw, (NUM_RELATIONS, IN_FEATURES, OUT_FEATURES), dtype=jnp.float32)
    return {"triples": triples, "features": features, "weights": weights}


def reference(triples, features, weights):
    n = NUM_NODES
    r = NUM_RELATIONS
    orig = ORIG_RELATIONS
    # generate_inverses: swap subject/object, shift relation id by orig
    inverse = jnp.concatenate([triples[:, 2:3], triples[:, 1:2] + orig, triples[:, 0:1]], axis=1)
    # generate_self_loops (eval mode: keep_prob = 1, keep all)
    nodes = jnp.arange(n, dtype=triples.dtype)
    self_rel = jnp.full((n,), 2 * orig, dtype=triples.dtype)
    self_loops = jnp.stack([nodes, self_rel, nodes], axis=1)
    triples_plus = jnp.concatenate([triples, inverse, self_loops], axis=0)
    # stack_matrices, horizontal stacking: adj is (n, r*n); column index carries relation offset
    fr = triples_plus[:, 0]
    to = triples_plus[:, 1] * n + triples_plus[:, 2]
    k = triples_plus.shape[0]
    vals = jnp.ones((k,), dtype=jnp.float32)
    # sum_sparse with row_normalisation=False -> column sums, gathered back per edge
    col_sums = jnp.zeros((r * n,), dtype=jnp.float32).at[to].add(vals)
    sums = col_sums[to]
    # horizontal stacking reorder: swap sums of original and inverse triples
    t = triples.shape[0]
    i = n
    sums = jnp.concatenate([sums[t:2 * t], sums[:t], sums[-i:]], axis=0)
    vals = vals / sums
    # horizontal stacking with features: fw[r] = features @ weights[r], then spmm(adj, fw)
    fw = jnp.einsum('ni,rio->rno', features, weights).reshape(r * n, OUT_FEATURES)
    out = jnp.zeros((n, OUT_FEATURES), dtype=jnp.float32).at[fr].add(vals[:, None] * fw[to])
    # bias is None (b_init=None)
    return out

if __name__ == "__main__":
    import jax
    _d = setup_inputs()
    print(jax.jit(kernel)(*tuple(_d.values())))

</pallas_src>

<mosaic_0001>
#map = affine_map<(d0, d1) -> (0, 0)>
#map1 = affine_map<(d0, d1) -> (0)>
#map2 = affine_map<(d0, d1) -> (0, 0, 0)>
module attributes {stable_mosaic.version = 14 : i64} {
  func.func @_sc_body(%arg0: i32, %arg1: i32, %arg2: memref<340000x128xf32, #tpu.memory_space<hbm>>, %arg3: memref<331776xi32, #tpu.memory_space<hbm>>, %arg4: memref<331776xi32, #tpu.memory_space<hbm>>, %arg5: memref<331776xi32, #tpu.memory_space<hbm>>, %arg6: memref<2x10000x128xf32, #tpu.memory_space<hbm>>, %arg7: memref<170240xf32, #tpu.memory_space<vmem_shared>>, %arg8: memref<10016x128xf32, #tpu.memory_space<vmem_shared>>, %arg9: memref<128x128xf32, #tpu.memory_space<vmem>>, %arg10: memref<128xi32, #tpu.memory_space<vmem>>, %arg11: memref<128xi32, #tpu.memory_space<vmem>>, %arg12: memref<128xi32, #tpu.memory_space<vmem>>, %arg13: memref<128xf32, #tpu.memory_space<vmem>>, %arg14: memref<128xf32, #tpu.memory_space<vmem>>, %arg15: memref<128xi32, #tpu.memory_space<vmem>>, %arg16: memref<128xf32, #tpu.memory_space<vmem>>, %arg17: memref<10640xf32, #tpu.memory_space<vmem>>, %arg18: memref<!tpu.dma_semaphore, #tpu.memory_space<semaphore_mem>>) attributes {dimension_semantics = [#tpu.dimension_semantics<core_parallel>, #tpu.dimension_semantics<subcore_parallel>], iteration_bounds = array<i64: 2, 16>, scalar_prefetch = 0 : i64, scratch_operands = 12 : i64, tpu.core_type = #tpu.core_type<sc_vector_subcore>, window_params = [{transform_indices = #map}, {transform_indices = #map1}, {transform_indices = #map1}, {transform_indices = #map1}, {transform_indices = #map2}]} {
    %mul3A = arith.constant 20736 : i32
    %mul3A_0 = arith.muli %arg1, %mul3A : i32
    %broadcast_in_dim3A = arith.constant 0.000000e+00 : f32
    %broadcast_in_dim3A_1 = vector.broadcast %broadcast_in_dim3A : f32 to vector<16xf32>
    %scan3A = arith.constant 0 : i32
    %scan3A_2 = arith.constant 0 : i32
    %scan3A_3 = arith.constant 128 : i32
    %scan3A_4 = arith.addi %scan3A_2, %scan3A_3 : i32
    %scan3A_5 = arith.constant 1 : i32
    scf.for %scan3A_111 = %scan3A_2 to %scan3A_4 step %scan3A_5  : i32 {
      %swap3A_112 = arith.index_cast %scan3A_111 : i32 to index
      %swap3A_113 = arith.constant 0 : index
      %swap3A_114 = tpu.vector_load %arg9[%swap3A_112, %swap3A_113] {strides = array<i32>} : memref<128x128xf32, #tpu.memory_space<vmem>>, vector<1x16xf32>,
      %swap3A_115 = vector.shape_cast %swap3A_114 : vector<1x16xf32> to vector<16xf32>
      %swap3A_116 = vector.shape_cast %broadcast_in_dim3A_1 : vector<16xf32> to vector<1x16xf32>
      tpu.vector_store %arg9[%swap3A_112, %swap3A_113], %swap3A_116 {strides = array<i32>} : memref<128x128xf32, #tpu.memory_space<vmem>>, vector<1x16xf32>,
      %swap3A_117 = arith.index_cast %scan3A_111 : i32 to index
      %swap3A_118 = arith.constant 16 : index
      %swap3A_119 = tpu.vector_load %arg9[%swap3A_117, %swap3A_118] {strides = array<i32>} : memref<128x128xf32, #tpu.memory_space<vmem>>, vector<1x16xf32>,
      %swap3A_120 = vector.shape_cast %swap3A_119 : vector<1x16xf32> to vector<16xf32>
      %swap3A_121 = vector.shape_cast %broadcast_in_dim3A_1 : vector<16xf32> to vector<1x16xf32>
      tpu.vector_store %arg9[%swap3A_117, %swap3A_118], %swap3A_121 {strides = array<i32>} : memref<128x128xf32, #tpu.memory_space<vmem>>, vector<1x16xf32>,
      %swap3A_122 = arith.index_cast %scan3A_111 : i32 to index
      %swap3A_123 = arith.constant 32 : index
      %swap3A_124 = tpu.vector_load %arg9[%swap3A_122, %swap3A_123] {strides = array<i32>} : memref<128x128xf32, #tpu.memory_space<vmem>>, vector<1x16xf32>,
      %swap3A_125 = vector.shape_cast %swap3A_124 : vector<1x16xf32> to vector<16xf32>
      %swap3A_126 = vector.shape_cast %broadcast_in_dim3A_1 : vector<16xf32> to vector<1x16xf32>
      tpu.vector_store %arg9[%swap3A_122, %swap3A_123], %swap3A_126 {strides = array<i32>} : memref<128x128xf32, #tpu.memory_space<vmem>>, vector<1x16xf32>,
      %swap3A_127 = arith.index_cast %scan3A_111 : i32 to index
      %swap3A_128 = arith.constant 48 : index
      %swap3A_129 = tpu.vector_load %arg9[%swap3A_127, %swap3A_128] {strides = array<i32>} : memref<128x128xf32, #tpu.memory_space<vmem>>, vector<1x16xf32>,
      %swap3A_130 = vector.shape_cast %swap3A_129 : vector<1x16xf32> to vector<16xf32>
      %swap3A_131 = vector.shape_cast %broadcast_in_dim3A_1 : vector<16xf32> to vector<1x16xf32>
      tpu.vector_store %arg9[%swap3A_127, %swap3A_128], %swap3A_131 {strides = array<i32>} : memref<128x128xf32, #tpu.memory_space<vmem>>, vector<1x16xf32>,
      %swap3A_132 = arith.index_cast %scan3A_111 : i32 to index
      %swap3A_133 = arith.constant 64 : index
      %swap3A_134 = tpu.vector_load %arg9[%swap3A_132, %swap3A_133] {strides = array<i32>} : memref<128x128xf32, #tpu.memory_space<vmem>>, vector<1x16xf32>,
      %swap3A_135 = vector.shape_cast %swap3A_134 : vector<1x16xf32> to vector<16xf32>
      %swap3A_136 = vector.shape_cast %broadcast_in_dim3A_1 : vector<16xf32> to vector<1x16xf32>
      tpu.vector_store %arg9[%swap3A_132, %swap3A_133], %swap3A_136 {strides = array<i32>} : memref<128x128xf32, #tpu.memory_space<vmem>>, vector<1x16xf32>,
      %swap3A_137 = arith.index_cast %scan3A_111 : i32 to index
      %swap3A_138 = arith.constant 80 : index
      %swap3A_139 = tpu.vector_load %arg9[%swap3A_137, %swap3A_138] {strides = array<i32>} : memref<128x128xf32, #tpu.memory_space<vmem>>, vector<1x16xf32>,
      %swap3A_140 = vector.shape_cast %swap3A_139 : vector<1x16xf32> to vector<16xf32>
      %swap3A_141 = vector.shape_cast %broadcast_in_dim3A_1 : vector<16xf32> to vector<1x16xf32>
      tpu.vector_store %arg9[%swap3A_137, %swap3A_138], %swap3A_141 {strides = array<i32>} : memref<128x128xf32, #tpu.memory_space<vmem>>, vector<1x16xf32>,
      %swap3A_142 = arith.index_cast %scan3A_111 : i32 to index
      %swap3A_143 = arith.constant 96 : index
      %swap3A_144 = tpu.vector_load %arg9[%swap3A_142, %swap3A_143] {strides = array<i32>} : memref<128x128xf32, #tpu.memory_space<vmem>>, vector<1x16xf32>,
      %swap3A_145 = vector.shape_cast %swap3A_144 : vector<1x16xf32> to vector<16xf32>
      %swap3A_146 = vector.shape_cast %broadcast_in_dim3A_1 : vector<16xf32> to vector<1x16xf32>
      tpu.vector_store %arg9[%swap3A_142, %swap3A_143], %swap3A_146 {strides = array<i32>} : memref<128x128xf32, #tpu.memory_space<vmem>>, vector<1x16xf32>,
      %swap3A_147 = arith.index_cast %scan3A_111 : i32 to index
      %swap3A_148 = arith.constant 112 : index
      %swap3A_149 = tpu.vector_load %arg9[%swap3A_147, %swap3A_148] {strides = array<i32>} : memref<128x128xf32, #tpu.memory_space<vmem>>, vector<1x16xf32>,
      %swap3A_150 = vector.shape_cast %swap3A_149 : vector<1x16xf32> to vector<16xf32>
      %swap3A_151 = vector.shape_cast %broadcast_in_dim3A_1 : vector<16xf32> to vector<1x16xf32>
      tpu.vector_store %arg9[%swap3A_147, %swap3A_148], %swap3A_151 {strides = array<i32>} : memref<128x128xf32, #tpu.memory_space<vmem>>, vector<1x16xf32>,
    }
    %scan3A_6 = arith.constant 128 : i32
    %scan3A_7 = arith.constant 0 : i32
    %scan3A_8 = arith.constant 0 : i32
    %scan3A_9 = arith.constant 665 : i32
    %scan3A_10 = arith.addi %scan3A_8, %scan3A_9 : i32
    %scan3A_11 = arith.constant 1 : i32
    scf.for %scan3A_111 = %scan3A_8 to %scan3A_10 step %scan3A_11  : i32 {
      %mul3A_112 = arith.constant 16 : i32
      %mul3A_113 = arith.muli %scan3A_111, %mul3A_112 : i32
      %swap3A_114 = arith.index_cast %mul3A_113 : i32 to index
      %swap3A_115 = tpu.vector_load %arg17[%swap3A_114] {strides = array<i32>} : memref<10640xf32, #tpu.memory_space<vmem>>, vector<16xf32>,
      %swap3A_116 = vector.shape_cast %swap3A_115 : vector<16xf32> to vector<16xf32>
      %swap3A_117 = vector.shape_cast %broadcast_in_dim3A_1 : vector<16xf32> to vector<16xf32>
      tpu.vector_store %arg17[%swap3A_114], %swap3A_117 {strides = array<i32>} : memref<10640xf32, #tpu.memory_space<vmem>>, vector<16xf32>,
    }
    %scan3A_12 = arith.constant 665 : i32
    %add3A = arith.constant 1.000000e+00 : f32
    %add3A_13 = vector.broadcast %add3A : f32 to vector<16xf32>
    %add3A_14 = arith.addf %broadcast_in_dim3A_1, %add3A_13 : vector<16xf32>
    %swap3A = arith.constant 0 : index
    %swap3A_15 = tpu.vector_load %arg16[%swap3A] {strides = array<i32>} : memref<128xf32, #tpu.memory_space<vmem>>, vector<16xf32>,
    %swap3A_16 = vector.shape_cast %swap3A_15 : vector<16xf32> to vector<16xf32>
    %swap3A_17 = vector.shape_cast %add3A_14 : vector<16xf32> to vector<16xf32>
    tpu.vector_store %arg16[%swap3A], %swap3A_17 {strides = array<i32>} : memref<128xf32, #tpu.memory_space<vmem>>, vector<16xf32>,
    %add3A_18 = arith.constant 1.000000e+00 : f32
    %add3A_19 = vector.broadcast %add3A_18 : f32 to vector<16xf32>
    %add3A_20 = arith.addf %broadcast_in_dim3A_1, %add3A_19 : vector<16xf32>
    %swap3A_21 = arith.constant 16 : index
    %swap3A_22 = tpu.vector_load %arg16[%swap3A_21] {strides = array<i32>} : memref<128xf32, #tpu.memory_space<vmem>>, vector<16xf32>,
    %swap3A_23 = vector.shape_cast %swap3A_22 : vector<16xf32> to vector<16xf32>
    %swap3A_24 = vector.shape_cast %add3A_20 : vector<16xf32> to vector<16xf32>
    tpu.vector_store %arg16[%swap3A_21], %swap3A_24 {strides = array<i32>} : memref<128xf32, #tpu.memory_space<vmem>>, vector<16xf32>,
    %add3A_25 = arith.constant 1.000000e+00 : f32
    %add3A_26 = vector.broadcast %add3A_25 : f32 to vector<16xf32>
    %add3A_27 = arith.addf %broadcast_in_dim3A_1, %add3A_26 : vector<16xf32>
    %swap3A_28 = arith.constant 32 : index
    %swap3A_29 = tpu.vector_load %arg16[%swap3A_28] {strides = array<i32>} : memref<128xf32, #tpu.memory_space<vmem>>, vector<16xf32>,
    %swap3A_30 = vector.shape_cast %swap3A_29 : vector<16xf32> to vector<16xf32>
    %swap3A_31 = vector.shape_cast %add3A_27 : vector<16xf32> to vector<16xf32>
    tpu.vector_store %arg16[%swap3A_28], %swap3A_31 {strides = array<i32>} : memref<128xf32, #tpu.memory_space<vmem>>, vector<16xf32>,
    %add3A_32 = arith.constant 1.000000e+00 : f32
    %add3A_33 = vector.broadcast %add3A_32 : f32 to vector<16xf32>
    %add3A_34 = arith.addf %broadcast_in_dim3A_1, %add3A_33 : vector<16xf32>
    %swap3A_35 = arith.constant 48 : index
    %swap3A_36 = tpu.vector_load %arg16[%swap3A_35] {strides = array<i32>} : memref<128xf32, #tpu.memory_space<vmem>>, vector<16xf32>,
    %swap3A_37 = vector.shape_cast %swap3A_36 : vector<16xf32> to vector<16xf32>
    %swap3A_38 = vector.shape_cast %add3A_34 : vector<16xf32> to vector<16xf32>
    tpu.vector_store %arg16[%swap3A_35], %swap3A_38 {strides = array<i32>} : memref<128xf32, #tpu.memory_space<vmem>>, vector<16xf32>,
    %add3A_39 = arith.constant 1.000000e+00 : f32
    %add3A_40 = vector.broadcast %add3A_39 : f32 to vector<16xf32>
    %add3A_41 = arith.addf %broadcast_in_dim3A_1, %add3A_40 : vector<16xf32>
    %swap3A_42 = arith.constant 64 : index
    %swap3A_43 = tpu.vector_load %arg16[%swap3A_42] {strides = array<i32>} : memref<128xf32, #tpu.memory_space<vmem>>, vector<16xf32>,
    %swap3A_44 = vector.shape_cast %swap3A_43 : vector<16xf32> to vector<16xf32>
    %swap3A_45 = vector.shape_cast %add3A_41 : vector<16xf32> to vector<16xf32>
    tpu.vector_store %arg16[%swap3A_42], %swap3A_45 {strides = array<i32>} : memref<128xf32, #tpu.memory_space<vmem>>, vector<16xf32>,
    %add3A_46 = arith.constant 1.000000e+00 : f32
    %add3A_47 = vector.broadcast %add3A_46 : f32 to vector<16xf32>
    %add3A_48 = arith.addf %broadcast_in_dim3A_1, %add3A_47 : vector<16xf32>
    %swap3A_49 = arith.constant 80 : index
    %swap3A_50 = tpu.vector_load %arg16[%swap3A_49] {strides = array<i32>} : memref<128xf32, #tpu.memory_space<vmem>>, vector<16xf32>,
    %swap3A_51 = vector.shape_cast %swap3A_50 : vector<16xf32> to vector<16xf32>
    %swap3A_52 = vector.shape_cast %add3A_48 : vector<16xf32> to vector<16xf32>
    tpu.vector_store %arg16[%swap3A_49], %swap3A_52 {strides = array<i32>} : memref<128xf32, #tpu.memory_space<vmem>>, vector<16xf32>,
    %add3A_53 = arith.constant 1.000000e+00 : f32
    %add3A_54 = vector.broadcast %add3A_53 : f32 to vector<16xf32>
    %add3A_55 = arith.addf %broadcast_in_dim3A_1, %add3A_54 : vector<16xf32>
    %swap3A_56 = arith.constant 96 : index
    %swap3A_57 = tpu.vector_load %arg16[%swap3A_56] {strides = array<i32>} : memref<128xf32, #tpu.memory_space<vmem>>, vector<16xf32>,
    %swap3A_58 = vector.shape_cast %swap3A_57 : vector<16xf32> to vector<16xf32>
    %swap3A_59 = vector.shape_cast %add3A_55 : vector<16xf32> to vector<16xf32>
    tpu.vector_store %arg16[%swap3A_56], %swap3A_59 {strides = array<i32>} : memref<128xf32, #tpu.memory_space<vmem>>, vector<16xf32>,
    %add3A_60 = arith.constant 1.000000e+00 : f32
    %add3A_61 = vector.broadcast %add3A_60 : f32 to vector<16xf32>
    %add3A_62 = arith.addf %broadcast_in_dim3A_1, %add3A_61 : vector<16xf32>
    %swap3A_63 = arith.constant 112 : index
    %swap3A_64 = tpu.vector_load %arg16[%swap3A_63] {strides = array<i32>} : memref<128xf32, #tpu.memory_space<vmem>>, vector<16xf32>,
    %swap3A_65 = vector.shape_cast %swap3A_64 : vector<16xf32> to vector<16xf32>
    %swap3A_66 = vector.shape_cast %add3A_62 : vector<16xf32> to vector<16xf32>
    tpu.vector_store %arg16[%swap3A_63], %swap3A_66 {strides = array<i32>} : memref<128xf32, #tpu.memory_space<vmem>>, vector<16xf32>,
    %mul3A_67 = arith.constant 10640 : i32
    %mul3A_68 = arith.muli %arg1, %mul3A_67 : i32
    "tpu.region"() ({
      %run_scoped3A = tpu.sem_alloc : memref<!tpu.dma_semaphore, #tpu.memory_space<semaphore_mem>>
      %dma_start3A = tpu.memref_slice %arg7[%mul3A_68] : memref<170240xf32, #tpu.memory_space<vmem_shared>> -> memref<10640xf32, #tpu.memory_space<vmem_shared>>
      %dma_start3A_111 = tpu.memref_slice %arg7[%mul3A_68] : memref<170240xf32, #tpu.memory_space<vmem_shared>> -> memref<10640xf32, #tpu.memory_space<vmem_shared>>
      tpu.enqueue_dma source(%arg17 : memref<10640xf32, #tpu.memory_space<vmem>>) target(%dma_start3A_111 : memref<10640xf32, #tpu.memory_space<vmem_shared>>) target_semaphore(%run_scoped3A : memref<!tpu.dma_semaphore, #tpu.memory_space<semaphore_mem>>)
      %dma_wait3A = tpu.memref_slice %arg7[%mul3A_68] : memref<170240xf32, #tpu.memory_space<vmem_shared>> -> memref<10640xf32, #tpu.memory_space<vmem_shared>>
      %dma_wait3A_112 = tpu.memref_slice %arg7[%mul3A_68] : memref<170240xf32, #tpu.memory_space<vmem_shared>> -> memref<10640xf32, #tpu.memory_space<vmem_shared>>
      tpu.wait_dma2 semaphore(%run_scoped3A : memref<!tpu.dma_semaphore, #tpu.memory_space<semaphore_mem>>) src(%arg17 : memref<10640xf32, #tpu.memory_space<vmem>>) dst(%dma_wait3A_112 : memref<10640xf32, #tpu.memory_space<vmem_shared>>)
      tpu.yield
    }) : () -> ()
    %mul3A_69 = arith.constant 626 : i32
    %mul3A_70 = arith.muli %arg1, %mul3A_69 : i32
    %add3A_71 = arith.constant 0 : i32
    %add3A_72 = arith.addi %mul3A_70, %add3A_71 : i32
    "tpu.region"() ({
      %run_scoped3A = tpu.sem_alloc : memref<!tpu.dma_semaphore, #tpu.memory_space<semaphore_mem>>
      %dma_start3A = arith.constant 0 : i32
      %dma_start3A_111 = arith.constant 0 : i32
      %dma_start3A_112 = tpu.memref_slice %arg9[%dma_start3A, %dma_start3A_111] : memref<128x128xf32, #tpu.memory_space<vmem>> -> memref<128x128xf32, #tpu.memory_space<vmem>>
      %dma_start3A_113 = arith.constant 0 : i32
      %dma_start3A_114 = tpu.memref_slice %arg8[%add3A_72, %dma_start3A_113] : memref<10016x128xf32, #tpu.memory_space<vmem_shared>> -> memref<128x128xf32, #tpu.memory_space<vmem_shared>>
      %dma_start3A_115 = arith.constant 0 : i32
      %dma_start3A_116 = tpu.memref_slice %arg8[%add3A_72, %dma_start3A_115] : memref<10016x128xf32, #tpu.memory_space<vmem_shared>> -> memref<128x128xf32, #tpu.memory_space<vmem_shared>>
      %dma_start3A_117 = arith.constant 0 : i32
      %dma_start3A_118 = arith.constant 0 : i32
      %dma_start3A_119 = tpu.memref_slice %arg9[%dma_start3A_117, %dma_start3A_118] : memref<128x128xf32, #tpu.memory_space<vmem>> -> memref<128x128xf32, #tpu.memory_space<vmem>>
      tpu.enqueue_dma source(%dma_start3A_119 : memref<128x128xf32, #tpu.memory_space<vmem>>) target(%dma_start3A_116 : memref<128x128xf32, #tpu.memory_space<vmem_shared>>) target_semaphore(%run_scoped3A : memref<!tpu.dma_semaphore, #tpu.memory_space<semaphore_mem>>)
      %dma_wait3A = arith.constant 0 : i32
      %dma_wait3A_120 = arith.constant 0 : i32
      %dma_wait3A_121 = tpu.memref_slice %arg9[%dma_wait3A, %dma_wait3A_120] : memref<128x128xf32, #tpu.memory_space<vmem>> -> memref<128x128xf32, #tpu.memory_space<vmem>>
      %dma_wait3A_122 = arith.constant 0 : i32
      %dma_wait3A_123 = tpu.memref_slice %arg8[%add3A_72, %dma_wait3A_122] : memref<10016x128xf32, #tpu.memory_space<vmem_shared>> -> memref<128x128xf32, #tpu.memory_space<vmem_shared>>
      %dma_wait3A_124 = arith.constant 0 : i32
      %dma_wait3A_125 = tpu.memref_slice %arg8[%add3A_72, %dma_wait3A_124] : memref<10016x128xf32, #tpu.memory_space<vmem_shared>> -> memref<128x128xf32, #tpu.memory_space<vmem_shared>>
      %dma_wait3A_126 = arith.constant 0 : i32
      %dma_wait3A_127 = arith.constant 0 : i32
      %dma_wait3A_128 = tpu.memref_slice %arg9[%dma_wait3A_126, %dma_wait3A_127] : memref<128x128xf32, #tpu.memory_space<vmem>> -> memref<128x128xf32, #tpu.memory_space<vmem>>
      tpu.wait_dma2 semaphore(%run_scoped3A : memref<!tpu.dma_semaphore, #tpu.memory_space<semaphore_mem>>) src(%dma_wait3A_128 : memref<128x128xf32, #tpu.memory_space<vmem>>) dst(%dma_wait3A_125 : memref<128x128xf32, #tpu.memory_space<vmem_shared>>)
      tpu.yield
    }) : () -> ()
    %mul3A_73 = arith.constant 626 : i32
    %mul3A_74 = arith.muli %arg1, %mul3A_73 : i32
    %add3A_75 = arith.constant 128 : i32
    %add3A_76 = arith.addi %mul3A_74, %add3A_75 : i32
    "tpu.region"() ({
      %run_scoped3A = tpu.sem_alloc : memref<!tpu.dma_semaphore, #tpu.memory_space<semaphore_mem>>
      %dma_start3A = arith.constant 0 : i32
      %dma_start3A_111 = arith.constant 0 : i32
      %dma_start3A_112 = tpu.memref_slice %arg9[%dma_start3A, %dma_start3A_111] : memref<128x128xf32, #tpu.memory_space<vmem>> -> memref<128x128xf32, #tpu.memory_space<vmem>>
      %dma_start3A_113 = arith.constant 0 : i32
      %dma_start3A_114 = tpu.memref_slice %arg8[%add3A_76, %dma_start3A_113] : memref<10016x128xf32, #tpu.memory_space<vmem_shared>> -> memref<128x128xf32, #tpu.memory_space<vmem_shared>>
      %dma_start3A_115 = arith.constant 0 : i32
      %dma_start3A_116 = tpu.memref_slice %arg8[%add3A_76, %dma_start3A_115] : memref<10016x128xf32, #tpu.memory_space<vmem_shared>> -> memref<128x128xf32, #tpu.memory_space<vmem_shared>>
      %dma_start3A_117 = arith.constant 0 : i32
      %dma_start3A_118 = arith.constant 0 : i32
      %dma_start3A_119 = tpu.memref_slice %arg9[%dma_start3A_117, %dma_start3A_118] : memref<128x128xf32, #tpu.memory_space<vmem>> -> memref<128x128xf32, #tpu.memory_space<vmem>>
      tpu.enqueue_dma source(%dma_start3A_119 : memref<128x128xf32, #tpu.memory_space<vmem>>) target(%dma_start3A_116 : memref<128x128xf32, #tpu.memory_space<vmem_shared>>) target_semaphore(%run_scoped3A : memref<!tpu.dma_semaphore, #tpu.memory_space<semaphore_mem>>)
      %dma_wait3A = arith.constant 0 : i32
      %dma_wait3A_120 = arith.constant 0 : i32
      %dma_wait3A_121 = tpu.memref_slice %arg9[%dma_wait3A, %dma_wait3A_120] : memref<128x128xf32, #tpu.memory_space<vmem>> -> memref<128x128xf32, #tpu.memory_space<vmem>>
      %dma_wait3A_122 = arith.constant 0 : i32
      %dma_wait3A_123 = tpu.memref_slice %arg8[%add3A_76, %dma_wait3A_122] : memref<10016x128xf32, #tpu.memory_space<vmem_shared>> -> memref<128x128xf32, #tpu.memory_space<vmem_shared>>
      %dma_wait3A_124 = arith.constant 0 : i32
      %dma_wait3A_125 = tpu.memref_slice %arg8[%add3A_76, %dma_wait3A_124] : memref<10016x128xf32, #tpu.memory_space<vmem_shared>> -> memref<128x128xf32, #tpu.memory_space<vmem_shared>>
      %dma_wait3A_126 = arith.constant 0 : i32
      %dma_wait3A_127 = arith.constant 0 : i32
      %dma_wait3A_128 = tpu.memref_slice %arg9[%dma_wait3A_126, %dma_wait3A_127] : memref<128x128xf32, #tpu.memory_space<vmem>> -> memref<128x128xf32, #tpu.memory_space<vmem>>
      tpu.wait_dma2 semaphore(%run_scoped3A : memref<!tpu.dma_semaphore, #tpu.memory_space<semaphore_mem>>) src(%dma_wait3A_128 : memref<128x128xf32, #tpu.memory_space<vmem>>) dst(%dma_wait3A_125 : memref<128x128xf32, #tpu.memory_space<vmem_shared>>)
      tpu.yield
    }) : () -> ()
    %mul3A_77 = arith.constant 626 : i32
    %mul3A_78 = arith.muli %arg1, %mul3A_77 : i32
    %add3A_79 = arith.constant 256 : i32
    %add3A_80 = arith.addi %mul3A_78, %add3A_79 : i32
    "tpu.region"() ({
      %run_scoped3A = tpu.sem_alloc : memref<!tpu.dma_semaphore, #tpu.memory_space<semaphore_mem>>
      %dma_start3A = arith.constant 0 : i32
      %dma_start3A_111 = arith.constant 0 : i32
      %dma_start3A_112 = tpu.memref_slice %arg9[%dma_start3A, %dma_start3A_111] : memref<128x128xf32, #tpu.memory_space<vmem>> -> memref<128x128xf32, #tpu.memory_space<vmem>>
      %dma_start3A_113 = arith.constant 0 : i32
      %dma_start3A_114 = tpu.memref_slice %arg8[%add3A_80, %dma_start3A_113] : memref<10016x128xf32, #tpu.memory_space<vmem_shared>> -> memref<128x128xf32, #tpu.memory_space<vmem_shared>>
      %dma_start3A_115 = arith.constant 0 : i32
      %dma_start3A_116 = tpu.memref_slice %arg8[%add3A_80, %dma_start3A_115] : memref<10016x128xf32, #tpu.memory_space<vmem_shared>> -> memref<128x128xf32, #tpu.memory_space<vmem_shared>>
      %dma_start3A_117 = arith.constant 0 : i32
      %dma_start3A_118 = arith.constant 0 : i32
      %dma_start3A_119 = tpu.memref_slice %arg9[%dma_start3A_117, %dma_start3A_118] : memref<128x128xf32, #tpu.memory_space<vmem>> -> memref<128x128xf32, #tpu.memory_space<vmem>>
      tpu.enqueue_dma source(%dma_start3A_119 : memref<128x128xf32, #tpu.memory_space<vmem>>) target(%dma_start3A_116 : memref<128x128xf32, #tpu.memory_space<vmem_shared>>) target_semaphore(%run_scoped3A : memref<!tpu.dma_semaphore, #tpu.memory_space<semaphore_mem>>)
      %dma_wait3A = arith.constant 0 : i32
      %dma_wait3A_120 = arith.constant 0 : i32
      %dma_wait3A_121 = tpu.memref_slice %arg9[%dma_wait3A, %dma_wait3A_120] : memref<128x128xf32, #tpu.memory_space<vmem>> -> memref<128x128xf32, #tpu.memory_space<vmem>>
      %dma_wait3A_122 = arith.constant 0 : i32
      %dma_wait3A_123 = tpu.memref_slice %arg8[%add3A_80, %dma_wait3A_122] : memref<10016x128xf32, #tpu.memory_space<vmem_shared>> -> memref<128x128xf32, #tpu.memory_space<vmem_shared>>
      %dma_wait3A_124 = arith.constant 0 : i32
      %dma_wait3A_125 = tpu.memref_slice %arg8[%add3A_80, %dma_wait3A_124] : memref<10016x128xf32, #tpu.memory_space<vmem_shared>> -> memref<128x128xf32, #tpu.memory_space<vmem_shared>>
      %dma_wait3A_126 = arith.constant 0 : i32
      %dma_wait3A_127 = arith.constant 0 : i32
      %dma_wait3A_128 = tpu.memref_slice %arg9[%dma_wait3A_126, %dma_wait3A_127] : memref<128x128xf32, #tpu.memory_space<vmem>> -> memref<128x128xf32, #tpu.memory_space<vmem>>
      tpu.wait_dma2 semaphore(%run_scoped3A : memref<!tpu.dma_semaphore, #tpu.memory_space<semaphore_mem>>) src(%dma_wait3A_128 : memref<128x128xf32, #tpu.memory_space<vmem>>) dst(%dma_wait3A_125 : memref<128x128xf32, #tpu.memory_space<vmem_shared>>)
      tpu.yield
    }) : () -> ()
    %mul3A_81 = arith.constant 626 : i32
    %mul3A_82 = arith.muli %arg1, %mul3A_81 : i32
    %add3A_83 = arith.constant 384 : i32
    %add3A_84 = arith.addi %mul3A_82, %add3A_83 : i32
    "tpu.region"() ({
      %run_scoped3A = tpu.sem_alloc : memref<!tpu.dma_semaphore, #tpu.memory_space<semaphore_mem>>
      %dma_start3A = arith.constant 0 : i32
      %dma_start3A_111 = arith.constant 0 : i32
      %dma_start3A_112 = tpu.memref_slice %arg9[%dma_start3A, %dma_start3A_111] : memref<128x128xf32, #tpu.memory_space<vmem>> -> memref<128x128xf32, #tpu.memory_space<vmem>>
      %dma_start3A_113 = arith.constant 0 : i32
      %dma_start3A_114 = tpu.memref_slice %arg8[%add3A_84, %dma_start3A_113] : memref<10016x128xf32, #tpu.memory_space<vmem_shared>> -> memref<128x128xf32, #tpu.memory_space<vmem_shared>>
      %dma_start3A_115 = arith.constant 0 : i32
      %dma_start3A_116 = tpu.memref_slice %arg8[%add3A_84, %dma_start3A_115] : memref<10016x128xf32, #tpu.memory_space<vmem_shared>> -> memref<128x128xf32, #tpu.memory_space<vmem_shared>>
      %dma_start3A_117 = arith.constant 0 : i32
      %dma_start3A_118 = arith.constant 0 : i32
      %dma_start3A_119 = tpu.memref_slice %arg9[%dma_start3A_117, %dma_start3A_118] : memref<128x128xf32, #tpu.memory_space<vmem>> -> memref<128x128xf32, #tpu.memory_space<vmem>>
      tpu.enqueue_dma source(%dma_start3A_119 : memref<128x128xf32, #tpu.memory_space<vmem>>) target(%dma_start3A_116 : memref<128x128xf32, #tpu.memory_space<vmem_shared>>) target_semaphore(%run_scoped3A : memref<!tpu.dma_semaphore, #tpu.memory_space<semaphore_mem>>)
      %dma_wait3A = arith.constant 0 : i32
      %dma_wait3A_120 = arith.constant 0 : i32
      %dma_wait3A_121 = tpu.memref_slice %arg9[%dma_wait3A, %dma_wait3A_120] : memref<128x128xf32, #tpu.memory_space<vmem>> -> memref<128x128xf32, #tpu.memory_space<vmem>>
      %dma_wait3A_122 = arith.constant 0 : i32
      %dma_wait3A_123 = tpu.memref_slice %arg8[%add3A_84, %dma_wait3A_122] : memref<10016x128xf32, #tpu.memory_space<vmem_shared>> -> memref<128x128xf32, #tpu.memory_space<vmem_shared>>
      %dma_wait3A_124 = arith.constant 0 : i32
      %dma_wait3A_125 = tpu.memref_slice %arg8[%add3A_84, %dma_wait3A_124] : memref<10016x128xf32, #tpu.memory_space<vmem_shared>> -> memref<128x128xf32, #tpu.memory_space<vmem_shared>>
      %dma_wait3A_126 = arith.constant 0 : i32
      %dma_wait3A_127 = arith.constant 0 : i32
      %dma_wait3A_128 = tpu.memref_slice %arg9[%dma_wait3A_126, %dma_wait3A_127] : memref<128x128xf32, #tpu.memory_space<vmem>> -> memref<128x128xf32, #tpu.memory_space<vmem>>
      tpu.wait_dma2 semaphore(%run_scoped3A : memref<!tpu.dma_semaphore, #tpu.memory_space<semaphore_mem>>) src(%dma_wait3A_128 : memref<128x128xf32, #tpu.memory_space<vmem>>) dst(%dma_wait3A_125 : memref<128x128xf32, #tpu.memory_space<vmem_shared>>)
      tpu.yield
    }) : () -> ()
    %mul3A_85 = arith.constant 626 : i32
    %mul3A_86 = arith.muli %arg1, %mul3A_85 : i32
    %add3A_87 = arith.constant 512 : i32
    %add3A_88 = arith.addi %mul3A_86, %add3A_87 : i32
    "tpu.region"() ({
      %run_scoped3A = tpu.sem_alloc : memref<!tpu.dma_semaphore, #tpu.memory_space<semaphore_mem>>
      %dma_start3A = arith.constant 0 : i32
      %dma_start3A_111 = arith.constant 0 : i32
      %dma_start3A_112 = tpu.memref_slice %arg9[%dma_start3A, %dma_start3A_111] : memref<128x128xf32, #tpu.memory_space<vmem>> -> memref<114x128xf32, #tpu.memory_space<vmem>>
      %dma_start3A_113 = arith.constant 0 : i32
      %dma_start3A_114 = tpu.memref_slice %arg8[%add3A_88, %dma_start3A_113] : memref<10016x128xf32, #tpu.memory_space<vmem_shared>> -> memref<114x128xf32, #tpu.memory_space<vmem_shared>>
      %dma_start3A_115 = arith.constant 0 : i32
      %dma_start3A_116 = tpu.memref_slice %arg8[%add3A_88, %dma_start3A_115] : memref<10016x128xf32, #tpu.memory_space<vmem_shared>> -> memref<114x128xf32, #tpu.memory_space<vmem_shared>>
      %dma_start3A_117 = arith.constant 0 : i32
      %dma_start3A_118 = arith.constant 0 : i32
      %dma_start3A_119 = tpu.memref_slice %arg9[%dma_start3A_117, %dma_start3A_118] : memref<128x128xf32, #tpu.memory_space<vmem>> -> memref<114x128xf32, #tpu.memory_space<vmem>>
      tpu.enqueue_dma source(%dma_start3A_119 : memref<114x128xf32, #tpu.memory_space<vmem>>) target(%dma_start3A_116 : memref<114x128xf32, #tpu.memory_space<vmem_shared>>) target_semaphore(%run_scoped3A : memref<!tpu.dma_semaphore, #tpu.memory_space<semaphore_mem>>)
      %dma_wait3A = arith.constant 0 : i32
      %dma_wait3A_120 = arith.constant 0 : i32
      %dma_wait3A_121 = tpu.memref_slice %arg9[%dma_wait3A, %dma_wait3A_120] : memref<128x128xf32, #tpu.memory_space<vmem>> -> memref<114x128xf32, #tpu.memory_space<vmem>>
      %dma_wait3A_122 = arith.constant 0 : i32
      %dma_wait3A_123 = tpu.memref_slice %arg8[%add3A_88, %dma_wait3A_122] : memref<10016x128xf32, #tpu.memory_space<vmem_shared>> -> memref<114x128xf32, #tpu.memory_space<vmem_shared>>
      %dma_wait3A_124 = arith.constant 0 : i32
      %dma_wait3A_125 = tpu.memref_slice %arg8[%add3A_88, %dma_wait3A_124] : memref<10016x128xf32, #tpu.memory_space<vmem_shared>> -> memref<114x128xf32, #tpu.memory_space<vmem_shared>>
      %dma_wait3A_126 = arith.constant 0 : i32
      %dma_wait3A_127 = arith.constant 0 : i32
      %dma_wait3A_128 = tpu.memref_slice %arg9[%dma_wait3A_126, %dma_wait3A_127] : memref<128x128xf32, #tpu.memory_space<vmem>> -> memref<114x128xf32, #tpu.memory_space<vmem>>
      tpu.wait_dma2 semaphore(%run_scoped3A : memref<!tpu.dma_semaphore, #tpu.memory_space<semaphore_mem>>) src(%dma_wait3A_128 : memref<114x128xf32, #tpu.memory_space<vmem>>) dst(%dma_wait3A_125 : memref<114x128xf32, #tpu.memory_space<vmem_shared>>)
      tpu.yield
    }) : () -> ()
    %barrier3A = arith.constant 0 : index
    tpu.barrier barrier_id(%barrier3A)
    %scan3A_89 = arith.constant 0 : i32
    %scan3A_90 = arith.constant 0 : i32
    %scan3A_91 = arith.constant 162 : i32
    %scan3A_92 = arith.addi %scan3A_90, %scan3A_91 : i32
    %scan3A_93 = arith.constant 1 : i32
    scf.for %scan3A_111 = %scan3A_90 to %scan3A_92 step %scan3A_93  : i32 {
      %mul3A_112 = arith.constant 128 : i32
      %mul3A_113 = arith.muli %scan3A_111, %mul3A_112 : i32
      %add3A_114 = arith.addi %mul3A_0, %mul3A_113 : i32
      "tpu.region"() ({
        %run_scoped3A = tpu.sem_alloc : memref<!tpu.dma_semaphore, #tpu.memory_space<semaphore_mem>>
        %dma_start3A = tpu.memref_slice %arg5[%add3A_114] : memref<331776xi32, #tpu.memory_space<hbm>> -> memref<128xi32, #tpu.memory_space<hbm>>
        %dma_start3A_115 = tpu.memref_slice %arg5[%add3A_114] : memref<331776xi32, #tpu.memory_space<hbm>> -> memref<128xi32, #tpu.memory_space<hbm>>
        tpu.enqueue_dma source(%dma_start3A_115 : memref<128xi32, #tpu.memory_space<hbm>>) target(%arg12 : memref<128xi32, #tpu.memory_space<vmem>>) target_semaphore(%run_scoped3A : memref<!tpu.dma_semaphore, #tpu.memory_space<semaphore_mem>>)
        %dma_wait3A = tpu.memref_slice %arg5[%add3A_114] : memref<331776xi32, #tpu.memory_space<hbm>> -> memref<128xi32, #tpu.memory_space<hbm>>
        %dma_wait3A_116 = tpu.memref_slice %arg5[%add3A_114] : memref<331776xi32, #tpu.memory_space<hbm>> -> memref<128xi32, #tpu.memory_space<hbm>>
        tpu.wait_dma2 semaphore(%run_scoped3A : memref<!tpu.dma_semaphore, #tpu.memory_space<semaphore_mem>>) src(%dma_wait3A_116 : memref<128xi32, #tpu.memory_space<hbm>>) dst(%arg12 : memref<128xi32, #tpu.memory_space<vmem>>)
        tpu.yield
      }) : () -> ()
      "tpu.region"() ({
        %run_scoped3A = tpu.sem_alloc : memref<!tpu.dma_semaphore, #tpu.memory_space<semaphore_mem>>
        %dma_start3A = arith.constant 0 : i32
        %dma_start3A_115 = tpu.memref_slice %arg7[%dma_start3A] : memref<170240xf32, #tpu.memory_space<vmem_shared>> -> memref<170240xf32, #tpu.memory_space<vmem_shared>>
        tpu.enqueue_indirect_dma source(%arg16 : memref<128xf32, #tpu.memory_space<vmem>>) target(%dma_start3A_115 : memref<170240xf32, #tpu.memory_space<vmem_shared>>) offsets(%arg12 : memref<128xi32, #tpu.memory_space<vmem>>) semaphore(%run_scoped3A : memref<!tpu.dma_semaphore, #tpu.memory_space<semaphore_mem>>) {add = true}
        %dma_wait3A = arith.constant 0 : i32
        %dma_wait3A_116 = tpu.memref_slice %arg7[%dma_wait3A] : memref<170240xf32, #tpu.memory_space<vmem_shared>> -> memref<170240xf32, #tpu.memory_space<vmem_shared>>
        tpu.wait_indirect_dma semaphore(%run_scoped3A : memref<!tpu.dma_semaphore, #tpu.memory_space<semaphore_mem>>) src(%arg16 : memref<128xf32, #tpu.memory_space<vmem>>) dst(%dma_wait3A_116 : memref<170240xf32, #tpu.memory_space<vmem_shared>>)
        tpu.yield
      }) : () -> ()
    }
    %scan3A_94 = arith.constant 162 : i32
    %barrier3A_95 = arith.constant 0 : index
    tpu.barrier barrier_id(%barrier3A_95)
    %mul3A_96 = arith.constant 170000 : i32
    %mul3A_97 = arith.muli %arg0, %mul3A_96 : i32
    %scan3A_98 = arith.constant 0 : i32
    %scan3A_99 = arith.constant 0 : i32
    %scan3A_100 = arith.constant 162 : i32
    %scan3A_101 = arith.addi %scan3A_99, %scan3A_100 : i32
    %scan3A_102 = arith.constant 1 : i32
    scf.for %scan3A_111 = %scan3A_99 to %scan3A_101 step %scan3A_102  : i32 {
      %mul3A_112 = arith.constant 128 : i32
      %mul3A_113 = arith.muli %scan3A_111, %mul3A_112 : i32
      %add3A_114 = arith.addi %mul3A_0, %mul3A_113 : i32
      "tpu.region"() ({
        %run_scoped3A = tpu.sem_alloc : memref<!tpu.dma_semaphore, #tpu.memory_space<semaphore_mem>>
        %dma_start3A_275 = tpu.memref_slice %arg3[%add3A_114] : memref<331776xi32, #tpu.memory_space<hbm>> -> memref<128xi32, #tpu.memory_space<hbm>>
        %dma_start3A_276 = tpu.memref_slice %arg3[%add3A_114] : memref<331776xi32, #tpu.memory_space<hbm>> -> memref<128xi32, #tpu.memory_space<hbm>>
        tpu.enqueue_dma source(%dma_start3A_276 : memref<128xi32, #tpu.memory_space<hbm>>) target(%arg10 : memref<128xi32, #tpu.memory_space<vmem>>) target_semaphore(%run_scoped3A : memref<!tpu.dma_semaphore, #tpu.memory_space<semaphore_mem>>)
        %dma_wait3A_277 = tpu.memref_slice %arg3[%add3A_114] : memref<331776xi32, #tpu.memory_space<hbm>> -> memref<128xi32, #tpu.memory_space<hbm>>
        %dma_wait3A_278 = tpu.memref_slice %arg3[%add3A_114] : memref<331776xi32, #tpu.memory_space<hbm>> -> memref<128xi32, #tpu.memory_space<hbm>>
        tpu.wait_dma2 semaphore(%run_scoped3A : memref<!tpu.dma_semaphore, #tpu.memory_space<semaphore_mem>>) src(%dma_wait3A_278 : memref<128xi32, #tpu.memory_space<hbm>>) dst(%arg10 : memref<128xi32, #tpu.memory_space<vmem>>)
        tpu.yield
      }) : () -> ()
      "tpu.region"() ({
        %run_scoped3A = tpu.sem_alloc : memref<!tpu.dma_semaphore, #tpu.memory_space<semaphore_mem>>
        %dma_start3A_275 = tpu.memref_slice %arg4[%add3A_114] : memref<331776xi32, #tpu.memory_space<hbm>> -> memref<128xi32, #tpu.memory_space<hbm>>
        %dma_start3A_276 = tpu.memref_slice %arg4[%add3A_114] : memref<331776xi32, #tpu.memory_space<hbm>> -> memref<128xi32, #tpu.memory_space<hbm>>
        tpu.enqueue_dma source(%dma_start3A_276 : memref<128xi32, #tpu.memory_space<hbm>>) target(%arg11 : memref<128xi32, #tpu.memory_space<vmem>>) target_semaphore(%run_scoped3A : memref<!tpu.dma_semaphore, #tpu.memory_space<semaphore_mem>>)
        %dma_wait3A_277 = tpu.memref_slice %arg4[%add3A_114] : memref<331776xi32, #tpu.memory_space<hbm>> -> memref<128xi32, #tpu.memory_space<hbm>>
        %dma_wait3A_278 = tpu.memref_slice %arg4[%add3A_114] : memref<331776xi32, #tpu.memory_space<hbm>> -> memref<128xi32, #tpu.memory_space<hbm>>
        tpu.wait_dma2 semaphore(%run_scoped3A : memref<!tpu.dma_semaphore, #tpu.memory_space<semaphore_mem>>) src(%dma_wait3A_278 : memref<128xi32, #tpu.memory_space<hbm>>) dst(%arg11 : memref<128xi32, #tpu.memory_space<vmem>>)
        tpu.yield
      }) : () -> ()
      "tpu.region"() ({
        %run_scoped3A = tpu.sem_alloc : memref<!tpu.dma_semaphore, #tpu.memory_space<semaphore_mem>>
        %dma_start3A_275 = tpu.memref_slice %arg5[%add3A_114] : memref<331776xi32, #tpu.memory_space<hbm>> -> memref<128xi32, #tpu.memory_space<hbm>>
        %dma_start3A_276 = tpu.memref_slice %arg5[%add3A_114] : memref<331776xi32, #tpu.memory_space<hbm>> -> memref<128xi32, #tpu.memory_space<hbm>>
        tpu.enqueue_dma source(%dma_start3A_276 : memref<128xi32, #tpu.memory_space<hbm>>) target(%arg12 : memref<128xi32, #tpu.memory_space<vmem>>) target_semaphore(%run_scoped3A : memref<!tpu.dma_semaphore, #tpu.memory_space<semaphore_mem>>)
        %dma_wait3A_277 = tpu.memref_slice %arg5[%add3A_114] : memref<331776xi32, #tpu.memory_space<hbm>> -> memref<128xi32, #tpu.memory_space<hbm>>
        %dma_wait3A_278 = tpu.memref_slice %arg5[%add3A_114] : memref<331776xi32, #tpu.memory_space<hbm>> -> memref<128xi32, #tpu.memory_space<hbm>>
        tpu.wait_dma2 semaphore(%run_scoped3A : memref<!tpu.dma_semaphore, #tpu.memory_space<semaphore_mem>>) src(%dma_wait3A_278 : memref<128xi32, #tpu.memory_space<hbm>>) dst(%arg12 : memref<128xi32, #tpu.memory_space<vmem>>)
        tpu.yield
      }) : () -> ()
      %get3A = arith.constant 0 : index
      %get3A_115 = tpu.vector_load %arg10[%get3A] {strides = array<i32>} : memref<128xi32, #tpu.memory_space<vmem>>, vector<16xi32>,
      %get3A_116 = vector.shape_cast %get3A_115 : vector<16xi32> to vector<16xi32>
      %add3A_117 = vector.broadcast %mul3A_97 : i32 to vector<16xi32>
      %add3A_118 = arith.addi %get3A_116, %add3A_117 : vector<16xi32>
      %swap3A_119 = arith.constant 0 : index
      %swap3A_120 = tpu.vector_load %arg15[%swap3A_119] {strides = array<i32>} : memref<128xi32, #tpu.memory_space<vmem>>, vector<16xi32>,
      %swap3A_121 = vector.shape_cast %swap3A_120 : vector<16xi32> to vector<16xi32>
      %swap3A_122 = vector.shape_cast %add3A_118 : vector<16xi32> to vector<16xi32>
      tpu.vector_store %arg15[%swap3A_119], %swap3A_122 {strides = array<i32>} : memref<128xi32, #tpu.memory_space<vmem>>, vector<16xi32>,
      %get3A_123 = arith.constant 16 : index
      %get3A_124 = tpu.vector_load %arg10[%get3A_123] {strides = array<i32>} : memref<128xi32, #tpu.memory_space<vmem>>, vector<16xi32>,
      %get3A_125 = vector.shape_cast %get3A_124 : vector<16xi32> to vector<16xi32>
      %add3A_126 = vector.broadcast %mul3A_97 : i32 to vector<16xi32>
      %add3A_127 = arith.addi %get3A_125, %add3A_126 : vector<16xi32>
      %swap3A_128 = arith.constant 16 : index
      %swap3A_129 = tpu.vector_load %arg15[%swap3A_128] {strides = array<i32>} : memref<128xi32, #tpu.memory_space<vmem>>, vector<16xi32>,
      %swap3A_130 = vector.shape_cast %swap3A_129 : vector<16xi32> to vector<16xi32>
      %swap3A_131 = vector.shape_cast %add3A_127 : vector<16xi32> to vector<16xi32>
      tpu.vector_store %arg15[%swap3A_128], %swap3A_131 {strides = array<i32>} : memref<128xi32, #tpu.memory_space<vmem>>, vector<16xi32>,
      %get3A_132 = arith.constant 32 : index
      %get3A_133 = tpu.vector_load %arg10[%get3A_132] {strides = array<i32>} : memref<128xi32, #tpu.memory_space<vmem>>, vector<16xi32>,
      %get3A_134 = vector.shape_cast %get3A_133 : vector<16xi32> to vector<16xi32>
      %add3A_135 = vector.broadcast %mul3A_97 : i32 to vector<16xi32>
      %add3A_136 = arith.addi %get3A_134, %add3A_135 : vector<16xi32>
      %swap3A_137 = arith.constant 32 : index
      %swap3A_138 = tpu.vector_load %arg15[%swap3A_137] {strides = array<i32>} : memref<128xi32, #tpu.memory_space<vmem>>, vector<16xi32>,
      %swap3A_139 = vector.shape_cast %swap3A_138 : vector<16xi32> to vector<16xi32>
      %swap3A_140 = vector.shape_cast %add3A_136 : vector<16xi32> to vector<16xi32>
      tpu.vector_store %arg15[%swap3A_137], %swap3A_140 {strides = array<i32>} : memref<128xi32, #tpu.memory_space<vmem>>, vector<16xi32>,
      %get3A_141 = arith.constant 48 : index
      %get3A_142 = tpu.vector_load %arg10[%get3A_141] {strides = array<i32>} : memref<128xi32, #tpu.memory_space<vmem>>, vector<16xi32>,
      %get3A_143 = vector.shape_cast %get3A_142 : vector<16xi32> to vector<16xi32>
      %add3A_144 = vector.broadcast %mul3A_97 : i32 to vector<16xi32>
      %add3A_145 = arith.addi %get3A_143, %add3A_144 : vector<16xi32>
      %swap3A_146 = arith.constant 48 : index
      %swap3A_147 = tpu.vector_load %arg15[%swap3A_146] {strides = array<i32>} : memref<128xi32, #tpu.memory_space<vmem>>, vector<16xi32>,
      %swap3A_148 = vector.shape_cast %swap3A_147 : vector<16xi32> to vector<16xi32>
      %swap3A_149 = vector.shape_cast %add3A_145 : vector<16xi32> to vector<16xi32>
      tpu.vector_store %arg15[%swap3A_146], %swap3A_149 {strides = array<i32>} : memref<128xi32, #tpu.memory_space<vmem>>, vector<16xi32>,
      %get3A_150 = arith.constant 64 : index
      %get3A_151 = tpu.vector_load %arg10[%get3A_150] {strides = array<i32>} : memref<128xi32, #tpu.memory_space<vmem>>, vector<16xi32>,
      %get3A_152 = vector.shape_cast %get3A_151 : vector<16xi32> to vector<16xi32>
      %add3A_153 = vector.broadcast %mul3A_97 : i32 to vector<16xi32>
      %add3A_154 = arith.addi %get3A_152, %add3A_153 : vector<16xi32>
      %swap3A_155 = arith.constant 64 : index
      %swap3A_156 = tpu.vector_load %arg15[%swap3A_155] {strides = array<i32>} : memref<128xi32, #tpu.memory_space<vmem>>, vector<16xi32>,
      %swap3A_157 = vector.shape_cast %swap3A_156 : vector<16xi32> to vector<16xi32>
      %swap3A_158 = vector.shape_cast %add3A_154 : vector<16xi32> to vector<16xi32>
      tpu.vector_store %arg15[%swap3A_155], %swap3A_158 {strides = array<i32>} : memref<128xi32, #tpu.memory_space<vmem>>, vector<16xi32>,
      %get3A_159 = arith.constant 80 : index
      %get3A_160 = tpu.vector_load %arg10[%get3A_159] {strides = array<i32>} : memref<128xi32, #tpu.memory_space<vmem>>, vector<16xi32>,
      %get3A_161 = vector.shape_cast %get3A_160 : vector<16xi32> to vector<16xi32>
      %add3A_162 = vector.broadcast %mul3A_97 : i32 to vector<16xi32>
      %add3A_163 = arith.addi %get3A_161, %add3A_162 : vector<16xi32>
      %swap3A_164 = arith.constant 80 : index
      %swap3A_165 = tpu.vector_load %arg15[%swap3A_164] {strides = array<i32>} : memref<128xi32, #tpu.memory_space<vmem>>, vector<16xi32>,
      %swap3A_166 = vector.shape_cast %swap3A_165 : vector<16xi32> to vector<16xi32>
      %swap3A_167 = vector.shape_cast %add3A_163 : vector<16xi32> to vector<16xi32>
      tpu.vector_store %arg15[%swap3A_164], %swap3A_167 {strides = array<i32>} : memref<128xi32, #tpu.memory_space<vmem>>, vector<16xi32>,
      %get3A_168 = arith.constant 96 : index
      %get3A_169 = tpu.vector_load %arg10[%get3A_168] {strides = array<i32>} : memref<128xi32, #tpu.memory_space<vmem>>, vector<16xi32>,
      %get3A_170 = vector.shape_cast %get3A_169 : vector<16xi32> to vector<16xi32>
      %add3A_171 = vector.broadcast %mul3A_97 : i32 to vector<16xi32>
      %add3A_172 = arith.addi %get3A_170, %add3A_171 : vector<16xi32>
      %swap3A_173 = arith.constant 96 : index
      %swap3A_174 = tpu.vector_load %arg15[%swap3A_173] {strides = array<i32>} : memref<128xi32, #tpu.memory_space<vmem>>, vector<16xi32>,
      %swap3A_175 = vector.shape_cast %swap3A_174 : vector<16xi32> to vector<16xi32>
      %swap3A_176 = vector.shape_cast %add3A_172 : vector<16xi32> to vector<16xi32>
      tpu.vector_store %arg15[%swap3A_173], %swap3A_176 {strides = array<i32>} : memref<128xi32, #tpu.memory_space<vmem>>, vector<16xi32>,
      %get3A_177 = arith.constant 112 : index
      %get3A_178 = tpu.vector_load %arg10[%get3A_177] {strides = array<i32>} : memref<128xi32, #tpu.memory_space<vmem>>, vector<16xi32>,
      %get3A_179 = vector.shape_cast %get3A_178 : vector<16xi32> to vector<16xi32>
      %add3A_180 = vector.broadcast %mul3A_97 : i32 to vector<16xi32>
      %add3A_181 = arith.addi %get3A_179, %add3A_180 : vector<16xi32>
      %swap3A_182 = arith.constant 112 : index
      %swap3A_183 = tpu.vector_load %arg15[%swap3A_182] {strides = array<i32>} : memref<128xi32, #tpu.memory_space<vmem>>, vector<16xi32>,
      %swap3A_184 = vector.shape_cast %swap3A_183 : vector<16xi32> to vector<16xi32>
      %swap3A_185 = vector.shape_cast %add3A_181 : vector<16xi32> to vector<16xi32>
      tpu.vector_store %arg15[%swap3A_182], %swap3A_185 {strides = array<i32>} : memref<128xi32, #tpu.memory_space<vmem>>, vector<16xi32>,
      %dma_start3A = arith.constant 0 : i32
      %dma_start3A_186 = arith.constant 0 : i32
      %dma_start3A_187 = tpu.memref_slice %arg2[%dma_start3A, %dma_start3A_186] : memref<340000x128xf32, #tpu.memory_space<hbm>> -> memref<340000x128xf32, #tpu.memory_space<hbm>>
      tpu.enqueue_indirect_dma source(%dma_start3A_187 : memref<340000x128xf32, #tpu.memory_space<hbm>>) target(%arg9 : memref<128x128xf32, #tpu.memory_space<vmem>>) offsets(%arg15 : memref<128xi32, #tpu.memory_space<vmem>>) semaphore(%arg18 : memref<!tpu.dma_semaphore, #tpu.memory_space<semaphore_mem>>)
      %dma_wait3A = arith.constant 0 : i32
      %dma_wait3A_188 = arith.constant 0 : i32
      %dma_wait3A_189 = tpu.memref_slice %arg2[%dma_wait3A, %dma_wait3A_188] : memref<340000x128xf32, #tpu.memory_space<hbm>> -> memref<340000x128xf32, #tpu.memory_space<hbm>>
      tpu.wait_indirect_dma semaphore(%arg18 : memref<!tpu.dma_semaphore, #tpu.memory_space<semaphore_mem>>) src(%dma_wait3A_189 : memref<340000x128xf32, #tpu.memory_space<hbm>>) dst(%arg9 : memref<128x128xf32, #tpu.memory_space<vmem>>)
      "tpu.region"() ({
        %run_scoped3A = tpu.sem_alloc : memref<!tpu.dma_semaphore, #tpu.memory_space<semaphore_mem>>
        %dma_start3A_275 = arith.constant 0 : i32
        %dma_start3A_276 = tpu.memref_slice %arg7[%dma_start3A_275] : memref<170240xf32, #tpu.memory_space<vmem_shared>> -> memref<170240xf32, #tpu.memory_space<vmem_shared>>
        tpu.enqueue_indirect_dma source(%dma_start3A_276 : memref<170240xf32, #tpu.memory_space<vmem_shared>>) target(%arg13 : memref<128xf32, #tpu.memory_space<vmem>>) offsets(%arg12 : memref<128xi32, #tpu.memory_space<vmem>>) semaphore(%run_scoped3A : memref<!tpu.dma_semaphore, #tpu.memory_space<semaphore_mem>>)
        %dma_wait3A_277 = arith.constant 0 : i32
        %dma_wait3A_278 = tpu.memref_slice %arg7[%dma_wait3A_277] : memref<170240xf32, #tpu.memory_space<vmem_shared>> -> memref<170240xf32, #tpu.memory_space<vmem_shared>>
        tpu.wait_indirect_dma semaphore(%run_scoped3A : memref<!tpu.dma_semaphore, #tpu.memory_space<semaphore_mem>>) src(%dma_wait3A_278 : memref<170240xf32, #tpu.memory_space<vmem_shared>>) dst(%arg13 : memref<128xf32, #tpu.memory_space<vmem>>)
        tpu.yield
      }) : () -> ()
      %get3A_190 = arith.constant 0 : index
      %get3A_191 = tpu.vector_load %arg13[%get3A_190] {strides = array<i32>} : memref<128xf32, #tpu.memory_space<vmem>>, vector<16xf32>,
      %get3A_192 = vector.shape_cast %get3A_191 : vector<16xf32> to vector<16xf32>
      %div3A = arith.constant 1.000000e+00 : f32
      %div3A_193 = vector.broadcast %div3A : f32 to vector<16xf32>
      %div3A_194 = arith.divf %div3A_193, %get3A_192 : vector<16xf32>
      %swap3A_195 = arith.constant 0 : index
      %swap3A_196 = tpu.vector_load %arg14[%swap3A_195] {strides = array<i32>} : memref<128xf32, #tpu.memory_space<vmem>>, vector<16xf32>,
      %swap3A_197 = vector.shape_cast %swap3A_196 : vector<16xf32> to vector<16xf32>
      %swap3A_198 = vector.shape_cast %div3A_194 : vector<16xf32> to vector<16xf32>
      tpu.vector_store %arg14[%swap3A_195], %swap3A_198 {strides = array<i32>} : memref<128xf32, #tpu.memory_space<vmem>>, vector<16xf32>,
      %get3A_199 = arith.constant 16 : index
      %get3A_200 = tpu.vector_load %arg13[%get3A_199] {strides = array<i32>} : memref<128xf32, #tpu.memory_space<vmem>>, vector<16xf32>,
      %get3A_201 = vector.shape_cast %get3A_200 : vector<16xf32> to vector<16xf32>
      %div3A_202 = arith.constant 1.000000e+00 : f32
      %div3A_203 = vector.broadcast %div3A_202 : f32 to vector<16xf32>
      %div3A_204 = arith.divf %div3A_203, %get3A_201 : vector<16xf32>
      %swap3A_205 = arith.constant 16 : index
      %swap3A_206 = tpu.vector_load %arg14[%swap3A_205] {strides = array<i32>} : memref<128xf32, #tpu.memory_space<vmem>>, vector<16xf32>,
      %swap3A_207 = vector.shape_cast %swap3A_206 : vector<16xf32> to vector<16xf32>
      %swap3A_208 = vector.shape_cast %div3A_204 : vector<16xf32> to vector<16xf32>
      tpu.vector_store %arg14[%swap3A_205], %swap3A_208 {strides = array<i32>} : memref<128xf32, #tpu.memory_space<vmem>>, vector<16xf32>,
      %get3A_209 = arith.constant 32 : index
      %get3A_210 = tpu.vector_load %arg13[%get3A_209] {strides = array<i32>} : memref<128xf32, #tpu.memory_space<vmem>>, vector<16xf32>,
      %get3A_211 = vector.shape_cast %get3A_210 : vector<16xf32> to vector<16xf32>
      %div3A_212 = arith.constant 1.000000e+00 : f32
      %div3A_213 = vector.broadcast %div3A_212 : f32 to vector<16xf32>
      %div3A_214 = arith.divf %div3A_213, %get3A_211 : vector<16xf32>
      %swap3A_215 = arith.constant 32 : index
      %swap3A_216 = tpu.vector_load %arg14[%swap3A_215] {strides = array<i32>} : memref<128xf32, #tpu.memory_space<vmem>>, vector<16xf32>,
      %swap3A_217 = vector.shape_cast %swap3A_216 : vector<16xf32> to vector<16xf32>
      %swap3A_218 = vector.shape_cast %div3A_214 : vector<16xf32> to vector<16xf32>
      tpu.vector_store %arg14[%swap3A_215], %swap3A_218 {strides = array<i32>} : memref<128xf32, #tpu.memory_space<vmem>>, vector<16xf32>,
      %get3A_219 = arith.constant 48 : index
      %get3A_220 = tpu.vector_load %arg13[%get3A_219] {strides = array<i32>} : memref<128xf32, #tpu.memory_space<vmem>>, vector<16xf32>,
      %get3A_221 = vector.shape_cast %get3A_220 : vector<16xf32> to vector<16xf32>
      %div3A_222 = arith.constant 1.000000e+00 : f32
      %div3A_223 = vector.broadcast %div3A_222 : f32 to vector<16xf32>
      %div3A_224 = arith.divf %div3A_223, %get3A_221 : vector<16xf32>
      %swap3A_225 = arith.constant 48 : index
      %swap3A_226 = tpu.vector_load %arg14[%swap3A_225] {strides = array<i32>} : memref<128xf32, #tpu.memory_space<vmem>>, vector<16xf32>,
      %swap3A_227 = vector.shape_cast %swap3A_226 : vector<16xf32> to vector<16xf32>
      %swap3A_228 = vector.shape_cast %div3A_224 : vector<16xf32> to vector<16xf32>
      tpu.vector_store %arg14[%swap3A_225], %swap3A_228 {strides = array<i32>} : memref<128xf32, #tpu.memory_space<vmem>>, vector<16xf32>,
      %get3A_229 = arith.constant 64 : index
      %get3A_230 = tpu.vector_load %arg13[%get3A_229] {strides = array<i32>} : memref<128xf32, #tpu.memory_space<vmem>>, vector<16xf32>,
      %get3A_231 = vector.shape_cast %get3A_230 : vector<16xf32> to vector<16xf32>
      %div3A_232 = arith.constant 1.000000e+00 : f32
      %div3A_233 = vector.broadcast %div3A_232 : f32 to vector<16xf32>
      %div3A_234 = arith.divf %div3A_233, %get3A_231 : vector<16xf32>
      %swap3A_235 = arith.constant 64 : index
      %swap3A_236 = tpu.vector_load %arg14[%swap3A_235] {strides = array<i32>} : memref<128xf32, #tpu.memory_space<vmem>>, vector<16xf32>,
      %swap3A_237 = vector.shape_cast %swap3A_236 : vector<16xf32> to vector<16xf32>
      %swap3A_238 = vector.shape_cast %div3A_234 : vector<16xf32> to vector<16xf32>
      tpu.vector_store %arg14[%swap3A_235], %swap3A_238 {strides = array<i32>} : memref<128xf32, #tpu.memory_space<vmem>>, vector<16xf32>,
      %get3A_239 = arith.constant 80 : index
      %get3A_240 = tpu.vector_load %arg13[%get3A_239] {strides = array<i32>} : memref<128xf32, #tpu.memory_space<vmem>>, vector<16xf32>,
      %get3A_241 = vector.shape_cast %get3A_240 : vector<16xf32> to vector<16xf32>
      %div3A_242 = arith.constant 1.000000e+00 : f32
      %div3A_243 = vector.broadcast %div3A_242 : f32 to vector<16xf32>
      %div3A_244 = arith.divf %div3A_243, %get3A_241 : vector<16xf32>
      %swap3A_245 = arith.constant 80 : index
      %swap3A_246 = tpu.vector_load %arg14[%swap3A_245] {strides = array<i32>} : memref<128xf32, #tpu.memory_space<vmem>>, vector<16xf32>,
      %swap3A_247 = vector.shape_cast %swap3A_246 : vector<16xf32> to vector<16xf32>
      %swap3A_248 = vector.shape_cast %div3A_244 : vector<16xf32> to vector<16xf32>
      tpu.vector_store %arg14[%swap3A_245], %swap3A_248 {strides = array<i32>} : memref<128xf32, #tpu.memory_space<vmem>>, vector<16xf32>,
      %get3A_249 = arith.constant 96 : index
      %get3A_250 = tpu.vector_load %arg13[%get3A_249] {strides = array<i32>} : memref<128xf32, #tpu.memory_space<vmem>>, vector<16xf32>,
      %get3A_251 = vector.shape_cast %get3A_250 : vector<16xf32> to vector<16xf32>
      %div3A_252 = arith.constant 1.000000e+00 : f32
      %div3A_253 = vector.broadcast %div3A_252 : f32 to vector<16xf32>
      %div3A_254 = arith.divf %div3A_253, %get3A_251 : vector<16xf32>
      %swap3A_255 = arith.constant 96 : index
      %swap3A_256 = tpu.vector_load %arg14[%swap3A_255] {strides = array<i32>} : memref<128xf32, #tpu.memory_space<vmem>>, vector<16xf32>,
      %swap3A_257 = vector.shape_cast %swap3A_256 : vector<16xf32> to vector<16xf32>
      %swap3A_258 = vector.shape_cast %div3A_254 : vector<16xf32> to vector<16xf32>
      tpu.vector_store %arg14[%swap3A_255], %swap3A_258 {strides = array<i32>} : memref<128xf32, #tpu.memory_space<vmem>>, vector<16xf32>,
      %get3A_259 = arith.constant 112 : index
      %get3A_260 = tpu.vector_load %arg13[%get3A_259] {strides = array<i32>} : memref<128xf32, #tpu.memory_space<vmem>>, vector<16xf32>,
      %get3A_261 = vector.shape_cast %get3A_260 : vector<16xf32> to vector<16xf32>
      %div3A_262 = arith.constant 1.000000e+00 : f32
      %div3A_263 = vector.broadcast %div3A_262 : f32 to vector<16xf32>
      %div3A_264 = arith.divf %div3A_263, %get3A_261 : vector<16xf32>
      %swap3A_265 = arith.constant 112 : index
      %swap3A_266 = tpu.vector_load %arg14[%swap3A_265] {strides = array<i32>} : memref<128xf32, #tpu.memory_space<vmem>>, vector<16xf32>,
      %swap3A_267 = vector.shape_cast %swap3A_266 : vector<16xf32> to vector<16xf32>
      %swap3A_268 = vector.shape_cast %div3A_264 : vector<16xf32> to vector<16xf32>
      tpu.vector_store %arg14[%swap3A_265], %swap3A_268 {strides = array<i32>} : memref<128xf32, #tpu.memory_space<vmem>>, vector<16xf32>,
      %scan3A_269 = arith.constant 0 : i32
      %scan3A_270 = arith.constant 0 : i32
      %scan3A_271 = arith.constant 8 : i32
      %scan3A_272 = arith.addi %scan3A_270, %scan3A_271 : i32
      %scan3A_273 = arith.constant 1 : i32
      scf.for %scan3A_275 = %scan3A_270 to %scan3A_272 step %scan3A_273  : i32 {
        %mul3A_276 = arith.constant 16 : i32
        %mul3A_277 = arith.muli %scan3A_275, %mul3A_276 : i32
        %get3A_278 = arith.index_cast %mul3A_277 : i32 to index
        %get3A_279 = tpu.vector_load %arg14[%get3A_278] {strides = array<i32>} : memref<128xf32, #tpu.memory_space<vmem>>, vector<16xf32>,
        %get3A_280 = vector.shape_cast %get3A_279 : vector<16xf32> to vector<16xf32>
        %mul3A_281 = arith.constant 16 : i32
        %mul3A_282 = arith.muli %scan3A_275, %mul3A_281 : i32
        %add3A_283 = arith.constant 0 : i32
        %add3A_284 = arith.addi %mul3A_282, %add3A_283 : i32
        %slice3A = vector.extract_strided_slice %get3A_280 {offsets = [0], sizes = [1], strides = [1]} : vector<16xf32> to vector<1xf32>
        %squeeze3A = vector.extract %slice3A[0] : f32 from vector<1xf32>
        %broadcast_in_dim3A_285 = vector.broadcast %squeeze3A : f32 to vector<16xf32>
        %get3A_286 = arith.index_cast %add3A_284 : i32 to index
        %get3A_287 = arith.constant 0 : index
        %get3A_288 = tpu.vector_load %arg9[%get3A_286, %get3A_287] {strides = array<i32>} : memref<128x128xf32, #tpu.memory_space<vmem>>, vector<1x16xf32>,
        %get3A_289 = vector.shape_cast %get3A_288 : vector<1x16xf32> to vector<16xf32>
        %mul3A_290 = arith.mulf %get3A_289, %broadcast_in_dim3A_285 : vector<16xf32>
        %swap3A_291 = arith.index_cast %add3A_284 : i32 to index
        %swap3A_292 = arith.constant 0 : index
        %swap3A_293 = tpu.vector_load %arg9[%swap3A_291, %swap3A_292] {strides = array<i32>} : memref<128x128xf32, #tpu.memory_space<vmem>>, vector<1x16xf32>,
        %swap3A_294 = vector.shape_cast %swap3A_293 : vector<1x16xf32> to vector<16xf32>
        %swap3A_295 = vector.shape_cast %mul3A_290 : vector<16xf32> to vector<1x16xf32>
        tpu.vector_store %arg9[%swap3A_291, %swap3A_292], %swap3A_295 {strides = array<i32>} : memref<128x128xf32, #tpu.memory_space<vmem>>, vector<1x16xf32>,
        %get3A_296 = arith.index_cast %add3A_284 : i32 to index
        %get3A_297 = arith.constant 16 : index
        %get3A_298 = tpu.vector_load %arg9[%get3A_296, %get3A_297] {strides = array<i32>} : memref<128x128xf32, #tpu.memory_space<vmem>>, vector<1x16xf32>,
        %get3A_299 = vector.shape_cast %get3A_298 : vector<1x16xf32> to vector<16xf32>
        %mul3A_300 = arith.mulf %get3A_299, %broadcast_in_dim3A_285 : vector<16xf32>
        %swap3A_301 = arith.index_cast %add3A_284 : i32 to index
        %swap3A_302 = arith.constant 16 : index
        %swap3A_303 = tpu.vector_load %arg9[%swap3A_301, %swap3A_302] {strides = array<i32>} : memref<128x128xf32, #tpu.memory_space<vmem>>, vector<1x16xf32>,
        %swap3A_304 = vector.shape_cast %swap3A_303 : vector<1x16xf32> to vector<16xf32>
        %swap3A_305 = vector.shape_cast %mul3A_300 : vector<16xf32> to vector<1x16xf32>
        tpu.vector_store %arg9[%swap3A_301, %swap3A_302], %swap3A_305 {strides = array<i32>} : memref<128x128xf32, #tpu.memory_space<vmem>>, vector<1x16xf32>,
        %get3A_306 = arith.index_cast %add3A_284 : i32 to index
        %get3A_307 = arith.constant 32 : index
        %get3A_308 = tpu.vector_load %arg9[%get3A_306, %get3A_307] {strides = array<i32>} : memref<128x128xf32, #tpu.memory_space<vmem>>, vector<1x16xf32>,
        %get3A_309 = vector.shape_cast %get3A_308 : vector<1x16xf32> to vector<16xf32>
        %mul3A_310 = arith.mulf %get3A_309, %broadcast_in_dim3A_285 : vector<16xf32>
        %swap3A_311 = arith.index_cast %add3A_284 : i32 to index
        %swap3A_312 = arith.constant 32 : index
        %swap3A_313 = tpu.vector_load %arg9[%swap3A_311, %swap3A_312] {strides = array<i32>} : memref<128x128xf32, #tpu.memory_space<vmem>>, vector<1x16xf32>,
        %swap3A_314 = vector.shape_cast %swap3A_313 : vector<1x16xf32> to vector<16xf32>
        %swap3A_315 = vector.shape_cast %mul3A_310 : vector<16xf32> to vector<1x16xf32>
        tpu.vector_store %arg9[%swap3A_311, %swap3A_312], %swap3A_315 {strides = array<i32>} : memref<128x128xf32, #tpu.memory_space<vmem>>, vector<1x16xf32>,
        %get3A_316 = arith.index_cast %add3A_284 : i32 to index
        %get3A_317 = arith.constant 48 : index
        %get3A_318 = tpu.vector_load %arg9[%get3A_316, %get3A_317] {strides = array<i32>} : memref<128x128xf32, #tpu.memory_space<vmem>>, vector<1x16xf32>,
        %get3A_319 = vector.shape_cast %get3A_318 : vector<1x16xf32> to vector<16xf32>
        %mul3A_320 = arith.mulf %get3A_319, %broadcast_in_dim3A_285 : vector<16xf32>
        %swap3A_321 = arith.index_cast %add3A_284 : i32 to index
        %swap3A_322 = arith.constant 48 : index
        %swap3A_323 = tpu.vector_load %arg9[%swap3A_321, %swap3A_322] {strides = array<i32>} : memref<128x128xf32, #tpu.memory_space<vmem>>, vector<1x16xf32>,
        %swap3A_324 = vector.shape_cast %swap3A_323 : vector<1x16xf32> to vector<16xf32>
        %swap3A_325 = vector.shape_cast %mul3A_320 : vector<16xf32> to vector<1x16xf32>
        tpu.vector_store %arg9[%swap3A_321, %swap3A_322], %swap3A_325 {strides = array<i32>} : memref<128x128xf32, #tpu.memory_space<vmem>>, vector<1x16xf32>,
        %get3A_326 = arith.index_cast %add3A_284 : i32 to index
        %get3A_327 = arith.constant 64 : index
        %get3A_328 = tpu.vector_load %arg9[%get3A_326, %get3A_327] {strides = array<i32>} : memref<128x128xf32, #tpu.memory_space<vmem>>, vector<1x16xf32>,
        %get3A_329 = vector.shape_cast %get3A_328 : vector<1x16xf32> to vector<16xf32>
        %mul3A_330 = arith.mulf %get3A_329, %broadcast_in_dim3A_285 : vector<16xf32>
        %swap3A_331 = arith.index_cast %add3A_284 : i32 to index
        %swap3A_332 = arith.constant 64 : index
        %swap3A_333 = tpu.vector_load %arg9[%swap3A_331, %swap3A_332] {strides = array<i32>} : memref<128x128xf32, #tpu.memory_space<vmem>>, vector<1x16xf32>,
        %swap3A_334 = vector.shape_cast %swap3A_333 : vector<1x16xf32> to vector<16xf32>
        %swap3A_335 = vector.shape_cast %mul3A_330 : vector<16xf32> to vector<1x16xf32>
        tpu.vector_store %arg9[%swap3A_331, %swap3A_332], %swap3A_335 {strides = array<i32>} : memref<128x128xf32, #tpu.memory_space<vmem>>, vector<1x16xf32>,
        %get3A_336 = arith.index_cast %add3A_284 : i32 to index
        %get3A_337 = arith.constant 80 : index
        %get3A_338 = tpu.vector_load %arg9[%get3A_336, %get3A_337] {strides = array<i32>} : memref<128x128xf32, #tpu.memory_space<vmem>>, vector<1x16xf32>,
        %get3A_339 = vector.shape_cast %get3A_338 : vector<1x16xf32> to vector<16xf32>
        %mul3A_340 = arith.mulf %get3A_339, %broadcast_in_dim3A_285 : vector<16xf32>
        %swap3A_341 = arith.index_cast %add3A_284 : i32 to index
        %swap3A_342 = arith.constant 80 : index
        %swap3A_343 = tpu.vector_load %arg9[%swap3A_341, %swap3A_342] {strides = array<i32>} : memref<128x128xf32, #tpu.memory_space<vmem>>, vector<1x16xf32>,
        %swap3A_344 = vector.shape_cast %swap3A_343 : vector<1x16xf32> to vector<16xf32>
        %swap3A_345 = vector.shape_cast %mul3A_340 : vector<16xf32> to vector<1x16xf32>
        tpu.vector_store %arg9[%swap3A_341, %swap3A_342], %swap3A_345 {strides = array<i32>} : memref<128x128xf32, #tpu.memory_space<vmem>>, vector<1x16xf32>,
        %get3A_346 = arith.index_cast %add3A_284 : i32 to index
        %get3A_347 = arith.constant 96 : index
        %get3A_348 = tpu.vector_load %arg9[%get3A_346, %get3A_347] {strides = array<i32>} : memref<128x128xf32, #tpu.memory_space<vmem>>, vector<1x16xf32>,
        %get3A_349 = vector.shape_cast %get3A_348 : vector<1x16xf32> to vector<16xf32>
        %mul3A_350 = arith.mulf %get3A_349, %broadcast_in_dim3A_285 : vector<16xf32>
        %swap3A_351 = arith.index_cast %add3A_284 : i32 to index
        %swap3A_352 = arith.constant 96 : index
        %swap3A_353 = tpu.vector_load %arg9[%swap3A_351, %swap3A_352] {strides = array<i32>} : memref<128x128xf32, #tpu.memory_space<vmem>>, vector<1x16xf32>,
        %swap3A_354 = vector.shape_cast %swap3A_353 : vector<1x16xf32> to vector<16xf32>
        %swap3A_355 = vector.shape_cast %mul3A_350 : vector<16xf32> to vector<1x16xf32>
        tpu.vector_store %arg9[%swap3A_351, %swap3A_352], %swap3A_355 {strides = array<i32>} : memref<128x128xf32, #tpu.memory_space<vmem>>, vector<1x16xf32>,
        %get3A_356 = arith.index_cast %add3A_284 : i32 to index
        %get3A_357 = arith.constant 112 : index
        %get3A_358 = tpu.vector_load %arg9[%get3A_356, %get3A_357] {strides = array<i32>} : memref<128x128xf32, #tpu.memory_space<vmem>>, vector<1x16xf32>,
        %get3A_359 = vector.shape_cast %get3A_358 : vector<1x16xf32> to vector<16xf32>
        %mul3A_360 = arith.mulf %get3A_359, %broadcast_in_dim3A_285 : vector<16xf32>
        %swap3A_361 = arith.index_cast %add3A_284 : i32 to index
        %swap3A_362 = arith.constant 112 : index
        %swap3A_363 = tpu.vector_load %arg9[%swap3A_361, %swap3A_362] {strides = array<i32>} : memref<128x128xf32, #tpu.memory_space<vmem>>, vector<1x16xf32>,
        %swap3A_364 = vector.shape_cast %swap3A_363 : vector<1x16xf32> to vector<16xf32>
        %swap3A_365 = vector.shape_cast %mul3A_360 : vector<16xf32> to vector<1x16xf32>
        tpu.vector_store %arg9[%swap3A_361, %swap3A_362], %swap3A_365 {strides = array<i32>} : memref<128x128xf32, #tpu.memory_space<vmem>>, vector<1x16xf32>,
        %mul3A_366 = arith.constant 16 : i32
        %mul3A_367 = arith.muli %scan3A_275, %mul3A_366 : i32
        %add3A_368 = arith.constant 1 : i32
        %add3A_369 = arith.addi %mul3A_367, %add3A_368 : i32
        %slice3A_370 = vector.extract_strided_slice %get3A_280 {offsets = [1], sizes = [1], strides = [1]} : vector<16xf32> to vector<1xf32>
        %squeeze3A_371 = vector.extract %slice3A_370[0] : f32 from vector<1xf32>
        %broadcast_in_dim3A_372 = vector.broadcast %squeeze3A_371 : f32 to vector<16xf32>
        %get3A_373 = arith.index_cast %add3A_369 : i32 to index
        %get3A_374 = arith.constant 0 : index
        %get3A_375 = tpu.vector_load %arg9[%get3A_373, %get3A_374] {strides = array<i32>} : memref<128x128xf32, #tpu.memory_space<vmem>>, vector<1x16xf32>,
        %get3A_376 = vector.shape_cast %get3A_375 : vector<1x16xf32> to vector<16xf32>
        %mul3A_377 = arith.mulf %get3A_376, %broadcast_in_dim3A_372 : vector<16xf32>
        %swap3A_378 = arith.index_cast %add3A_369 : i32 to index
        %swap3A_379 = arith.constant 0 : index
        %swap3A_380 = tpu.vector_load %arg9[%swap3A_378, %swap3A_379] {strides = array<i32>} : memref<128x128xf32, #tpu.memory_space<vmem>>, vector<1x16xf32>,
        %swap3A_381 = vector.shape_cast %swap3A_380 : vector<1x16xf32> to vector<16xf32>
        %swap3A_382 = vector.shape_cast %mul3A_377 : vector<16xf32> to vector<1x16xf32>
        tpu.vector_store %arg9[%swap3A_378, %swap3A_379], %swap3A_382 {strides = array<i32>} : memref<128x128xf32, #tpu.memory_space<vmem>>, vector<1x16xf32>,
        %get3A_383 = arith.index_cast %add3A_369 : i32 to index
        %get3A_384 = arith.constant 16 : index
        %get3A_385 = tpu.vector_load %arg9[%get3A_383, %get3A_384] {strides = array<i32>} : memref<128x128xf32, #tpu.memory_space<vmem>>, vector<1x16xf32>,
        %get3A_386 = vector.shape_cast %get3A_385 : vector<1x16xf32> to vector<16xf32>
        %mul3A_387 = arith.mulf %get3A_386, %broadcast_in_dim3A_372 : vector<16xf32>
        %swap3A_388 = arith.index_cast %add3A_369 : i32 to index
        %swap3A_389 = arith.constant 16 : index
        %swap3A_390 = tpu.vector_load %arg9[%swap3A_388, %swap3A_389] {strides = array<i32>} : memref<128x128xf32, #tpu.memory_space<vmem>>, vector<1x16xf32>,
        %swap3A_391 = vector.shape_cast %swap3A_390 : vector<1x16xf32> to vector<16xf32>
        %swap3A_392 = vector.shape_cast %mul3A_387 : vector<16xf32> to vector<1x16xf32>
        tpu.vector_store %arg9[%swap3A_388, %swap3A_389], %swap3A_392 {strides = array<i32>} : memref<128x128xf32, #tpu.memory_space<vmem>>, vector<1x16xf32>,
        %get3A_393 = arith.index_cast %add3A_369 : i32 to index
        %get3A_394 = arith.constant 32 : index
        %get3A_395 = tpu.vector_load %arg9[%get3A_393, %get3A_394] {strides = array<i32>} : memref<128x128xf32, #tpu.memory_space<vmem>>, vector<1x16xf32>,
        %get3A_396 = vector.shape_cast %get3A_395 : vector<1x16xf32> to vector<16xf32>
        %mul3A_397 = arith.mulf %get3A_396, %broadcast_in_dim3A_372 : vector<16xf32>
        %swap3A_398 = arith.index_cast %add3A_369 : i32 to index
        %swap3A_399 = arith.constant 32 : index
        %swap3A_400 = tpu.vector_load %arg9[%swap3A_398, %swap3A_399] {strides = array<i32>} : memref<128x128xf32, #tpu.memory_space<vmem>>, vector<1x16xf32>,
        %swap3A_401 = vector.shape_cast %swap3A_400 : vector<1x16xf32> to vector<16xf32>
        %swap3A_402 = vector.shape_cast %mul3A_397 : vector<16xf32> to vector<1x16xf32>
        tpu.vector_store %arg9[%swap3A_398, %swap3A_399], %swap3A_402 {strides = array<i32>} : memref<128x128xf32, #tpu.memory_space<vmem>>, vector<1x16xf32>,
        %get3A_403 = arith.index_cast %add3A_369 : i32 to index
        %get3A_404 = arith.constant 48 : index
        %get3A_405 = tpu.vector_load %arg9[%get3A_403, %get3A_404] {strides = array<i32>} : memref<128x128xf32, #tpu.memory_space<vmem>>, vector<1x16xf32>,
        %get3A_406 = vector.shape_cast %get3A_405 : vector<1x16xf32> to vector<16xf32>
        %mul3A_407 = arith.mulf %get3A_406, %broadcast_in_dim3A_372 : vector<16xf32>
        %swap3A_408 = arith.index_cast %add3A_369 : i32 to index
        %swap3A_409 = arith.constant 48 : index
        %swap3A_410 = tpu.vector_load %arg9[%swap3A_408, %swap3A_409] {strides = array<i32>} : memref<128x128xf32, #tpu.memory_space<vmem>>, vector<1x16xf32>,
        %swap3A_411 = vector.shape_cast %swap3A_410 : vector<1x16xf32> to vector<16xf32>
        %swap3A_412 = vector.shape_cast %mul3A_407 : vector<16xf32> to vector<1x16xf32>
        tpu.vector_store %arg9[%swap3A_408, %swap3A_409], %swap3A_412 {strides = array<i32>} : memref<128x128xf32, #tpu.memory_space<vmem>>, vector<1x16xf32>,
        %get3A_413 = arith.index_cast %add3A_369 : i32 to index
        %get3A_414 = arith.constant 64 : index
        %get3A_415 = tpu.vector_load %arg9[%get3A_413, %get3A_414] {strides = array<i32>} : memref<128x128xf32, #tpu.memory_space<vmem>>, vector<1x16xf32>,
        %get3A_416 = vector.shape_cast %get3A_415 : vector<1x16xf32> to vector<16xf32>
        %mul3A_417 = arith.mulf %get3A_416, %broadcast_in_dim3A_372 : vector<16xf32>
        %swap3A_418 = arith.index_cast %add3A_369 : i32 to index
        %swap3A_419 = arith.constant 64 : index
        %swap3A_420 = tpu.vector_load %arg9[%swap3A_418, %swap3A_419] {strides = array<i32>} : memref<128x128xf32, #tpu.memory_space<vmem>>, vector<1x16xf32>,
        %swap3A_421 = vector.shape_cast %swap3A_420 : vector<1x16xf32> to vector<16xf32>
        %swap3A_422 = vector.shape_cast %mul3A_417 : vector<16xf32> to vector<1x16xf32>
        tpu.vector_store %arg9[%swap3A_418, %swap3A_419], %swap3A_422 {strides = array<i32>} : memref<128x128xf32, #tpu.memory_space<vmem>>, vector<1x16xf32>,
        %get3A_423 = arith.index_cast %add3A_369 : i32 to index
        %get3A_424 = arith.constant 80 : index
        %get3A_425 = tpu.vector_load %arg9[%get3A_423, %get3A_424] {strides = array<i32>} : memref<128x128xf32, #tpu.memory_space<vmem>>, vector<1x16xf32>,
        %get3A_426 = vector.shape_cast %get3A_425 : vector<1x16xf32> to vector<16xf32>
        %mul3A_427 = arith.mulf %get3A_426, %broadcast_in_dim3A_372 : vector<16xf32>
        %swap3A_428 = arith.index_cast %add3A_369 : i32 to index
        %swap3A_429 = arith.constant 80 : index
        %swap3A_430 = tpu.vector_load %arg9[%swap3A_428, %swap3A_429] {strides = array<i32>} : memref<128x128xf32, #tpu.memory_space<vmem>>, vector<1x16xf32>,
        %swap3A_431 = vector.shape_cast %swap3A_430 : vector<1x16xf32> to vector<16xf32>
        %swap3A_432 = vector.shape_cast %mul3A_427 : vector<16xf32> to vector<1x16xf32>
        tpu.vector_store %arg9[%swap3A_428, %swap3A_429], %swap3A_432 {strides = array<i32>} : memref<128x128xf32, #tpu.memory_space<vmem>>, vector<1x16xf32>,
        %get3A_433 = arith.index_cast %add3A_369 : i32 to index
        %get3A_434 = arith.constant 96 : index
        %get3A_435 = tpu.vector_load %arg9[%get3A_433, %get3A_434] {strides = array<i32>} : memref<128x128xf32, #tpu.memory_space<vmem>>, vector<1x16xf32>,
        %get3A_436 = vector.shape_cast %get3A_435 : vector<1x16xf32> to vector<16xf32>
        %mul3A_437 = arith.mulf %get3A_436, %broadcast_in_dim3A_372 : vector<16xf32>
        %swap3A_438 = arith.index_cast %add3A_369 : i32 to index
        %swap3A_439 = arith.constant 96 : index
        %swap3A_440 = tpu.vector_load %arg9[%swap3A_438, %swap3A_439] {strides = array<i32>} : memref<128x128xf32, #tpu.memory_space<vmem>>, vector<1x16xf32>,
        %swap3A_441 = vector.shape_cast %swap3A_440 : vector<1x16xf32> to vector<16xf32>
        %swap3A_442 = vector.shape_cast %mul3A_437 : vector<16xf32> to vector<1x16xf32>
        tpu.vector_store %arg9[%swap3A_438, %swap3A_439], %swap3A_442 {strides = array<i32>} : memref<128x128xf32, #tpu.memory_space<vmem>>, vector<1x16xf32>,
        %get3A_443 = arith.index_cast %add3A_369 : i32 to index
        %get3A_444 = arith.constant 112 : index
        %get3A_445 = tpu.vector_load %arg9[%get3A_443, %get3A_444] {strides = array<i32>} : memref<128x128xf32, #tpu.memory_space<vmem>>, vector<1x16xf32>,
        %get3A_446 = vector.shape_cast %get3A_445 : vector<1x16xf32> to vector<16xf32>
        %mul3A_447 = arith.mulf %get3A_446, %broadcast_in_dim3A_372 : vector<16xf32>
        %swap3A_448 = arith.index_cast %add3A_369 : i32 to index
        %swap3A_449 = arith.constant 112 : index
        %swap3A_450 = tpu.vector_load %arg9[%swap3A_448, %swap3A_449] {strides = array<i32>} : memref<128x128xf32, #tpu.memory_space<vmem>>, vector<1x16xf32>,
        %swap3A_451 = vector.shape_cast %swap3A_450 : vector<1x16xf32> to vector<16xf32>
        %swap3A_452 = vector.shape_cast %mul3A_447 : vector<16xf32> to vector<1x16xf32>
        tpu.vector_store %arg9[%swap3A_448, %swap3A_449], %swap3A_452 {strides = array<i32>} : memref<128x128xf32, #tpu.memory_space<vmem>>, vector<1x16xf32>,
        %mul3A_453 = arith.constant 16 : i32
        %mul3A_454 = arith.muli %scan3A_275, %mul3A_453 : i32
        %add3A_455 = arith.constant 2 : i32
        %add3A_456 = arith.addi %mul3A_454, %add3A_455 : i32
        %slice3A_457 = vector.extract_strided_slice %get3A_280 {offsets = [2], sizes = [1], strides = [1]} : vector<16xf32> to vector<1xf32>
        %squeeze3A_458 = vector.extract %slice3A_457[0] : f32 from vector<1xf32>
        %broadcast_in_dim3A_459 = vector.broadcast %squeeze3A_458 : f32 to vector<16xf32>
        %get3A_460 = arith.index_cast %add3A_456 : i32 to index
        %get3A_461 = arith.constant 0 : index
        %get3A_462 = tpu.vector_load %arg9[%get3A_460, %get3A_461] {strides = array<i32>} : memref<128x128xf32, #tpu.memory_space<vmem>>, vector<1x16xf32>,
        %get3A_463 = vector.shape_cast %get3A_462 : vector<1x16xf32> to vector<16xf32>
        %mul3A_464 = arith.mulf %get3A_463, %broadcast_in_dim3A_459 : vector<16xf32>
        %swap3A_465 = arith.index_cast %add3A_456 : i32 to index
        %swap3A_466 = arith.constant 0 : index
        %swap3A_467 = tpu.vector_load %arg9[%swap3A_465, %swap3A_466] {strides = array<i32>} : memref<128x128xf32, #tpu.memory_space<vmem>>, vector<1x16xf32>,
        %swap3A_468 = vector.shape_cast %swap3A_467 : vector<1x16xf32> to vector<16xf32>
        %swap3A_469 = vector.shape_cast %mul3A_464 : vector<16xf32> to vector<1x16xf32>
        tpu.vector_store %arg9[%swap3A_465, %swap3A_466], %swap3A_469 {strides = array<i32>} : memref<128x128xf32, #tpu.memory_space<vmem>>, vector<1x16xf32>,
        %get3A_470 = arith.index_cast %add3A_456 : i32 to index
        %get3A_471 = arith.constant 16 : index
        %get3A_472 = tpu.vector_load %arg9[%get3A_470, %get3A_471] {strides = array<i32>} : memref<128x128xf32, #tpu.memory_space<vmem>>, vector<1x16xf32>,
        %get3A_473 = vector.shape_cast %get3A_472 : vector<1x16xf32> to vector<16xf32>
        %mul3A_474 = arith.mulf %get3A_473, %broadcast_in_dim3A_459 : vector<16xf32>
        %swap3A_475 = arith.index_cast %add3A_456 : i32 to index
        %swap3A_476 = arith.constant 16 : index
        %swap3A_477 = tpu.vector_load %arg9[%swap3A_475, %swap3A_476] {strides = array<i32>} : memref<128x128xf32, #tpu.memory_space<vmem>>, vector<1x16xf32>,
        %swap3A_478 = vector.shape_cast %swap3A_477 : vector<1x16xf32> to vector<16xf32>
        %swap3A_479 = vector.shape_cast %mul3A_474 : vector<16xf32> to vector<1x16xf32>
        tpu.vector_store %arg9[%swap3A_475, %swap3A_476], %swap3A_479 {strides = array<i32>} : memref<128x128xf32, #tpu.memory_space<vmem>>, vector<1x16xf32>,
        %get3A_480 = arith.index_cast %add3A_456 : i32 to index
        %get3A_481 = arith.constant 32 : index
        %get3A_482 = tpu.vector_load %arg9[%get3A_480, %get3A_481] {strides = array<i32>} : memref<128x128xf32, #tpu.memory_space<vmem>>, vector<1x16xf32>,
        %get3A_483 = vector.shape_cast %get3A_482 : vector<1x16xf32> to vector<16xf32>
        %mul3A_484 = arith.mulf %get3A_483, %broadcast_in_dim3A_459 : vector<16xf32>
        %swap3A_485 = arith.index_cast %add3A_456 : i32 to index
        %swap3A_486 = arith.constant 32 : index
        %swap3A_487 = tpu.vector_load %arg9[%swap3A_485, %swap3A_486] {strides = array<i32>} : memref<128x128xf32, #tpu.memory_space<vmem>>, vector<1x16xf32>,
        %swap3A_488 = vector.shape_cast %swap3A_487 : vector<1x16xf32> to vector<16xf32>
        %swap3A_489 = vector.shape_cast %mul3A_484 : vector<16xf32> to vector<1x16xf32>
        tpu.vector_store %arg9[%swap3A_485, %swap3A_486], %swap3A_489 {strides = array<i32>} : memref<128x128xf32, #tpu.memory_space<vmem>>, vector<1x16xf32>,
        %get3A_490 = arith.index_cast %add3A_456 : i32 to index
        %get3A_491 = arith.constant 48 : index
        %get3A_492 = tpu.vector_load %arg9[%get3A_490, %get3A_491] {strides = array<i32>} : memref<128x128xf32, #tpu.memory_space<vmem>>, vector<1x16xf32>,
        %get3A_493 = vector.shape_cast %get3A_492 : vector<1x16xf32> to vector<16xf32>
        %mul3A_494 = arith.mulf %get3A_493, %broadcast_in_dim3A_459 : vector<16xf32>
        %swap3A_495 = arith.index_cast %add3A_456 : i32 to index
        %swap3A_496 = arith.constant 48 : index
        %swap3A_497 = tpu.vector_load %arg9[%swap3A_495, %swap3A_496] {strides = array<i32>} : memref<128x128xf32, #tpu.memory_space<vmem>>, vector<1x16xf32>,
        %swap3A_498 = vector.shape_cast %swap3A_497 : vector<1x16xf32> to vector<16xf32>
        %swap3A_499 = vector.shape_cast %mul3A_494 : vector<16xf32> to vector<1x16xf32>
        tpu.vector_store %arg9[%swap3A_495, %swap3A_496], %swap3A_499 {strides = array<i32>} : memref<128x128xf32, #tpu.memory_space<vmem>>, vector<1x16xf32>,
        %get3A_500 = arith.index_cast %add3A_456 : i32 to index
        %get3A_501 = arith.constant 64 : index
        %get3A_502 = tpu.vector_load %arg9[%get3A_500, %get3A_501] {strides = array<i32>} : memref<128x128xf32, #tpu.memory_space<vmem>>, vector<1x16xf32>,
        %get3A_503 = vector.shape_cast %get3A_502 : vector<1x16xf32> to vector<16xf32>
        %mul3A_504 = arith.mulf %get3A_503, %broadcast_in_dim3A_459 : vector<16xf32>
        %swap3A_505 = arith.index_cast %add3A_456 : i32 to index
        %swap3A_506 = arith.constant 64 : index
        %swap3A_507 = tpu.vector_load %arg9[%swap3A_505, %swap3A_506] {strides = array<i32>} : memref<128x128xf32, #tpu.memory_space<vmem>>, vector<1x16xf32>,
        %swap3A_508 = vector.shape_cast %swap3A_507 : vector<1x16xf32> to vector<16xf32>
        %swap3A_509 = vector.shape_cast %mul3A_504 : vector<16xf32> to vector<1x16xf32>
        tpu.vector_store %arg9[%swap3A_505, %swap3A_506], %swap3A_509 {strides = array<i32>} : memref<128x128xf32, #tpu.memory_space<vmem>>, vector<1x16xf32>,
        %get3A_510 = arith.index_cast %add3A_456 : i32 to index
        %get3A_511 = arith.constant 80 : index
        %get3A_512 = tpu.vector_load %arg9[%get3A_510, %get3A_511] {strides = array<i32>} : memref<128x128xf32, #tpu.memory_space<vmem>>, vector<1x16xf32>,
        %get3A_513 = vector.shape_cast %get3A_512 : vector<1x16xf32> to vector<16xf32>
        %mul3A_514 = arith.mulf %get3A_513, %broadcast_in_dim3A_459 : vector<16xf32>
        %swap3A_515 = arith.index_cast %add3A_456 : i32 to index
        %swap3A_516 = arith.constant 80 : index
        %swap3A_517 = tpu.vector_load %arg9[%swap3A_515, %swap3A_516] {strides = array<i32>} : memref<128x128xf32, #tpu.memory_space<vmem>>, vector<1x16xf32>,
        %swap3A_518 = vector.shape_cast %swap3A_517 : vector<1x16xf32> to vector<16xf32>
        %swap3A_519 = vector.shape_cast %mul3A_514 : vector<16xf32> to vector<1x16xf32>
        tpu.vector_store %arg9[%swap3A_515, %swap3A_516], %swap3A_519 {strides = array<i32>} : memref<128x128xf32, #tpu.memory_space<vmem>>, vector<1x16xf32>,
        %get3A_520 = arith.index_cast %add3A_456 : i32 to index
        %get3A_521 = arith.constant 96 : index
        %get3A_522 = tpu.vector_load %arg9[%get3A_520, %get3A_521] {strides = array<i32>} : memref<128x128xf32, #tpu.memory_space<vmem>>, vector<1x16xf32>,
        %get3A_523 = vector.shape_cast %get3A_522 : vector<1x16xf32> to vector<16xf32>
        %mul3A_524 = arith.mulf %get3A_523, %broadcast_in_dim3A_459 : vector<16xf32>
        %swap3A_525 = arith.index_cast %add3A_456 : i32 to index
        %swap3A_526 = arith.constant 96 : index
        %swap3A_527 = tpu.vector_load %arg9[%swap3A_525, %swap3A_526] {strides = array<i32>} : memref<128x128xf32, #tpu.memory_space<vmem>>, vector<1x16xf32>,
        %swap3A_528 = vector.shape_cast %swap3A_527 : vector<1x16xf32> to vector<16xf32>
        %swap3A_529 = vector.shape_cast %mul3A_524 : vector<16xf32> to vector<1x16xf32>
        tpu.vector_store %arg9[%swap3A_525, %swap3A_526], %swap3A_529 {strides = array<i32>} : memref<128x128xf32, #tpu.memory_space<vmem>>, vector<1x16xf32>,
        %get3A_530 = arith.index_cast %add3A_456 : i32 to index
        %get3A_531 = arith.constant 112 : index
        %get3A_532 = tpu.vector_load %arg9[%get3A_530, %get3A_531] {strides = array<i32>} : memref<128x128xf32, #tpu.memory_space<vmem>>, vector<1x16xf32>,
        %get3A_533 = vector.shape_cast %get3A_532 : vector<1x16xf32> to vector<16xf32>
        %mul3A_534 = arith.mulf %get3A_533, %broadcast_in_dim3A_459 : vector<16xf32>
        %swap3A_535 = arith.index_cast %add3A_456 : i32 to index
        %swap3A_536 = arith.constant 112 : index
        %swap3A_537 = tpu.vector_load %arg9[%swap3A_535, %swap3A_536] {strides = array<i32>} : memref<128x128xf32, #tpu.memory_space<vmem>>, vector<1x16xf32>,
        %swap3A_538 = vector.shape_cast %swap3A_537 : vector<1x16xf32> to vector<16xf32>
        %swap3A_539 = vector.shape_cast %mul3A_534 : vector<16xf32> to vector<1x16xf32>
        tpu.vector_store %arg9[%swap3A_535, %swap3A_536], %swap3A_539 {strides = array<i32>} : memref<128x128xf32, #tpu.memory_space<vmem>>, vector<1x16xf32>,
        %mul3A_540 = arith.constant 16 : i32
        %mul3A_541 = arith.muli %scan3A_275, %mul3A_540 : i32
        %add3A_542 = arith.constant 3 : i32
        %add3A_543 = arith.addi %mul3A_541, %add3A_542 : i32
        %slice3A_544 = vector.extract_strided_slice %get3A_280 {offsets = [3], sizes = [1], strides = [1]} : vector<16xf32> to vector<1xf32>
        %squeeze3A_545 = vector.extract %slice3A_544[0] : f32 from vector<1xf32>
        %broadcast_in_dim3A_546 = vector.broadcast %squeeze3A_545 : f32 to vector<16xf32>
        %get3A_547 = arith.index_cast %add3A_543 : i32 to index
        %get3A_548 = arith.constant 0 : index
        %get3A_549 = tpu.vector_load %arg9[%get3A_547, %get3A_548] {strides = array<i32>} : memref<128x128xf32, #tpu.memory_space<vmem>>, vector<1x16xf32>,
        %get3A_550 = vector.shape_cast %get3A_549 : vector<1x16xf32> to vector<16xf32>
        %mul3A_551 = arith.mulf %get3A_550, %broadcast_in_dim3A_546 : vector<16xf32>
        %swap3A_552 = arith.index_cast %add3A_543 : i32 to index
        %swap3A_553 = arith.constant 0 : index
        %swap3A_554 = tpu.vector_load %arg9[%swap3A_552, %swap3A_553] {strides = array<i32>} : memref<128x128xf32, #tpu.memory_space<vmem>>, vector<1x16xf32>,
        %swap3A_555 = vector.shape_cast %swap3A_554 : vector<1x16xf32> to vector<16xf32>
        %swap3A_556 = vector.shape_cast %mul3A_551 : vector<16xf32> to vector<1x16xf32>
        tpu.vector_store %arg9[%swap3A_552, %swap3A_553], %swap3A_556 {strides = array<i32>} : memref<128x128xf32, #tpu.memory_space<vmem>>, vector<1x16xf32>,
        %get3A_557 = arith.index_cast %add3A_543 : i32 to index
        %get3A_558 = arith.constant 16 : index
        %get3A_559 = tpu.vector_load %arg9[%get3A_557, %get3A_558] {strides = array<i32>} : memref<128x128xf32, #tpu.memory_space<vmem>>, vector<1x16xf32>,
        %get3A_560 = vector.shape_cast %get3A_559 : vector<1x16xf32> to vector<16xf32>
        %mul3A_561 = arith.mulf %get3A_560, %broadcast_in_dim3A_546 : vector<16xf32>
        %swap3A_562 = arith.index_cast %add3A_543 : i32 to index
        %swap3A_563 = arith.constant 16 : index
        %swap3A_564 = tpu.vector_load %arg9[%swap3A_562, %swap3A_563] {strides = array<i32>} : memref<128x128xf32, #tpu.memory_space<vmem>>, vector<1x16xf32>,
        %swap3A_565 = vector.shape_cast %swap3A_564 : vector<1x16xf32> to vector<16xf32>
        %swap3A_566 = vector.shape_cast %mul3A_561 : vector<16xf32> to vector<1x16xf32>
        tpu.vector_store %arg9[%swap3A_562, %swap3A_563], %swap3A_566 {strides = array<i32>} : memref<128x128xf32, #tpu.memory_space<vmem>>, vector<1x16xf32>,
        %get3A_567 = arith.index_cast %add3A_543 : i32 to index
        %get3A_568 = arith.constant 32 : index
        %get3A_569 = tpu.vector_load %arg9[%get3A_567, %get3A_568] {strides = array<i32>} : memref<128x128xf32, #tpu.memory_space<vmem>>, vector<1x16xf32>,
        %get3A_570 = vector.shape_cast %get3A_569 : vector<1x16xf32> to vector<16xf32>
        %mul3A_571 = arith.mulf %get3A_570, %broadcast_in_dim3A_546 : vector<16xf32>
        %swap3A_572 = arith.index_cast %add3A_543 : i32 to index
        %swap3A_573 = arith.constant 32 : index
        %swap3A_574 = tpu.vector_load %arg9[%swap3A_572, %swap3A_573] {strides = array<i32>} : memref<128x128xf32, #tpu.memory_space<vmem>>, vector<1x16xf32>,
        %swap3A_575 = vector.shape_cast %swap3A_574 : vector<1x16xf32> to vector<16xf32>
        %swap3A_576 = vector.shape_cast %mul3A_571 : vector<16xf32> to vector<1x16xf32>
        tpu.vector_store %arg9[%swap3A_572, %swap3A_573], %swap3A_576 {strides = array<i32>} : memref<128x128xf32, #tpu.memory_space<vmem>>, vector<1x16xf32>,
        %get3A_577 = arith.index_cast %add3A_543 : i32 to index
        %get3A_578 = arith.constant 48 : index
        %get3A_579 = tpu.vector_load %arg9[%get3A_577, %get3A_578] {strides = array<i32>} : memref<128x128xf32, #tpu.memory_space<vmem>>, vector<1x16xf32>,
        %get3A_580 = vector.shape_cast %get3A_579 : vector<1x16xf32> to vector<16xf32>
        %mul3A_581 = arith.mulf %get3A_580, %broadcast_in_dim3A_546 : vector<16xf32>
        %swap3A_582 = arith.index_cast %add3A_543 : i32 to index
        %swap3A_583 = arith.constant 48 : index
        %swap3A_584 = tpu.vector_load %arg9[%swap3A_582, %swap3A_583] {strides = array<i32>} : memref<128x128xf32, #tpu.memory_space<vmem>>, vector<1x16xf32>,
        %swap3A_585 = vector.shape_cast %swap3A_584 : vector<1x16xf32> to vector<16xf32>
        %swap3A_586 = vector.shape_cast %mul3A_581 : vector<16xf32> to vector<1x16xf32>
        tpu.vector_store %arg9[%swap3A_582, %swap3A_583], %swap3A_586 {strides = array<i32>} : memref<128x128xf32, #tpu.memory_space<vmem>>, vector<1x16xf32>,
        %get3A_587 = arith.index_cast %add3A_543 : i32 to index
        %get3A_588 = arith.constant 64 : index
        %get3A_589 = tpu.vector_load %arg9[%get3A_587, %get3A_588] {strides = array<i32>} : memref<128x128xf32, #tpu.memory_space<vmem>>, vector<1x16xf32>,
        %get3A_590 = vector.shape_cast %get3A_589 : vector<1x16xf32> to vector<16xf32>
        %mul3A_591 = arith.mulf %get3A_590, %broadcast_in_dim3A_546 : vector<16xf32>
        %swap3A_592 = arith.index_cast %add3A_543 : i32 to index
        %swap3A_593 = arith.constant 64 : index
        %swap3A_594 = tpu.vector_load %arg9[%swap3A_592, %swap3A_593] {strides = array<i32>} : memref<128x128xf32, #tpu.memory_space<vmem>>, vector<1x16xf32>,
        %swap3A_595 = vector.shape_cast %swap3A_594 : vector<1x16xf32> to vector<16xf32>
        %swap3A_596 = vector.shape_cast %mul3A_591 : vector<16xf32> to vector<1x16xf32>
        tpu.vector_store %arg9[%swap3A_592, %swap3A_593], %swap3A_596 {strides = array<i32>} : memref<128x128xf32, #tpu.memory_space<vmem>>, vector<1x16xf32>,
        %get3A_597 = arith.index_cast %add3A_543 : i32 to index
        %get3A_598 = arith.constant 80 : index
        %get3A_599 = tpu.vector_load %arg9[%get3A_597, %get3A_598] {strides = array<i32>} : memref<128x128xf32, #tpu.memory_space<vmem>>, vector<1x16xf32>,
        %get3A_600 = vector.shape_cast %get3A_599 : vector<1x16xf32> to vector<16xf32>
        %mul3A_601 = arith.mulf %get3A_600, %broadcast_in_dim3A_546 : vector<16xf32>
        %swap3A_602 = arith.index_cast %add3A_543 : i32 to index
        %swap3A_603 = arith.constant 80 : index
        %swap3A_604 = tpu.vector_load %arg9[%swap3A_602, %swap3A_603] {strides = array<i32>} : memref<128x128xf32, #tpu.memory_space<vmem>>, vector<1x16xf32>,
        %swap3A_605 = vector.shape_cast %swap3A_604 : vector<1x16xf32> to vector<16xf32>
        %swap3A_606 = vector.shape_cast %mul3A_601 : vector<16xf32> to vector<1x16xf32>
        tpu.vector_store %arg9[%swap3A_602, %swap3A_603], %swap3A_606 {strides = array<i32>} : memref<128x128xf32, #tpu.memory_space<vmem>>, vector<1x16xf32>,
        %get3A_607 = arith.index_cast %add3A_543 : i32 to index
        %get3A_608 = arith.constant 96 : index
        %get3A_609 = tpu.vector_load %arg9[%get3A_607, %get3A_608] {strides = array<i32>} : memref<128x128xf32, #tpu.memory_space<vmem>>, vector<1x16xf32>,
        %get3A_610 = vector.shape_cast %get3A_609 : vector<1x16xf32> to vector<16xf32>
        %mul3A_611 = arith.mulf %get3A_610, %broadcast_in_dim3A_546 : vector<16xf32>
        %swap3A_612 = arith.index_cast %add3A_543 : i32 to index
        %swap3A_613 = arith.constant 96 : index
        %swap3A_614 = tpu.vector_load %arg9[%swap3A_612, %swap3A_613] {strides = array<i32>} : memref<128x128xf32, #tpu.memory_space<vmem>>, vector<1x16xf32>,
        %swap3A_615 = vector.shape_cast %swap3A_614 : vector<1x16xf32> to vector<16xf32>
        %swap3A_616 = vector.shape_cast %mul3A_611 : vector<16xf32> to vector<1x16xf32>
        tpu.vector_store %arg9[%swap3A_612, %swap3A_613], %swap3A_616 {strides = array<i32>} : memref<128x128xf32, #tpu.memory_space<vmem>>, vector<1x16xf32>,
        %get3A_617 = arith.index_cast %add3A_543 : i32 to index
        %get3A_618 = arith.constant 112 : index
        %get3A_619 = tpu.vector_load %arg9[%get3A_617, %get3A_618] {strides = array<i32>} : memref<128x128xf32, #tpu.memory_space<vmem>>, vector<1x16xf32>,
        %get3A_620 = vector.shape_cast %get3A_619 : vector<1x16xf32> to vector<16xf32>
        %mul3A_621 = arith.mulf %get3A_620, %broadcast_in_dim3A_546 : vector<16xf32>
        %swap3A_622 = arith.index_cast %add3A_543 : i32 to index
        %swap3A_623 = arith.constant 112 : index
        %swap3A_624 = tpu.vector_load %arg9[%swap3A_622, %swap3A_623] {strides = array<i32>} : memref<128x128xf32, #tpu.memory_space<vmem>>, vector<1x16xf32>,
        %swap3A_625 = vector.shape_cast %swap3A_624 : vector<1x16xf32> to vector<16xf32>
        %swap3A_626 = vector.shape_cast %mul3A_621 : vector<16xf32> to vector<1x16xf32>
        tpu.vector_store %arg9[%swap3A_622, %swap3A_623], %swap3A_626 {strides = array<i32>} : memref<128x128xf32, #tpu.memory_space<vmem>>, vector<1x16xf32>,
        %mul3A_627 = arith.constant 16 : i32
        %mul3A_628 = arith.muli %scan3A_275, %mul3A_627 : i32
        %add3A_629 = arith.constant 4 : i32
        %add3A_630 = arith.addi %mul3A_628, %add3A_629 : i32
        %slice3A_631 = vector.extract_strided_slice %get3A_280 {offsets = [4], sizes = [1], strides = [1]} : vector<16xf32> to vector<1xf32>
        %squeeze3A_632 = vector.extract %slice3A_631[0] : f32 from vector<1xf32>
        %broadcast_in_dim3A_633 = vector.broadcast %squeeze3A_632 : f32 to vector<16xf32>
        %get3A_634 = arith.index_cast %add3A_630 : i32 to index
        %get3A_635 = arith.constant 0 : index
        %get3A_636 = tpu.vector_load %arg9[%get3A_634, %get3A_635] {strides = array<i32>} : memref<128x128xf32, #tpu.memory_space<vmem>>, vector<1x16xf32>,
        %get3A_637 = vector.shape_cast %get3A_636 : vector<1x16xf32> to vector<16xf32>
        %mul3A_638 = arith.mulf %get3A_637, %broadcast_in_dim3A_633 : vector<16xf32>
        %swap3A_639 = arith.index_cast %add3A_630 : i32 to index
        %swap3A_640 = arith.constant 0 : index
        %swap3A_641 = tpu.vector_load %arg9[%swap3A_639, %swap3A_640] {strides = array<i32>} : memref<128x128xf32, #tpu.memory_space<vmem>>, vector<1x16xf32>,
        %swap3A_642 = vector.shape_cast %swap3A_641 : vector<1x16xf32> to vector<16xf32>
        %swap3A_643 = vector.shape_cast %mul3A_638 : vector<16xf32> to vector<1x16xf32>
        tpu.vector_store %arg9[%swap3A_639, %swap3A_640], %swap3A_643 {strides = array<i32>} : memref<128x128xf32, #tpu.memory_space<vmem>>, vector<1x16xf32>,
        %get3A_644 = arith.index_cast %add3A_630 : i32 to index
        %get3A_645 = arith.constant 16 : index
        %get3A_646 = tpu.vector_load %arg9[%get3A_644, %get3A_645] {strides = array<i32>} : memref<128x128xf32, #tpu.memory_space<vmem>>, vector<1x16xf32>,
        %get3A_647 = vector.shape_cast %get3A_646 : vector<1x16xf32> to vector<16xf32>
        %mul3A_648 = arith.mulf %get3A_647, %broadcast_in_dim3A_633 : vector<16xf32>
        %swap3A_649 = arith.index_cast %add3A_630 : i32 to index
        %swap3A_650 = arith.constant 16 : index
        %swap3A_651 = tpu.vector_load %arg9[%swap3A_649, %swap3A_650] {strides = array<i32>} : memref<128x128xf32, #tpu.memory_space<vmem>>, vector<1x16xf32>,
        %swap3A_652 = vector.shape_cast %swap3A_651 : vector<1x16xf32> to vector<16xf32>
        %swap3A_653 = vector.shape_cast %mul3A_648 : vector<16xf32> to vector<1x16xf32>
        tpu.vector_store %arg9[%swap3A_649, %swap3A_650], %swap3A_653 {strides = array<i32>} : memref<128x128xf32, #tpu.memory_space<vmem>>, vector<1x16xf32>,
        %get3A_654 = arith.index_cast %add3A_630 : i32 to index
        %get3A_655 = arith.constant 32 : index
        %get3A_656 = tpu.vector_load %arg9[%get3A_654, %get3A_655] {strides = array<i32>} : memref<128x128xf32, #tpu.memory_space<vmem>>, vector<1x16xf32>,
        %get3A_657 = vector.shape_cast %get3A_656 : vector<1x16xf32> to vector<16xf32>
        %mul3A_658 = arith.mulf %get3A_657, %broadcast_in_dim3A_633 : vector<16xf32>
        %swap3A_659 = arith.index_cast %add3A_630 : i32 to index
        %swap3A_660 = arith.constant 32 : index
        %swap3A_661 = tpu.vector_load %arg9[%swap3A_659, %swap3A_660] {strides = array<i32>} : memref<128x128xf32, #tpu.memory_space<vmem>>, vector<1x16xf32>,
        %swap3A_662 = vector.shape_cast %swap3A_661 : vector<1x16xf32> to vector<16xf32>
        %swap3A_663 = vector.shape_cast %mul3A_658 : vector<16xf32> to vector<1x16xf32>
        tpu.vector_store %arg9[%swap3A_659, %swap3A_660], %swap3A_663 {strides = array<i32>} : memref<128x128xf32, #tpu.memory_space<vmem>>, vector<1x16xf32>,
        %get3A_664 = arith.index_cast %add3A_630 : i32 to index
        %get3A_665 = arith.constant 48 : index
        %get3A_666 = tpu.vector_load %arg9[%get3A_664, %get3A_665] {strides = array<i32>} : memref<128x128xf32, #tpu.memory_space<vmem>>, vector<1x16xf32>,
        %get3A_667 = vector.shape_cast %get3A_666 : vector<1x16xf32> to vector<16xf32>
        %mul3A_668 = arith.mulf %get3A_667, %broadcast_in_dim3A_633 : vector<16xf32>
        %swap3A_669 = arith.index_cast %add3A_630 : i32 to index
        %swap3A_670 = arith.constant 48 : index
        %swap3A_671 = tpu.vector_load %arg9[%swap3A_669, %swap3A_670] {strides = array<i32>} : memref<128x128xf32, #tpu.memory_space<vmem>>, vector<1x16xf32>,
        %swap3A_672 = vector.shape_cast %swap3A_671 : vector<1x16xf32> to vector<16xf32>
        %swap3A_673 = vector.shape_cast %mul3A_668 : vector<16xf32> to vector<1x16xf32>
        tpu.vector_store %arg9[%swap3A_669, %swap3A_670], %swap3A_673 {strides = array<i32>} : memref<128x128xf32, #tpu.memory_space<vmem>>, vector<1x16xf32>,
        %get3A_674 = arith.index_cast %add3A_630 : i32 to index
        %get3A_675 = arith.constant 64 : index
        %get3A_676 = tpu.vector_load %arg9[%get3A_674, %get3A_675] {strides = array<i32>} : memref<128x128xf32, #tpu.memory_space<vmem>>, vector<1x16xf32>,
        %get3A_677 = vector.shape_cast %get3A_676 : vector<1x16xf32> to vector<16xf32>
        %mul3A_678 = arith.mulf %get3A_677, %broadcast_in_dim3A_633 : vector<16xf32>
        %swap3A_679 = arith.index_cast %add3A_630 : i32 to index
        %swap3A_680 = arith.constant 64 : index
        %swap3A_681 = tpu.vector_load %arg9[%swap3A_679, %swap3A_680] {strides = array<i32>} : memref<128x128xf32, #tpu.memory_space<vmem>>, vector<1x16xf32>,
        %swap3A_682 = vector.shape_cast %swap3A_681 : vector<1x16xf32> to vector<16xf32>
        %swap3A_683 = vector.shape_cast %mul3A_678 : vector<16xf32> to vector<1x16xf32>
        tpu.vector_store %arg9[%swap3A_679, %swap3A_680], %swap3A_683 {strides = array<i32>} : memref<128x128xf32, #tpu.memory_space<vmem>>, vector<1x16xf32>,
        %get3A_684 = arith.index_cast %add3A_630 : i32 to index
        %get3A_685 = arith.constant 80 : index
        %get3A_686 = tpu.vector_load %arg9[%get3A_684, %get3A_685] {strides = array<i32>} : memref<128x128xf32, #tpu.memory_space<vmem>>, vector<1x16xf32>,
        %get3A_687 = vector.shape_cast %get3A_686 : vector<1x16xf32> to vector<16xf32>
        %mul3A_688 = arith.mulf %get3A_687, %broadcast_in_dim3A_633 : vector<16xf32>
        %swap3A_689 = arith.index_cast %add3A_630 : i32 to index
        %swap3A_690 = arith.constant 80 : index
        %swap3A_691 = tpu.vector_load %arg9[%swap3A_689, %swap3A_690] {strides = array<i32>} : memref<128x128xf32, #tpu.memory_space<vmem>>, vector<1x16xf32>,
        %swap3A_692 = vector.shape_cast %swap3A_691 : vector<1x16xf32> to vector<16xf32>
        %swap3A_693 = vector.shape_cast %mul3A_688 : vector<16xf32> to vector<1x16xf32>
        tpu.vector_store %arg9[%swap3A_689, %swap3A_690], %swap3A_693 {strides = array<i32>} : memref<128x128xf32, #tpu.memory_space<vmem>>, vector<1x16xf32>,
        %get3A_694 = arith.index_cast %add3A_630 : i32 to index
        %get3A_695 = arith.constant 96 : index
        %get3A_696 = tpu.vector_load %arg9[%get3A_694, %get3A_695] {strides = array<i32>} : memref<128x128xf32, #tpu.memory_space<vmem>>, vector<1x16xf32>,
        %get3A_697 = vector.shape_cast %get3A_696 : vector<1x16xf32> to vector<16xf32>
        %mul3A_698 = arith.mulf %get3A_697, %broadcast_in_dim3A_633 : vector<16xf32>
        %swap3A_699 = arith.index_cast %add3A_630 : i32 to index
        %swap3A_700 = arith.constant 96 : index
        %swap3A_701 = tpu.vector_load %arg9[%swap3A_699, %swap3A_700] {strides = array<i32>} : memref<128x128xf32, #tpu.memory_space<vmem>>, vector<1x16xf32>,
        %swap3A_702 = vector.shape_cast %swap3A_701 : vector<1x16xf32> to vector<16xf32>
        %swap3A_703 = vector.shape_cast %mul3A_698 : vector<16xf32> to vector<1x16xf32>
        tpu.vector_store %arg9[%swap3A_699, %swap3A_700], %swap3A_703 {strides = array<i32>} : memref<128x128xf32, #tpu.memory_space<vmem>>, vector<1x16xf32>,
        %get3A_704 = arith.index_cast %add3A_630 : i32 to index
        %get3A_705 = arith.constant 112 : index
        %get3A_706 = tpu.vector_load %arg9[%get3A_704, %get3A_705] {strides = array<i32>} : memref<128x128xf32, #tpu.memory_space<vmem>>, vector<1x16xf32>,
        %get3A_707 = vector.shape_cast %get3A_706 : vector<1x16xf32> to vector<16xf32>
        %mul3A_708 = arith.mulf %get3A_707, %broadcast_in_dim3A_633 : vector<16xf32>
        %swap3A_709 = arith.index_cast %add3A_630 : i32 to index
        %swap3A_710 = arith.constant 112 : index
        %swap3A_711 = tpu.vector_load %arg9[%swap3A_709, %swap3A_710] {strides = array<i32>} : memref<128x128xf32, #tpu.memory_space<vmem>>, vector<1x16xf32>,
        %swap3A_712 = vector.shape_cast %swap3A_711 : vector<1x16xf32> to vector<16xf32>
        %swap3A_713 = vector.shape_cast %mul3A_708 : vector<16xf32> to vector<1x16xf32>
        tpu.vector_store %arg9[%swap3A_709, %swap3A_710], %swap3A_713 {strides = array<i32>} : memref<128x128xf32, #tpu.memory_space<vmem>>, vector<1x16xf32>,
        %mul3A_714 = arith.constant 16 : i32
        %mul3A_715 = arith.muli %scan3A_275, %mul3A_714 : i32
        %add3A_716 = arith.constant 5 : i32
        %add3A_717 = arith.addi %mul3A_715, %add3A_716 : i32
        %slice3A_718 = vector.extract_strided_slice %get3A_280 {offsets = [5], sizes = [1], strides = [1]} : vector<16xf32> to vector<1xf32>
        %squeeze3A_719 = vector.extract %slice3A_718[0] : f32 from vector<1xf32>
        %broadcast_in_dim3A_720 = vector.broadcast %squeeze3A_719 : f32 to vector<16xf32>
        %get3A_721 = arith.index_cast %add3A_717 : i32 to index
        %get3A_722 = arith.constant 0 : index
        %get3A_723 = tpu.vector_load %arg9[%get3A_721, %get3A_722] {strides = array<i32>} : memref<128x128xf32, #tpu.memory_space<vmem>>, vector<1x16xf32>,
        %get3A_724 = vector.shape_cast %get3A_723 : vector<1x16xf32> to vector<16xf32>
        %mul3A_725 = arith.mulf %get3A_724, %broadcast_in_dim3A_720 : vector<16xf32>
        %swap3A_726 = arith.index_cast %add3A_717 : i32 to index
        %swap3A_727 = arith.constant 0 : index
        %swap3A_728 = tpu.vector_load %arg9[%swap3A_726, %swap3A_727] {strides = array<i32>} : memref<128x128xf32, #tpu.memory_space<vmem>>, vector<1x16xf32>,
        %swap3A_729 = vector.shape_cast %swap3A_728 : vector<1x16xf32> to vector<16xf32>
        %swap3A_730 = vector.shape_cast %mul3A_725 : vector<16xf32> to vector<1x16xf32>
        tpu.vector_store %arg9[%swap3A_726, %swap3A_727], %swap3A_730 {strides = array<i32>} : memref<128x128xf32, #tpu.memory_space<vmem>>, vector<1x16xf32>,
        %get3A_731 = arith.index_cast %add3A_717 : i32 to index
        %get3A_732 = arith.constant 16 : index
        %get3A_733 = tpu.vector_load %arg9[%get3A_731, %get3A_732] {strides = array<i32>} : memref<128x128xf32, #tpu.memory_space<vmem>>, vector<1x16xf32>,
        %get3A_734 = vector.shape_cast %get3A_733 : vector<1x16xf32> to vector<16xf32>
        %mul3A_735 = arith.mulf %get3A_734, %broadcast_in_dim3A_720 : vector<16xf32>
        %swap3A_736 = arith.index_cast %add3A_717 : i32 to index
        %swap3A_737 = arith.constant 16 : index
        %swap3A_738 = tpu.vector_load %arg9[%swap3A_736, %swap3A_737] {strides = array<i32>} : memref<128x128xf32, #tpu.memory_space<vmem>>, vector<1x16xf32>,
        %swap3A_739 = vector.shape_cast %swap3A_738 : vector<1x16xf32> to vector<16xf32>
        %swap3A_740 = vector.shape_cast %mul3A_735 : vector<16xf32> to vector<1x16xf32>
        tpu.vector_store %arg9[%swap3A_736, %swap3A_737], %swap3A_740 {strides = array<i32>} : memref<128x128xf32, #tpu.memory_space<vmem>>, vector<1x16xf32>,
        %get3A_741 = arith.index_cast %add3A_717 : i32 to index
        %get3A_742 = arith.constant 32 : index
        %get3A_743 = tpu.vector_load %arg9[%get3A_741, %get3A_742] {strides = array<i32>} : memref<128x128xf32, #tpu.memory_space<vmem>>, vector<1x16xf32>,
        %get3A_744 = vector.shape_cast %get3A_743 : vector<1x16xf32> to vector<16xf32>
        %mul3A_745 = arith.mulf %get3A_744, %broadcast_in_dim3A_720 : vector<16xf32>
        %swap3A_746 = arith.index_cast %add3A_717 : i32 to index
        %swap3A_747 = arith.constant 32 : index
        %swap3A_748 = tpu.vector_load %arg9[%swap3A_746, %swap3A_747] {strides = array<i32>} : memref<128x128xf32, #tpu.memory_space<vmem>>, vector<1x16xf32>,
        %swap3A_749 = vector.shape_cast %swap3A_748 : vector<1x16xf32> to vector<16xf32>
        %swap3A_750 = vector.shape_cast %mul3A_745 : vector<16xf32> to vector<1x16xf32>
        tpu.vector_store %arg9[%swap3A_746, %swap3A_747], %swap3A_750 {strides = array<i32>} : memref<128x128xf32, #tpu.memory_space<vmem>>, vector<1x16xf32>,
        %get3A_751 = arith.index_cast %add3A_717 : i32 to index
        %get3A_752 = arith.constant 48 : index
        %get3A_753 = tpu.vector_load %arg9[%get3A_751, %get3A_752] {strides = array<i32>} : memref<128x128xf32, #tpu.memory_space<vmem>>, vector<1x16xf32>,
        %get3A_754 = vector.shape_cast %get3A_753 : vector<1x16xf32> to vector<16xf32>
        %mul3A_755 = arith.mulf %get3A_754, %broadcast_in_dim3A_720 : vector<16xf32>
        %swap3A_756 = arith.index_cast %add3A_717 : i32 to index
        %swap3A_757 = arith.constant 48 : index
        %swap3A_758 = tpu.vector_load %arg9[%swap3A_756, %swap3A_757] {strides = array<i32>} : memref<128x128xf32, #tpu.memory_space<vmem>>, vector<1x16xf32>,
        %swap3A_759 = vector.shape_cast %swap3A_758 : vector<1x16xf32> to vector<16xf32>
        %swap3A_760 = vector.shape_cast %mul3A_755 : vector<16xf32> to vector<1x16xf32>
        tpu.vector_store %arg9[%swap3A_756, %swap3A_757], %swap3A_760 {strides = array<i32>} : memref<128x128xf32, #tpu.memory_space<vmem>>, vector<1x16xf32>,
        %get3A_761 = arith.index_cast %add3A_717 : i32 to index
        %get3A_762 = arith.constant 64 : index
        %get3A_763 = tpu.vector_load %arg9[%get3A_761, %get3A_762] {strides = array<i32>} : memref<128x128xf32, #tpu.memory_space<vmem>>, vector<1x16xf32>,
        %get3A_764 = vector.shape_cast %get3A_763 : vector<1x16xf32> to vector<16xf32>
        %mul3A_765 = arith.mulf %get3A_764, %broadcast_in_dim3A_720 : vector<16xf32>
        %swap3A_766 = arith.index_cast %add3A_717 : i32 to index
        %swap3A_767 = arith.constant 64 : index
        %swap3A_768 = tpu.vector_load %arg9[%swap3A_766, %swap3A_767] {strides = array<i32>} : memref<128x128xf32, #tpu.memory_space<vmem>>, vector<1x16xf32>,
        %swap3A_769 = vector.shape_cast %swap3A_768 : vector<1x16xf32> to vector<16xf32>
        %swap3A_770 = vector.shape_cast %mul3A_765 : vector<16xf32> to vector<1x16xf32>
        tpu.vector_store %arg9[%swap3A_766, %swap3A_767], %swap3A_770 {strides = array<i32>} : memref<128x128xf32, #tpu.memory_space<vmem>>, vector<1x16xf32>,
        %get3A_771 = arith.index_cast %add3A_717 : i32 to index
        %get3A_772 = arith.constant 80 : index
        %get3A_773 = tpu.vector_load %arg9[%get3A_771, %get3A_772] {strides = array<i32>} : memref<128x128xf32, #tpu.memory_space<vmem>>, vector<1x16xf32>,
        %get3A_774 = vector.shape_cast %get3A_773 : vector<1x16xf32> to vector<16xf32>
        %mul3A_775 = arith.mulf %get3A_774, %broadcast_in_dim3A_720 : vector<16xf32>
        %swap3A_776 = arith.index_cast %add3A_717 : i32 to index
        %swap3A_777 = arith.constant 80 : index
        %swap3A_778 = tpu.vector_load %arg9[%swap3A_776, %swap3A_777] {strides = array<i32>} : memref<128x128xf32, #tpu.memory_space<vmem>>, vector<1x16xf32>,
        %swap3A_779 = vector.shape_cast %swap3A_778 : vector<1x16xf32> to vector<16xf32>
        %swap3A_780 = vector.shape_cast %mul3A_775 : vector<16xf32> to vector<1x16xf32>
        tpu.vector_store %arg9[%swap3A_776, %swap3A_777], %swap3A_780 {strides = array<i32>} : memref<128x128xf32, #tpu.memory_space<vmem>>, vector<1x16xf32>,
        %get3A_781 = arith.index_cast %add3A_717 : i32 to index
        %get3A_782 = arith.constant 96 : index
        %get3A_783 = tpu.vector_load %arg9[%get3A_781, %get3A_782] {strides = array<i32>} : memref<128x128xf32, #tpu.memory_space<vmem>>, vector<1x16xf32>,
        %get3A_784 = vector.shape_cast %get3A_783 : vector<1x16xf32> to vector<16xf32>
        %mul3A_785 = arith.mulf %get3A_784, %broadcast_in_dim3A_720 : vector<16xf32>
        %swap3A_786 = arith.index_cast %add3A_717 : i32 to index
        %swap3A_787 = arith.constant 96 : index
        %swap3A_788 = tpu.vector_load %arg9[%swap3A_786, %swap3A_787] {strides = array<i32>} : memref<128x128xf32, #tpu.memory_space<vmem>>, vector<1x16xf32>,
        %swap3A_789 = vector.shape_cast %swap3A_788 : vector<1x16xf32> to vector<16xf32>
        %swap3A_790 = vector.shape_cast %mul3A_785 : vector<16xf32> to vector<1x16xf32>
        tpu.vector_store %arg9[%swap3A_786, %swap3A_787], %swap3A_790 {strides = array<i32>} : memref<128x128xf32, #tpu.memory_space<vmem>>, vector<1x16xf32>,
        %get3A_791 = arith.index_cast %add3A_717 : i32 to index
        %get3A_792 = arith.constant 112 : index
        %get3A_793 = tpu.vector_load %arg9[%get3A_791, %get3A_792] {strides = array<i32>} : memref<128x128xf32, #tpu.memory_space<vmem>>, vector<1x16xf32>,
        %get3A_794 = vector.shape_cast %get3A_793 : vector<1x16xf32> to vector<16xf32>
        %mul3A_795 = arith.mulf %get3A_794, %broadcast_in_dim3A_720 : vector<16xf32>
        %swap3A_796 = arith.index_cast %add3A_717 : i32 to index
        %swap3A_797 = arith.constant 112 : index
        %swap3A_798 = tpu.vector_load %arg9[%swap3A_796, %swap3A_797] {strides = array<i32>} : memref<128x128xf32, #tpu.memory_space<vmem>>, vector<1x16xf32>,
        %swap3A_799 = vector.shape_cast %swap3A_798 : vector<1x16xf32> to vector<16xf32>
        %swap3A_800 = vector.shape_cast %mul3A_795 : vector<16xf32> to vector<1x16xf32>
        tpu.vector_store %arg9[%swap3A_796, %swap3A_797], %swap3A_800 {strides = array<i32>} : memref<128x128xf32, #tpu.memory_space<vmem>>, vector<1x16xf32>,
        %mul3A_801 = arith.constant 16 : i32
        %mul3A_802 = arith.muli %scan3A_275, %mul3A_801 : i32
        %add3A_803 = arith.constant 6 : i32
        %add3A_804 = arith.addi %mul3A_802, %add3A_803 : i32
        %slice3A_805 = vector.extract_strided_slice %get3A_280 {offsets = [6], sizes = [1], strides = [1]} : vector<16xf32> to vector<1xf32>
        %squeeze3A_806 = vector.extract %slice3A_805[0] : f32 from vector<1xf32>
        %broadcast_in_dim3A_807 = vector.broadcast %squeeze3A_806 : f32 to vector<16xf32>
        %get3A_808 = arith.index_cast %add3A_804 : i32 to index
        %get3A_809 = arith.constant 0 : index
        %get3A_810 = tpu.vector_load %arg9[%get3A_808, %get3A_809] {strides = array<i32>} : memref<128x128xf32, #tpu.memory_space<vmem>>, vector<1x16xf32>,
        %get3A_811 = vector.shape_cast %get3A_810 : vector<1x16xf32> to vector<16xf32>
        %mul3A_812 = arith.mulf %get3A_811, %broadcast_in_dim3A_807 : vector<16xf32>
        %swap3A_813 = arith.index_cast %add3A_804 : i32 to index
        %swap3A_814 = arith.constant 0 : index
        %swap3A_815 = tpu.vector_load %arg9[%swap3A_813, %swap3A_814] {strides = array<i32>} : memref<128x128xf32, #tpu.memory_space<vmem>>, vector<1x16xf32>,
        %swap3A_816 = vector.shape_cast %swap3A_815 : vector<1x16xf32> to vector<16xf32>
        %swap3A_817 = vector.shape_cast %mul3A_812 : vector<16xf32> to vector<1x16xf32>
        tpu.vector_store %arg9[%swap3A_813, %swap3A_814], %swap3A_817 {strides = array<i32>} : memref<128x128xf32, #tpu.memory_space<vmem>>, vector<1x16xf32>,
        %get3A_818 = arith.index_cast %add3A_804 : i32 to index
        %get3A_819 = arith.constant 16 : index
        %get3A_820 = tpu.vector_load %arg9[%get3A_818, %get3A_819] {strides = array<i32>} : memref<128x128xf32, #tpu.memory_space<vmem>>, vector<1x16xf32>,
        %get3A_821 = vector.shape_cast %get3A_820 : vector<1x16xf32> to vector<16xf32>
        %mul3A_822 = arith.mulf %get3A_821, %broadcast_in_dim3A_807 : vector<16xf32>
        %swap3A_823 = arith.index_cast %add3A_804 : i32 to index
        %swap3A_824 = arith.constant 16 : index
        %swap3A_825 = tpu.vector_load %arg9[%swap3A_823, %swap3A_824] {strides = array<i32>} : memref<128x128xf32, #tpu.memory_space<vmem>>, vector<1x16xf32>,
        %swap3A_826 = vector.shape_cast %swap3A_825 : vector<1x16xf32> to vector<16xf32>
        %swap3A_827 = vector.shape_cast %mul3A_822 : vector<16xf32> to vector<1x16xf32>
        tpu.vector_store %arg9[%swap3A_823, %swap3A_824], %swap3A_827 {strides = array<i32>} : memref<128x128xf32, #tpu.memory_space<vmem>>, vector<1x16xf32>,
        %get3A_828 = arith.index_cast %add3A_804 : i32 to index
        %get3A_829 = arith.constant 32 : index
        %get3A_830 = tpu.vector_load %arg9[%get3A_828, %get3A_829] {strides = array<i32>} : memref<128x128xf32, #tpu.memory_space<vmem>>, vector<1x16xf32>,
        %get3A_831 = vector.shape_cast %get3A_830 : vector<1x16xf32> to vector<16xf32>
        %mul3A_832 = arith.mulf %get3A_831, %broadcast_in_dim3A_807 : vector<16xf32>
        %swap3A_833 = arith.index_cast %add3A_804 : i32 to index
        %swap3A_834 = arith.constant 32 : index
        %swap3A_835 = tpu.vector_load %arg9[%swap3A_833, %swap3A_834] {strides = array<i32>} : memref<128x128xf32, #tpu.memory_space<vmem>>, vector<1x16xf32>,
        %swap3A_836 = vector.shape_cast %swap3A_835 : vector<1x16xf32> to vector<16xf32>
        %swap3A_837 = vector.shape_cast %mul3A_832 : vector<16xf32> to vector<1x16xf32>
        tpu.vector_store %arg9[%swap3A_833, %swap3A_834], %swap3A_837 {strides = array<i32>} : memref<128x128xf32, #tpu.memory_space<vmem>>, vector<1x16xf32>,
        %get3A_838 = arith.index_cast %add3A_804 : i32 to index
        %get3A_839 = arith.constant 48 : index
        %get3A_840 = tpu.vector_load %arg9[%get3A_838, %get3A_839] {strides = array<i32>} : memref<128x128xf32, #tpu.memory_space<vmem>>, vector<1x16xf32>,
        %get3A_841 = vector.shape_cast %get3A_840 : vector<1x16xf32> to vector<16xf32>
        %mul3A_842 = arith.mulf %get3A_841, %broadcast_in_dim3A_807 : vector<16xf32>
        %swap3A_843 = arith.index_cast %add3A_804 : i32 to index
        %swap3A_844 = arith.constant 48 : index
        %swap3A_845 = tpu.vector_load %arg9[%swap3A_843, %swap3A_844] {strides = array<i32>} : memref<128x128xf32, #tpu.memory_space<vmem>>, vector<1x16xf32>,
        %swap3A_846 = vector.shape_cast %swap3A_845 : vector<1x16xf32> to vector<16xf32>
        %swap3A_847 = vector.shape_cast %mul3A_842 : vector<16xf32> to vector<1x16xf32>
        tpu.vector_store %arg9[%swap3A_843, %swap3A_844], %swap3A_847 {strides = array<i32>} : memref<128x128xf32, #tpu.memory_space<vmem>>, vector<1x16xf32>,
        %get3A_848 = arith.index_cast %add3A_804 : i32 to index
        %get3A_849 = arith.constant 64 : index
        %get3A_850 = tpu.vector_load %arg9[%get3A_848, %get3A_849] {strides = array<i32>} : memref<128x128xf32, #tpu.memory_space<vmem>>, vector<1x16xf32>,
        %get3A_851 = vector.shape_cast %get3A_850 : vector<1x16xf32> to vector<16xf32>
        %mul3A_852 = arith.mulf %get3A_851, %broadcast_in_dim3A_807 : vector<16xf32>
        %swap3A_853 = arith.index_cast %add3A_804 : i32 to index
        %swap3A_854 = arith.constant 64 : index
        %swap3A_855 = tpu.vector_load %arg9[%swap3A_853, %swap3A_854] {strides = array<i32>} : memref<128x128xf32, #tpu.memory_space<vmem>>, vector<1x16xf32>,
        %swap3A_856 = vector.shape_cast %swap3A_855 : vector<1x16xf32> to vector<16xf32>
        %swap3A_857 = vector.shape_cast %mul3A_852 : vector<16xf32> to vector<1x16xf32>
        tpu.vector_store %arg9[%swap3A_853, %swap3A_854], %swap3A_857 {strides = array<i32>} : memref<128x128xf32, #tpu.memory_space<vmem>>, vector<1x16xf32>,
        %get3A_858 = arith.index_cast %add3A_804 : i32 to index
        %get3A_859 = arith.constant 80 : index
        %get3A_860 = tpu.vector_load %arg9[%get3A_858, %get3A_859] {strides = array<i32>} : memref<128x128xf32, #tpu.memory_space<vmem>>, vector<1x16xf32>,
        %get3A_861 = vector.shape_cast %get3A_860 : vector<1x16xf32> to vector<16xf32>
        %mul3A_862 = arith.mulf %get3A_861, %broadcast_in_dim3A_807 : vector<16xf32>
        %swap3A_863 = arith.index_cast %add3A_804 : i32 to index
        %swap3A_864 = arith.constant 80 : index
        %swap3A_865 = tpu.vector_load %arg9[%swap3A_863, %swap3A_864] {strides = array<i32>} : memref<128x128xf32, #tpu.memory_space<vmem>>, vector<1x16xf32>,
        %swap3A_866 = vector.shape_cast %swap3A_865 : vector<1x16xf32> to vector<16xf32>
        %swap3A_867 = vector.shape_cast %mul3A_862 : vector<16xf32> to vector<1x16xf32>
        tpu.vector_store %arg9[%swap3A_863, %swap3A_864], %swap3A_867 {strides = array<i32>} : memref<128x128xf32, #tpu.memory_space<vmem>>, vector<1x16xf32>,
        %get3A_868 = arith.index_cast %add3A_804 : i32 to index
        %get3A_869 = arith.constant 96 : index
        %get3A_870 = tpu.vector_load %arg9[%get3A_868, %get3A_869] {strides = array<i32>} : memref<128x128xf32, #tpu.memory_space<vmem>>, vector<1x16xf32>,
        %get3A_871 = vector.shape_cast %get3A_870 : vector<1x16xf32> to vector<16xf32>
        %mul3A_872 = arith.mulf %get3A_871, %broadcast_in_dim3A_807 : vector<16xf32>
        %swap3A_873 = arith.index_cast %add3A_804 : i32 to index
        %swap3A_874 = arith.constant 96 : index
        %swap3A_875 = tpu.vector_load %arg9[%swap3A_873, %swap3A_874] {strides = array<i32>} : memref<128x128xf32, #tpu.memory_space<vmem>>, vector<1x16xf32>,
        %swap3A_876 = vector.shape_cast %swap3A_875 : vector<1x16xf32> to vector<16xf32>
        %swap3A_877 = vector.shape_cast %mul3A_872 : vector<16xf32> to vector<1x16xf32>
        tpu.vector_store %arg9[%swap3A_873, %swap3A_874], %swap3A_877 {strides = array<i32>} : memref<128x128xf32, #tpu.memory_space<vmem>>, vector<1x16xf32>,
        %get3A_878 = arith.index_cast %add3A_804 : i32 to index
        %get3A_879 = arith.constant 112 : index
        %get3A_880 = tpu.vector_load %arg9[%get3A_878, %get3A_879] {strides = array<i32>} : memref<128x128xf32, #tpu.memory_space<vmem>>, vector<1x16xf32>,
        %get3A_881 = vector.shape_cast %get3A_880 : vector<1x16xf32> to vector<16xf32>
        %mul3A_882 = arith.mulf %get3A_881, %broadcast_in_dim3A_807 : vector<16xf32>
        %swap3A_883 = arith.index_cast %add3A_804 : i32 to index
        %swap3A_884 = arith.constant 112 : index
        %swap3A_885 = tpu.vector_load %arg9[%swap3A_883, %swap3A_884] {strides = array<i32>} : memref<128x128xf32, #tpu.memory_space<vmem>>, vector<1x16xf32>,
        %swap3A_886 = vector.shape_cast %swap3A_885 : vector<1x16xf32> to vector<16xf32>
        %swap3A_887 = vector.shape_cast %mul3A_882 : vector<16xf32> to vector<1x16xf32>
        tpu.vector_store %arg9[%swap3A_883, %swap3A_884], %swap3A_887 {strides = array<i32>} : memref<128x128xf32, #tpu.memory_space<vmem>>, vector<1x16xf32>,
        %mul3A_888 = arith.constant 16 : i32
        %mul3A_889 = arith.muli %scan3A_275, %mul3A_888 : i32
        %add3A_890 = arith.constant 7 : i32
        %add3A_891 = arith.addi %mul3A_889, %add3A_890 : i32
        %slice3A_892 = vector.extract_strided_slice %get3A_280 {offsets = [7], sizes = [1], strides = [1]} : vector<16xf32> to vector<1xf32>
        %squeeze3A_893 = vector.extract %slice3A_892[0] : f32 from vector<1xf32>
        %broadcast_in_dim3A_894 = vector.broadcast %squeeze3A_893 : f32 to vector<16xf32>
        %get3A_895 = arith.index_cast %add3A_891 : i32 to index
        %get3A_896 = arith.constant 0 : index
        %get3A_897 = tpu.vector_load %arg9[%get3A_895, %get3A_896] {strides = array<i32>} : memref<128x128xf32, #tpu.memory_space<vmem>>, vector<1x16xf32>,
        %get3A_898 = vector.shape_cast %get3A_897 : vector<1x16xf32> to vector<16xf32>
        %mul3A_899 = arith.mulf %get3A_898, %broadcast_in_dim3A_894 : vector<16xf32>
        %swap3A_900 = arith.index_cast %add3A_891 : i32 to index
        %swap3A_901 = arith.constant 0 : index
        %swap3A_902 = tpu.vector_load %arg9[%swap3A_900, %swap3A_901] {strides = array<i32>} : memref<128x128xf32, #tpu.memory_space<vmem>>, vector<1x16xf32>,
        %swap3A_903 = vector.shape_cast %swap3A_902 : vector<1x16xf32> to vector<16xf32>
        %swap3A_904 = vector.shape_cast %mul3A_899 : vector<16xf32> to vector<1x16xf32>
        tpu.vector_store %arg9[%swap3A_900, %swap3A_901], %swap3A_904 {strides = array<i32>} : memref<128x128xf32, #tpu.memory_space<vmem>>, vector<1x16xf32>,
        %get3A_905 = arith.index_cast %add3A_891 : i32 to index
        %get3A_906 = arith.constant 16 : index
        %get3A_907 = tpu.vector_load %arg9[%get3A_905, %get3A_906] {strides = array<i32>} : memref<128x128xf32, #tpu.memory_space<vmem>>, vector<1x16xf32>,
        %get3A_908 = vector.shape_cast %get3A_907 : vector<1x16xf32> to vector<16xf32>
        %mul3A_909 = arith.mulf %get3A_908, %broadcast_in_dim3A_894 : vector<16xf32>
        %swap3A_910 = arith.index_cast %add3A_891 : i32 to index
        %swap3A_911 = arith.constant 16 : index
        %swap3A_912 = tpu.vector_load %arg9[%swap3A_910, %swap3A_911] {strides = array<i32>} : memref<128x128xf32, #tpu.memory_space<vmem>>, vector<1x16xf32>,
        %swap3A_913 = vector.shape_cast %swap3A_912 : vector<1x16xf32> to vector<16xf32>
        %swap3A_914 = vector.shape_cast %mul3A_909 : vector<16xf32> to vector<1x16xf32>
        tpu.vector_store %arg9[%swap3A_910, %swap3A_911], %swap3A_914 {strides = array<i32>} : memref<128x128xf32, #tpu.memory_space<vmem>>, vector<1x16xf32>,
        %get3A_915 = arith.index_cast %add3A_891 : i32 to index
        %get3A_916 = arith.constant 32 : index
        %get3A_917 = tpu.vector_load %arg9[%get3A_915, %get3A_916] {strides = array<i32>} : memref<128x128xf32, #tpu.memory_space<vmem>>, vector<1x16xf32>,
        %get3A_918 = vector.shape_cast %get3A_917 : vector<1x16xf32> to vector<16xf32>
        %mul3A_919 = arith.mulf %get3A_918, %broadcast_in_dim3A_894 : vector<16xf32>
        %swap3A_920 = arith.index_cast %add3A_891 : i32 to index
        %swap3A_921 = arith.constant 32 : index
        %swap3A_922 = tpu.vector_load %arg9[%swap3A_920, %swap3A_921] {strides = array<i32>} : memref<128x128xf32, #tpu.memory_space<vmem>>, vector<1x16xf32>,
        %swap3A_923 = vector.shape_cast %swap3A_922 : vector<1x16xf32> to vector<16xf32>
        %swap3A_924 = vector.shape_cast %mul3A_919 : vector<16xf32> to vector<1x16xf32>
        tpu.vector_store %arg9[%swap3A_920, %swap3A_921], %swap3A_924 {strides = array<i32>} : memref<128x128xf32, #tpu.memory_space<vmem>>, vector<1x16xf32>,
        %get3A_925 = arith.index_cast %add3A_891 : i32 to index
        %get3A_926 = arith.constant 48 : index
        %get3A_927 = tpu.vector_load %arg9[%get3A_925, %get3A_926] {strides = array<i32>} : memref<128x128xf32, #tpu.memory_space<vmem>>, vector<1x16xf32>,
        %get3A_928 = vector.shape_cast %get3A_927 : vector<1x16xf32> to vector<16xf32>
        %mul3A_929 = arith.mulf %get3A_928, %broadcast_in_dim3A_894 : vector<16xf32>
        %swap3A_930 = arith.index_cast %add3A_891 : i32 to index
        %swap3A_931 = arith.constant 48 : index
        %swap3A_932 = tpu.vector_load %arg9[%swap3A_930, %swap3A_931] {strides = array<i32>} : memref<128x128xf32, #tpu.memory_space<vmem>>, vector<1x16xf32>,
        %swap3A_933 = vector.shape_cast %swap3A_932 : vector<1x16xf32> to vector<16xf32>
        %swap3A_934 = vector.shape_cast %mul3A_929 : vector<16xf32> to vector<1x16xf32>
        tpu.vector_store %arg9[%swap3A_930, %swap3A_931], %swap3A_934 {strides = array<i32>} : memref<128x128xf32, #tpu.memory_space<vmem>>, vector<1x16xf32>,
        %get3A_935 = arith.index_cast %add3A_891 : i32 to index
        %get3A_936 = arith.constant 64 : index
        %get3A_937 = tpu.vector_load %arg9[%get3A_935, %get3A_936] {strides = array<i32>} : memref<128x128xf32, #tpu.memory_space<vmem>>, vector<1x16xf32>,
        %get3A_938 = vector.shape_cast %get3A_937 : vector<1x16xf32> to vector<16xf32>
        %mul3A_939 = arith.mulf %get3A_938, %broadcast_in_dim3A_894 : vector<16xf32>
        %swap3A_940 = arith.index_cast %add3A_891 : i32 to index
        %swap3A_941 = arith.constant 64 : index
        %swap3A_942 = tpu.vector_load %arg9[%swap3A_940, %swap3A_941] {strides = array<i32>} : memref<128x128xf32, #tpu.memory_space<vmem>>, vector<1x16xf32>,
        %swap3A_943 = vector.shape_cast %swap3A_942 : vector<1x16xf32> to vector<16xf32>
        %swap3A_944 = vector.shape_cast %mul3A_939 : vector<16xf32> to vector<1x16xf32>
        tpu.vector_store %arg9[%swap3A_940, %swap3A_941], %swap3A_944 {strides = array<i32>} : memref<128x128xf32, #tpu.memory_space<vmem>>, vector<1x16xf32>,
        %get3A_945 = arith.index_cast %add3A_891 : i32 to index
        %get3A_946 = arith.constant 80 : index
        %get3A_947 = tpu.vector_load %arg9[%get3A_945, %get3A_946] {strides = array<i32>} : memref<128x128xf32, #tpu.memory_space<vmem>>, vector<1x16xf32>,
        %get3A_948 = vector.shape_cast %get3A_947 : vector<1x16xf32> to vector<16xf32>
        %mul3A_949 = arith.mulf %get3A_948, %broadcast_in_dim3A_894 : vector<16xf32>
        %swap3A_950 = arith.index_cast %add3A_891 : i32 to index
        %swap3A_951 = arith.constant 80 : index
        %swap3A_952 = tpu.vector_load %arg9[%swap3A_950, %swap3A_951] {strides = array<i32>} : memref<128x128xf32, #tpu.memory_space<vmem>>, vector<1x16xf32>,
        %swap3A_953 = vector.shape_cast %swap3A_952 : vector<1x16xf32> to vector<16xf32>
        %swap3A_954 = vector.shape_cast %mul3A_949 : vector<16xf32> to vector<1x16xf32>
        tpu.vector_store %arg9[%swap3A_950, %swap3A_951], %swap3A_954 {strides = array<i32>} : memref<128x128xf32, #tpu.memory_space<vmem>>, vector<1x16xf32>,
        %get3A_955 = arith.index_cast %add3A_891 : i32 to index
        %get3A_956 = arith.constant 96 : index
        %get3A_957 = tpu.vector_load %arg9[%get3A_955, %get3A_956] {strides = array<i32>} : memref<128x128xf32, #tpu.memory_space<vmem>>, vector<1x16xf32>,
        %get3A_958 = vector.shape_cast %get3A_957 : vector<1x16xf32> to vector<16xf32>
        %mul3A_959 = arith.mulf %get3A_958, %broadcast_in_dim3A_894 : vector<16xf32>
        %swap3A_960 = arith.index_cast %add3A_891 : i32 to index
        %swap3A_961 = arith.constant 96 : index
        %swap3A_962 = tpu.vector_load %arg9[%swap3A_960, %swap3A_961] {strides = array<i32>} : memref<128x128xf32, #tpu.memory_space<vmem>>, vector<1x16xf32>,
        %swap3A_963 = vector.shape_cast %swap3A_962 : vector<1x16xf32> to vector<16xf32>
        %swap3A_964 = vector.shape_cast %mul3A_959 : vector<16xf32> to vector<1x16xf32>
        tpu.vector_store %arg9[%swap3A_960, %swap3A_961], %swap3A_964 {strides = array<i32>} : memref<128x128xf32, #tpu.memory_space<vmem>>, vector<1x16xf32>,
        %get3A_965 = arith.index_cast %add3A_891 : i32 to index
        %get3A_966 = arith.constant 112 : index
        %get3A_967 = tpu.vector_load %arg9[%get3A_965, %get3A_966] {strides = array<i32>} : memref<128x128xf32, #tpu.memory_space<vmem>>, vector<1x16xf32>,
        %get3A_968 = vector.shape_cast %get3A_967 : vector<1x16xf32> to vector<16xf32>
        %mul3A_969 = arith.mulf %get3A_968, %broadcast_in_dim3A_894 : vector<16xf32>
        %swap3A_970 = arith.index_cast %add3A_891 : i32 to index
        %swap3A_971 = arith.constant 112 : index
        %swap3A_972 = tpu.vector_load %arg9[%swap3A_970, %swap3A_971] {strides = array<i32>} : memref<128x128xf32, #tpu.memory_space<vmem>>, vector<1x16xf32>,
        %swap3A_973 = vector.shape_cast %swap3A_972 : vector<1x16xf32> to vector<16xf32>
        %swap3A_974 = vector.shape_cast %mul3A_969 : vector<16xf32> to vector<1x16xf32>
        tpu.vector_store %arg9[%swap3A_970, %swap3A_971], %swap3A_974 {strides = array<i32>} : memref<128x128xf32, #tpu.memory_space<vmem>>, vector<1x16xf32>,
        %mul3A_975 = arith.constant 16 : i32
        %mul3A_976 = arith.muli %scan3A_275, %mul3A_975 : i32
        %add3A_977 = arith.constant 8 : i32
        %add3A_978 = arith.addi %mul3A_976, %add3A_977 : i32
        %slice3A_979 = vector.extract_strided_slice %get3A_280 {offsets = [8], sizes = [1], strides = [1]} : vector<16xf32> to vector<1xf32>
        %squeeze3A_980 = vector.extract %slice3A_979[0] : f32 from vector<1xf32>
        %broadcast_in_dim3A_981 = vector.broadcast %squeeze3A_980 : f32 to vector<16xf32>
        %get3A_982 = arith.index_cast %add3A_978 : i32 to index
        %get3A_983 = arith.constant 0 : index
        %get3A_984 = tpu.vector_load %arg9[%get3A_982, %get3A_983] {strides = array<i32>} : memref<128x128xf32, #tpu.memory_space<vmem>>, vector<1x16xf32>,
        %get3A_985 = vector.shape_cast %get3A_984 : vector<1x16xf32> to vector<16xf32>
        %mul3A_986 = arith.mulf %get3A_985, %broadcast_in_dim3A_981 : vector<16xf32>
        %swap3A_987 = arith.index_cast %add3A_978 : i32 to index
        %swap3A_988 = arith.constant 0 : index
        %swap3A_989 = tpu.vector_load %arg9[%swap3A_987, %swap3A_988] {strides = array<i32>} : memref<128x128xf32, #tpu.memory_space<vmem>>, vector<1x16xf32>,
        %swap3A_990 = vector.shape_cast %swap3A_989 : vector<1x16xf32> to vector<16xf32>
        %swap3A_991 = vector.shape_cast %mul3A_986 : vector<16xf32> to vector<1x16xf32>
        tpu.vector_store %arg9[%swap3A_987, %swap3A_988], %swap3A_991 {strides = array<i32>} : memref<128x128xf32, #tpu.memory_space<vmem>>, vector<1x16xf32>,
        %get3A_992 = arith.index_cast %add3A_978 : i32 to index
        %get3A_993 = arith.constant 16 : index
        %get3A_994 = tpu.vector_load %arg9[%get3A_992, %get3A_993] {strides = array<i32>} : memref<128x128xf32, #tpu.memory_space<vmem>>, vector<1x16xf32>,
        %get3A_995 = vector.shape_cast %get3A_994 : vector<1x16xf32> to vector<16xf32>
        %mul3A_996 = arith.mulf %get3A_995, %broadcast_in_dim3A_981 : vector<16xf32>
        %swap3A_997 = arith.index_cast %add3A_978 : i32 to index
        %swap3A_998 = arith.constant 16 : index
        %swap3A_999 = tpu.vector_load %arg9[%swap3A_997, %swap3A_998] {strides = array<i32>} : memref<128x128xf32, #tpu.memory_space<vmem>>, vector<1x16xf32>,
        %swap3A_1000 = vector.shape_cast %swap3A_999 : vector<1x16xf32> to vector<16xf32>
        %swap3A_1001 = vector.shape_cast %mul3A_996 : vector<16xf32> to vector<1x16xf32>
        tpu.vector_store %arg9[%swap3A_997, %swap3A_998], %swap3A_1001 {strides = array<i32>} : memref<128x128xf32, #tpu.memory_space<vmem>>, vector<1x16xf32>,
        %get3A_1002 = arith.index_cast %add3A_978 : i32 to index
        %get3A_1003 = arith.constant 32 : index
        %get3A_1004 = tpu.vector_load %arg9[%get3A_1002, %get3A_1003] {strides = array<i32>} : memref<128x128xf32, #tpu.memory_space<vmem>>, vector<1x16xf32>,
        %get3A_1005 = vector.shape_cast %get3A_1004 : vector<1x16xf32> to vector<16xf32>
        %mul3A_1006 = arith.mulf %get3A_1005, %broadcast_in_dim3A_981 : vector<16xf32>
        %swap3A_1007 = arith.index_cast %add3A_978 : i32 to index
        %swap3A_1008 = arith.constant 32 : index
        %swap3A_1009 = tpu.vector_load %arg9[%swap3A_1007, %swap3A_1008] {strides = array<i32>} : memref<128x128xf32, #tpu.memory_space<vmem>>, vector<1x16xf32>,
        %swap3A_1010 = vector.shape_cast %swap3A_1009 : vector<1x16xf32> to vector<16xf32>
        %swap3A_1011 = vector.shape_cast %mul3A_1006 : vector<16xf32> to vector<1x16xf32>
        tpu.vector_store %arg9[%swap3A_1007, %swap3A_1008], %swap3A_1011 {strides = array<i32>} : memref<128x128xf32, #tpu.memory_space<vmem>>, vector<1x16xf32>,
        %get3A_1012 = arith.index_cast %add3A_978 : i32 to index
        %get3A_1013 = arith.constant 48 : index
        %get3A_1014 = tpu.vector_load %arg9[%get3A_1012, %get3A_1013] {strides = array<i32>} : memref<128x128xf32, #tpu.memory_space<vmem>>, vector<1x16xf32>,
        %get3A_1015 = vector.shape_cast %get3A_1014 : vector<1x16xf32> to vector<16xf32>
        %mul3A_1016 = arith.mulf %get3A_1015, %broadcast_in_dim3A_981 : vector<16xf32>
        %swap3A_1017 = arith.index_cast %add3A_978 : i32 to index
        %swap3A_1018 = arith.constant 48 : index
        %swap3A_1019 = tpu.vector_load %arg9[%swap3A_1017, %swap3A_1018] {strides = array<i32>} : memref<128x128xf32, #tpu.memory_space<vmem>>, vector<1x16xf32>,
        %swap3A_1020 = vector.shape_cast %swap3A_1019 : vector<1x16xf32> to vector<16xf32>
        %swap3A_1021 = vector.shape_cast %mul3A_1016 : vector<16xf32> to vector<1x16xf32>
        tpu.vector_store %arg9[%swap3A_1017, %swap3A_1018], %swap3A_1021 {strides = array<i32>} : memref<128x128xf32, #tpu.memory_space<vmem>>, vector<1x16xf32>,
        %get3A_1022 = arith.index_cast %add3A_978 : i32 to index
        %get3A_1023 = arith.constant 64 : index
        %get3A_1024 = tpu.vector_load %arg9[%get3A_1022, %get3A_1023] {strides = array<i32>} : memref<128x128xf32, #tpu.memory_space<vmem>>, vector<1x16xf32>,
        %get3A_1025 = vector.shape_cast %get3A_1024 : vector<1x16xf32> to vector<16xf32>
        %mul3A_1026 = arith.mulf %get3A_1025, %broadcast_in_dim3A_981 : vector<16xf32>
        %swap3A_1027 = arith.index_cast %add3A_978 : i32 to index
        %swap3A_1028 = arith.constant 64 : index
        %swap3A_1029 = tpu.vector_load %arg9[%swap3A_1027, %swap3A_1028] {strides = array<i32>} : memref<128x128xf32, #tpu.memory_space<vmem>>, vector<1x16xf32>,
        %swap3A_1030 = vector.shape_cast %swap3A_1029 : vector<1x16xf32> to vector<16xf32>
        %swap3A_1031 = vector.shape_cast %mul3A_1026 : vector<16xf32> to vector<1x16xf32>
        tpu.vector_store %arg9[%swap3A_1027, %swap3A_1028], %swap3A_1031 {strides = array<i32>} : memref<128x128xf32, #tpu.memory_space<vmem>>, vector<1x16xf32>,
        %get3A_1032 = arith.index_cast %add3A_978 : i32 to index
        %get3A_1033 = arith.constant 80 : index
        %get3A_1034 = tpu.vector_load %arg9[%get3A_1032, %get3A_1033] {strides = array<i32>} : memref<128x128xf32, #tpu.memory_space<vmem>>, vector<1x16xf32>,
        %get3A_1035 = vector.shape_cast %get3A_1034 : vector<1x16xf32> to vector<16xf32>
        %mul3A_1036 = arith.mulf %get3A_1035, %broadcast_in_dim3A_981 : vector<16xf32>
        %swap3A_1037 = arith.index_cast %add3A_978 : i32 to index
        %swap3A_1038 = arith.constant 80 : index
        %swap3A_1039 = tpu.vector_load %arg9[%swap3A_1037, %swap3A_1038] {strides = array<i32>} : memref<128x128xf32, #tpu.memory_space<vmem>>, vector<1x16xf32>,
        %swap3A_1040 = vector.shape_cast %swap3A_1039 : vector<1x16xf32> to vector<16xf32>
        %swap3A_1041 = vector.shape_cast %mul3A_1036 : vector<16xf32> to vector<1x16xf32>
        tpu.vector_store %arg9[%swap3A_1037, %swap3A_1038], %swap3A_1041 {strides = array<i32>} : memref<128x128xf32, #tpu.memory_space<vmem>>, vector<1x16xf32>,
        %get3A_1042 = arith.index_cast %add3A_978 : i32 to index
        %get3A_1043 = arith.constant 96 : index
        %get3A_1044 = tpu.vector_load %arg9[%get3A_1042, %get3A_1043] {strides = array<i32>} : memref<128x128xf32, #tpu.memory_space<vmem>>, vector<1x16xf32>,
        %get3A_1045 = vector.shape_cast %get3A_1044 : vector<1x16xf32> to vector<16xf32>
        %mul3A_1046 = arith.mulf %get3A_1045, %broadcast_in_dim3A_981 : vector<16xf32>
        %swap3A_1047 = arith.index_cast %add3A_978 : i32 to index
        %swap3A_1048 = arith.constant 96 : index
        %swap3A_1049 = tpu.vector_load %arg9[%swap3A_1047, %swap3A_1048] {strides = array<i32>} : memref<128x128xf32, #tpu.memory_space<vmem>>, vector<1x16xf32>,
        %swap3A_1050 = vector.shape_cast %swap3A_1049 : vector<1x16xf32> to vector<16xf32>
        %swap3A_1051 = vector.shape_cast %mul3A_1046 : vector<16xf32> to vector<1x16xf32>
        tpu.vector_store %arg9[%swap3A_1047, %swap3A_1048], %swap3A_1051 {strides = array<i32>} : memref<128x128xf32, #tpu.memory_space<vmem>>, vector<1x16xf32>,
        %get3A_1052 = arith.index_cast %add3A_978 : i32 to index
        %get3A_1053 = arith.constant 112 : index
        %get3A_1054 = tpu.vector_load %arg9[%get3A_1052, %get3A_1053] {strides = array<i32>} : memref<128x128xf32, #tpu.memory_space<vmem>>, vector<1x16xf32>,
        %get3A_1055 = vector.shape_cast %get3A_1054 : vector<1x16xf32> to vector<16xf32>
        %mul3A_1056 = arith.mulf %get3A_1055, %broadcast_in_dim3A_981 : vector<16xf32>
        %swap3A_1057 = arith.index_cast %add3A_978 : i32 to index
        %swap3A_1058 = arith.constant 112 : index
        %swap3A_1059 = tpu.vector_load %arg9[%swap3A_1057, %swap3A_1058] {strides = array<i32>} : memref<128x128xf32, #tpu.memory_space<vmem>>, vector<1x16xf32>,
        %swap3A_1060 = vector.shape_cast %swap3A_1059 : vector<1x16xf32> to vector<16xf32>
        %swap3A_1061 = vector.shape_cast %mul3A_1056 : vector<16xf32> to vector<1x16xf32>
        tpu.vector_store %arg9[%swap3A_1057, %swap3A_1058], %swap3A_1061 {strides = array<i32>} : memref<128x128xf32, #tpu.memory_space<vmem>>, vector<1x16xf32>,
        %mul3A_1062 = arith.constant 16 : i32
        %mul3A_1063 = arith.muli %scan3A_275, %mul3A_1062 : i32
        %add3A_1064 = arith.constant 9 : i32
        %add3A_1065 = arith.addi %mul3A_1063, %add3A_1064 : i32
        %slice3A_1066 = vector.extract_strided_slice %get3A_280 {offsets = [9], sizes = [1], strides = [1]} : vector<16xf32> to vector<1xf32>
        %squeeze3A_1067 = vector.extract %slice3A_1066[0] : f32 from vector<1xf32>
        %broadcast_in_dim3A_1068 = vector.broadcast %squeeze3A_1067 : f32 to vector<16xf32>
        %get3A_1069 = arith.index_cast %add3A_1065 : i32 to index
        %get3A_1070 = arith.constant 0 : index
        %get3A_1071 = tpu.vector_load %arg9[%get3A_1069, %get3A_1070] {strides = array<i32>} : memref<128x128xf32, #tpu.memory_space<vmem>>, vector<1x16xf32>,
        %get3A_1072 = vector.shape_cast %get3A_1071 : vector<1x16xf32> to vector<16xf32>
        %mul3A_1073 = arith.mulf %get3A_1072, %broadcast_in_dim3A_1068 : vector<16xf32>
        %swap3A_1074 = arith.index_cast %add3A_1065 : i32 to index
        %swap3A_1075 = arith.constant 0 : index
        %swap3A_1076 = tpu.vector_load %arg9[%swap3A_1074, %swap3A_1075] {strides = array<i32>} : memref<128x128xf32, #tpu.memory_space<vmem>>, vector<1x16xf32>,
        %swap3A_1077 = vector.shape_cast %swap3A_1076 : vector<1x16xf32> to vector<16xf32>
        %swap3A_1078 = vector.shape_cast %mul3A_1073 : vector<16xf32> to vector<1x16xf32>
        tpu.vector_store %arg9[%swap3A_1074, %swap3A_1075], %swap3A_1078 {strides = array<i32>} : memref<128x128xf32, #tpu.memory_space<vmem>>, vector<1x16xf32>,
        %get3A_1079 = arith.index_cast %add3A_1065 : i32 to index
        %get3A_1080 = arith.constant 16 : index
        %get3A_1081 = tpu.vector_load %arg9[%get3A_1079, %get3A_1080] {strides = array<i32>} : memref<128x128xf32, #tpu.memory_space<vmem>>, vector<1x16xf32>,
        %get3A_1082 = vector.shape_cast %get3A_1081 : vector<1x16xf32> to vector<16xf32>
        %mul3A_1083 = arith.mulf %get3A_1082, %broadcast_in_dim3A_1068 : vector<16xf32>
        %swap3A_1084 = arith.index_cast %add3A_1065 : i32 to index
        %swap3A_1085 = arith.constant 16 : index
        %swap3A_1086 = tpu.vector_load %arg9[%swap3A_1084, %swap3A_1085] {strides = array<i32>} : memref<128x128xf32, #tpu.memory_space<vmem>>, vector<1x16xf32>,
        %swap3A_1087 = vector.shape_cast %swap3A_1086 : vector<1x16xf32> to vector<16xf32>
        %swap3A_1088 = vector.shape_cast %mul3A_1083 : vector<16xf32> to vector<1x16xf32>
        tpu.vector_store %arg9[%swap3A_1084, %swap3A_1085], %swap3A_1088 {strides = array<i32>} : memref<128x128xf32, #tpu.memory_space<vmem>>, vector<1x16xf32>,
        %get3A_1089 = arith.index_cast %add3A_1065 : i32 to index
        %get3A_1090 = arith.constant 32 : index
        %get3A_1091 = tpu.vector_load %arg9[%get3A_1089, %get3A_1090] {strides = array<i32>} : memref<128x128xf32, #tpu.memory_space<vmem>>, vector<1x16xf32>,
        %get3A_1092 = vector.shape_cast %get3A_1091 : vector<1x16xf32> to vector<16xf32>
        %mul3A_1093 = arith.mulf %get3A_1092, %broadcast_in_dim3A_1068 : vector<16xf32>
        %swap3A_1094 = arith.index_cast %add3A_1065 : i32 to index
        %swap3A_1095 = arith.constant 32 : index
        %swap3A_1096 = tpu.vector_load %arg9[%swap3A_1094, %swap3A_1095] {strides = array<i32>} : memref<128x128xf32, #tpu.memory_space<vmem>>, vector<1x16xf32>,
        %swap3A_1097 = vector.shape_cast %swap3A_1096 : vector<1x16xf32> to vector<16xf32>
        %swap3A_1098 = vector.shape_cast %mul3A_1093 : vector<16xf32> to vector<1x16xf32>
        tpu.vector_store %arg9[%swap3A_1094, %swap3A_1095], %swap3A_1098 {strides = array<i32>} : memref<128x128xf32, #tpu.memory_space<vmem>>, vector<1x16xf32>,
        %get3A_1099 = arith.index_cast %add3A_1065 : i32 to index
        %get3A_1100 = arith.constant 48 : index
        %get3A_1101 = tpu.vector_load %arg9[%get3A_1099, %get3A_1100] {strides = array<i32>} : memref<128x128xf32, #tpu.memory_space<vmem>>, vector<1x16xf32>,
        %get3A_1102 = vector.shape_cast %get3A_1101 : vector<1x16xf32> to vector<16xf32>
        %mul3A_1103 = arith.mulf %get3A_1102, %broadcast_in_dim3A_1068 : vector<16xf32>
        %swap3A_1104 = arith.index_cast %add3A_1065 : i32 to index
        %swap3A_1105 = arith.constant 48 : index
        %swap3A_1106 = tpu.vector_load %arg9[%swap3A_1104, %swap3A_1105] {strides = array<i32>} : memref<128x128xf32, #tpu.memory_space<vmem>>, vector<1x16xf32>,
        %swap3A_1107 = vector.shape_cast %swap3A_1106 : vector<1x16xf32> to vector<16xf32>
        %swap3A_1108 = vector.shape_cast %mul3A_1103 : vector<16xf32> to vector<1x16xf32>
        tpu.vector_store %arg9[%swap3A_1104, %swap3A_1105], %swap3A_1108 {strides = array<i32>} : memref<128x128xf32, #tpu.memory_space<vmem>>, vector<1x16xf32>,
        %get3A_1109 = arith.index_cast %add3A_1065 : i32 to index
        %get3A_1110 = arith.constant 64 : index
        %get3A_1111 = tpu.vector_load %arg9[%get3A_1109, %get3A_1110] {strides = array<i32>} : memref<128x128xf32, #tpu.memory_space<vmem>>, vector<1x16xf32>,
        %get3A_1112 = vector.shape_cast %get3A_1111 : vector<1x16xf32> to vector<16xf32>
        %mul3A_1113 = arith.mulf %get3A_1112, %broadcast_in_dim3A_1068 : vector<16xf32>
        %swap3A_1114 = arith.index_cast %add3A_1065 : i32 to index
        %swap3A_1115 = arith.constant 64 : index
        %swap3A_1116 = tpu.vector_load %arg9[%swap3A_1114, %swap3A_1115] {strides = array<i32>} : memref<128x128xf32, #tpu.memory_space<vmem>>, vector<1x16xf32>,
        %swap3A_1117 = vector.shape_cast %swap3A_1116 : vector<1x16xf32> to vector<16xf32>
        %swap3A_1118 = vector.shape_cast %mul3A_1113 : vector<16xf32> to vector<1x16xf32>
        tpu.vector_store %arg9[%swap3A_1114, %swap3A_1115], %swap3A_1118 {strides = array<i32>} : memref<128x128xf32, #tpu.memory_space<vmem>>, vector<1x16xf32>,
        %get3A_1119 = arith.index_cast %add3A_1065 : i32 to index
        %get3A_1120 = arith.constant 80 : index
        %get3A_1121 = tpu.vector_load %arg9[%get3A_1119, %get3A_1120] {strides = array<i32>} : memref<128x128xf32, #tpu.memory_space<vmem>>, vector<1x16xf32>,
        %get3A_1122 = vector.shape_cast %get3A_1121 : vector<1x16xf32> to vector<16xf32>
        %mul3A_1123 = arith.mulf %get3A_1122, %broadcast_in_dim3A_1068 : vector<16xf32>
        %swap3A_1124 = arith.index_cast %add3A_1065 : i32 to index
        %swap3A_1125 = arith.constant 80 : index
        %swap3A_1126 = tpu.vector_load %arg9[%swap3A_1124, %swap3A_1125] {strides = array<i32>} : memref<128x128xf32, #tpu.memory_space<vmem>>, vector<1x16xf32>,
        %swap3A_1127 = vector.shape_cast %swap3A_1126 : vector<1x16xf32> to vector<16xf32>
        %swap3A_1128 = vector.shape_cast %mul3A_1123 : vector<16xf32> to vector<1x16xf32>
        tpu.vector_store %arg9[%swap3A_1124, %swap3A_1125], %swap3A_1128 {strides = array<i32>} : memref<128x128xf32, #tpu.memory_space<vmem>>, vector<1x16xf32>,
        %get3A_1129 = arith.index_cast %add3A_1065 : i32 to index
        %get3A_1130 = arith.constant 96 : index
        %get3A_1131 = tpu.vector_load %arg9[%get3A_1129, %get3A_1130] {strides = array<i32>} : memref<128x128xf32, #tpu.memory_space<vmem>>, vector<1x16xf32>,
        %get3A_1132 = vector.shape_cast %get3A_1131 : vector<1x16xf32> to vector<16xf32>
        %mul3A_1133 = arith.mulf %get3A_1132, %broadcast_in_dim3A_1068 : vector<16xf32>
        %swap3A_1134 = arith.index_cast %add3A_1065 : i32 to index
        %swap3A_1135 = arith.constant 96 : index
        %swap3A_1136 = tpu.vector_load %arg9[%swap3A_1134, %swap3A_1135] {strides = array<i32>} : memref<128x128xf32, #tpu.memory_space<vmem>>, vector<1x16xf32>,
        %swap3A_1137 = vector.shape_cast %swap3A_1136 : vector<1x16xf32> to vector<16xf32>
        %swap3A_1138 = vector.shape_cast %mul3A_1133 : vector<16xf32> to vector<1x16xf32>
        tpu.vector_store %arg9[%swap3A_1134, %swap3A_1135], %swap3A_1138 {strides = array<i32>} : memref<128x128xf32, #tpu.memory_space<vmem>>, vector<1x16xf32>,
        %get3A_1139 = arith.index_cast %add3A_1065 : i32 to index
        %get3A_1140 = arith.constant 112 : index
        %get3A_1141 = tpu.vector_load %arg9[%get3A_1139, %get3A_1140] {strides = array<i32>} : memref<128x128xf32, #tpu.memory_space<vmem>>, vector<1x16xf32>,
        %get3A_1142 = vector.shape_cast %get3A_1141 : vector<1x16xf32> to vector<16xf32>
        %mul3A_1143 = arith.mulf %get3A_1142, %broadcast_in_dim3A_1068 : vector<16xf32>
        %swap3A_1144 = arith.index_cast %add3A_1065 : i32 to index
        %swap3A_1145 = arith.constant 112 : index
        %swap3A_1146 = tpu.vector_load %arg9[%swap3A_1144, %swap3A_1145] {strides = array<i32>} : memref<128x128xf32, #tpu.memory_space<vmem>>, vector<1x16xf32>,
        %swap3A_1147 = vector.shape_cast %swap3A_1146 : vector<1x16xf32> to vector<16xf32>
        %swap3A_1148 = vector.shape_cast %mul3A_1143 : vector<16xf32> to vector<1x16xf32>
        tpu.vector_store %arg9[%swap3A_1144, %swap3A_1145], %swap3A_1148 {strides = array<i32>} : memref<128x128xf32, #tpu.memory_space<vmem>>, vector<1x16xf32>,
        %mul3A_1149 = arith.constant 16 : i32
        %mul3A_1150 = arith.muli %scan3A_275, %mul3A_1149 : i32
        %add3A_1151 = arith.constant 10 : i32
        %add3A_1152 = arith.addi %mul3A_1150, %add3A_1151 : i32
        %slice3A_1153 = vector.extract_strided_slice %get3A_280 {offsets = [10], sizes = [1], strides = [1]} : vector<16xf32> to vector<1xf32>
        %squeeze3A_1154 = vector.extract %slice3A_1153[0] : f32 from vector<1xf32>
        %broadcast_in_dim3A_1155 = vector.broadcast %squeeze3A_1154 : f32 to vector<16xf32>
        %get3A_1156 = arith.index_cast %add3A_1152 : i32 to index
        %get3A_1157 = arith.constant 0 : index
        %get3A_1158 = tpu.vector_load %arg9[%get3A_1156, %get3A_1157] {strides = array<i32>} : memref<128x128xf32, #tpu.memory_space<vmem>>, vector<1x16xf32>,
        %get3A_1159 = vector.shape_cast %get3A_1158 : vector<1x16xf32> to vector<16xf32>
        %mul3A_1160 = arith.mulf %get3A_1159, %broadcast_in_dim3A_1155 : vector<16xf32>
        %swap3A_1161 = arith.index_cast %add3A_1152 : i32 to index
        %swap3A_1162 = arith.constant 0 : index
        %swap3A_1163 = tpu.vector_load %arg9[%swap3A_1161, %swap3A_1162] {strides = array<i32>} : memref<128x128xf32, #tpu.memory_space<vmem>>, vector<1x16xf32>,
        %swap3A_1164 = vector.shape_cast %swap3A_1163 : vector<1x16xf32> to vector<16xf32>
        %swap3A_1165 = vector.shape_cast %mul3A_1160 : vector<16xf32> to vector<1x16xf32>
        tpu.vector_store %arg9[%swap3A_1161, %swap3A_1162], %swap3A_1165 {strides = array<i32>} : memref<128x128xf32, #tpu.memory_space<vmem>>, vector<1x16xf32>,
        %get3A_1166 = arith.index_cast %add3A_1152 : i32 to index
        %get3A_1167 = arith.constant 16 : index
        %get3A_1168 = tpu.vector_load %arg9[%get3A_1166, %get3A_1167] {strides = array<i32>} : memref<128x128xf32, #tpu.memory_space<vmem>>, vector<1x16xf32>,
        %get3A_1169 = vector.shape_cast %get3A_1168 : vector<1x16xf32> to vector<16xf32>
        %mul3A_1170 = arith.mulf %get3A_1169, %broadcast_in_dim3A_1155 : vector<16xf32>
        %swap3A_1171 = arith.index_cast %add3A_1152 : i32 to index
        %swap3A_1172 = arith.constant 16 : index
        %swap3A_1173 = tpu.vector_load %arg9[%swap3A_1171, %swap3A_1172] {strides = array<i32>} : memref<128x128xf32, #tpu.memory_space<vmem>>, vector<1x16xf32>,
        %swap3A_1174 = vector.shape_cast %swap3A_1173 : vector<1x16xf32> to vector<16xf32>
        %swap3A_1175 = vector.shape_cast %mul3A_1170 : vector<16xf32> to vector<1x16xf32>
        tpu.vector_store %arg9[%swap3A_1171, %swap3A_1172], %swap3A_1175 {strides = array<i32>} : memref<128x128xf32, #tpu.memory_space<vmem>>, vector<1x16xf32>,
        %get3A_1176 = arith.index_cast %add3A_1152 : i32 to index
        %get3A_1177 = arith.constant 32 : index
        %get3A_1178 = tpu.vector_load %arg9[%get3A_1176, %get3A_1177] {strides = array<i32>} : memref<128x128xf32, #tpu.memory_space<vmem>>, vector<1x16xf32>,
        %get3A_1179 = vector.shape_cast %get3A_1178 : vector<1x16xf32> to vector<16xf32>
        %mul3A_1180 = arith.mulf %get3A_1179, %broadcast_in_dim3A_1155 : vector<16xf32>
        %swap3A_1181 = arith.index_cast %add3A_1152 : i32 to index
        %swap3A_1182 = arith.constant 32 : index
        %swap3A_1183 = tpu.vector_load %arg9[%swap3A_1181, %swap3A_1182] {strides = array<i32>} : memref<128x128xf32, #tpu.memory_space<vmem>>, vector<1x16xf32>,
        %swap3A_1184 = vector.shape_cast %swap3A_1183 : vector<1x16xf32> to vector<16xf32>
        %swap3A_1185 = vector.shape_cast %mul3A_1180 : vector<16xf32> to vector<1x16xf32>
        tpu.vector_store %arg9[%swap3A_1181, %swap3A_1182], %swap3A_1185 {strides = array<i32>} : memref<128x128xf32, #tpu.memory_space<vmem>>, vector<1x16xf32>,
        %get3A_1186 = arith.index_cast %add3A_1152 : i32 to index
        %get3A_1187 = arith.constant 48 : index
        %get3A_1188 = tpu.vector_load %arg9[%get3A_1186, %get3A_1187] {strides = array<i32>} : memref<128x128xf32, #tpu.memory_space<vmem>>, vector<1x16xf32>,
        %get3A_1189 = vector.shape_cast %get3A_1188 : vector<1x16xf32> to vector<16xf32>
        %mul3A_1190 = arith.mulf %get3A_1189, %broadcast_in_dim3A_1155 : vector<16xf32>
        %swap3A_1191 = arith.index_cast %add3A_1152 : i32 to index
        %swap3A_1192 = arith.constant 48 : index
        %swap3A_1193 = tpu.vector_load %arg9[%swap3A_1191, %swap3A_1192] {strides = array<i32>} : memref<128x128xf32, #tpu.memory_space<vmem>>, vector<1x16xf32>,
        %swap3A_1194 = vector.shape_cast %swap3A_1193 : vector<1x16xf32> to vector<16xf32>
        %swap3A_1195 = vector.shape_cast %mul3A_1190 : vector<16xf32> to vector<1x16xf32>
        tpu.vector_store %arg9[%swap3A_1191, %swap3A_1192], %swap3A_1195 {strides = array<i32>} : memref<128x128xf32, #tpu.memory_space<vmem>>, vector<1x16xf32>,
        %get3A_1196 = arith.index_cast %add3A_1152 : i32 to index
        %get3A_1197 = arith.constant 64 : index
        %get3A_1198 = tpu.vector_load %arg9[%get3A_1196, %get3A_1197] {strides = array<i32>} : memref<128x128xf32, #tpu.memory_space<vmem>>, vector<1x16xf32>,
        %get3A_1199 = vector.shape_cast %get3A_1198 : vector<1x16xf32> to vector<16xf32>
        %mul3A_1200 = arith.mulf %get3A_1199, %broadcast_in_dim3A_1155 : vector<16xf32>
        %swap3A_1201 = arith.index_cast %add3A_1152 : i32 to index
        %swap3A_1202 = arith.constant 64 : index
        %swap3A_1203 = tpu.vector_load %arg9[%swap3A_1201, %swap3A_1202] {strides = array<i32>} : memref<128x128xf32, #tpu.memory_space<vmem>>, vector<1x16xf32>,
        %swap3A_1204 = vector.shape_cast %swap3A_1203 : vector<1x16xf32> to vector<16xf32>
        %swap3A_1205 = vector.shape_cast %mul3A_1200 : vector<16xf32> to vector<1x16xf32>
        tpu.vector_store %arg9[%swap3A_1201, %swap3A_1202], %swap3A_1205 {strides = array<i32>} : memref<128x128xf32, #tpu.memory_space<vmem>>, vector<1x16xf32>,
        %get3A_1206 = arith.index_cast %add3A_1152 : i32 to index
        %get3A_1207 = arith.constant 80 : index
        %get3A_1208 = tpu.vector_load %arg9[%get3A_1206, %get3A_1207] {strides = array<i32>} : memref<128x128xf32, #tpu.memory_space<vmem>>, vector<1x16xf32>,
        %get3A_1209 = vector.shape_cast %get3A_1208 : vector<1x16xf32> to vector<16xf32>
        %mul3A_1210 = arith.mulf %get3A_1209, %broadcast_in_dim3A_1155 : vector<16xf32>
        %swap3A_1211 = arith.index_cast %add3A_1152 : i32 to index
        %swap3A_1212 = arith.constant 80 : index
        %swap3A_1213 = tpu.vector_load %arg9[%swap3A_1211, %swap3A_1212] {strides = array<i32>} : memref<128x128xf32, #tpu.memory_space<vmem>>, vector<1x16xf32>,
        %swap3A_1214 = vector.shape_cast %swap3A_1213 : vector<1x16xf32> to vector<16xf32>
        %swap3A_1215 = vector.shape_cast %mul3A_1210 : vector<16xf32> to vector<1x16xf32>
        tpu.vector_store %arg9[%swap3A_1211, %swap3A_1212], %swap3A_1215 {strides = array<i32>} : memref<128x128xf32, #tpu.memory_space<vmem>>, vector<1x16xf32>,
        %get3A_1216 = arith.index_cast %add3A_1152 : i32 to index
        %get3A_1217 = arith.constant 96 : index
        %get3A_1218 = tpu.vector_load %arg9[%get3A_1216, %get3A_1217] {strides = array<i32>} : memref<128x128xf32, #tpu.memory_space<vmem>>, vector<1x16xf32>,
        %get3A_1219 = vector.shape_cast %get3A_1218 : vector<1x16xf32> to vector<16xf32>
        %mul3A_1220 = arith.mulf %get3A_1219, %broadcast_in_dim3A_1155 : vector<16xf32>
        %swap3A_1221 = arith.index_cast %add3A_1152 : i32 to index
        %swap3A_1222 = arith.constant 96 : index
        %swap3A_1223 = tpu.vector_load %arg9[%swap3A_1221, %swap3A_1222] {strides = array<i32>} : memref<128x128xf32, #tpu.memory_space<vmem>>, vector<1x16xf32>,
        %swap3A_1224 = vector.shape_cast %swap3A_1223 : vector<1x16xf32> to vector<16xf32>
        %swap3A_1225 = vector.shape_cast %mul3A_1220 : vector<16xf32> to vector<1x16xf32>
        tpu.vector_store %arg9[%swap3A_1221, %swap3A_1222], %swap3A_1225 {strides = array<i32>} : memref<128x128xf32, #tpu.memory_space<vmem>>, vector<1x16xf32>,
        %get3A_1226 = arith.index_cast %add3A_1152 : i32 to index
        %get3A_1227 = arith.constant 112 : index
        %get3A_1228 = tpu.vector_load %arg9[%get3A_1226, %get3A_1227] {strides = array<i32>} : memref<128x128xf32, #tpu.memory_space<vmem>>, vector<1x16xf32>,
        %get3A_1229 = vector.shape_cast %get3A_1228 : vector<1x16xf32> to vector<16xf32>
        %mul3A_1230 = arith.mulf %get3A_1229, %broadcast_in_dim3A_1155 : vector<16xf32>
        %swap3A_1231 = arith.index_cast %add3A_1152 : i32 to index
        %swap3A_1232 = arith.constant 112 : index
        %swap3A_1233 = tpu.vector_load %arg9[%swap3A_1231, %swap3A_1232] {strides = array<i32>} : memref<128x128xf32, #tpu.memory_space<vmem>>, vector<1x16xf32>,
        %swap3A_1234 = vector.shape_cast %swap3A_1233 : vector<1x16xf32> to vector<16xf32>
        %swap3A_1235 = vector.shape_cast %mul3A_1230 : vector<16xf32> to vector<1x16xf32>
        tpu.vector_store %arg9[%swap3A_1231, %swap3A_1232], %swap3A_1235 {strides = array<i32>} : memref<128x128xf32, #tpu.memory_space<vmem>>, vector<1x16xf32>,
        %mul3A_1236 = arith.constant 16 : i32
        %mul3A_1237 = arith.muli %scan3A_275, %mul3A_1236 : i32
        %add3A_1238 = arith.constant 11 : i32
        %add3A_1239 = arith.addi %mul3A_1237, %add3A_1238 : i32
        %slice3A_1240 = vector.extract_strided_slice %get3A_280 {offsets = [11], sizes = [1], strides = [1]} : vector<16xf32> to vector<1xf32>
        %squeeze3A_1241 = vector.extract %slice3A_1240[0] : f32 from vector<1xf32>
        %broadcast_in_dim3A_1242 = vector.broadcast %squeeze3A_1241 : f32 to vector<16xf32>
        %get3A_1243 = arith.index_cast %add3A_1239 : i32 to index
        %get3A_1244 = arith.constant 0 : index
        %get3A_1245 = tpu.vector_load %arg9[%get3A_1243, %get3A_1244] {strides = array<i32>} : memref<128x128xf32, #tpu.memory_space<vmem>>, vector<1x16xf32>,
        %get3A_1246 = vector.shape_cast %get3A_1245 : vector<1x16xf32> to vector<16xf32>
        %mul3A_1247 = arith.mulf %get3A_1246, %broadcast_in_dim3A_1242 : vector<16xf32>
        %swap3A_1248 = arith.index_cast %add3A_1239 : i32 to index
        %swap3A_1249 = arith.constant 0 : index
        %swap3A_1250 = tpu.vector_load %arg9[%swap3A_1248, %swap3A_1249] {strides = array<i32>} : memref<128x128xf32, #tpu.memory_space<vmem>>, vector<1x16xf32>,
        %swap3A_1251 = vector.shape_cast %swap3A_1250 : vector<1x16xf32> to vector<16xf32>
        %swap3A_1252 = vector.shape_cast %mul3A_1247 : vector<16xf32> to vector<1x16xf32>
        tpu.vector_store %arg9[%swap3A_1248, %swap3A_1249], %swap3A_1252 {strides = array<i32>} : memref<128x128xf32, #tpu.memory_space<vmem>>, vector<1x16xf32>,
        %get3A_1253 = arith.index_cast %add3A_1239 : i32 to index
        %get3A_1254 = arith.constant 16 : index
        %get3A_1255 = tpu.vector_load %arg9[%get3A_1253, %get3A_1254] {strides = array<i32>} : memref<128x128xf32, #tpu.memory_space<vmem>>, vector<1x16xf32>,
        %get3A_1256 = vector.shape_cast %get3A_1255 : vector<1x16xf32> to vector<16xf32>
        %mul3A_1257 = arith.mulf %get3A_1256, %broadcast_in_dim3A_1242 : vector<16xf32>
        %swap3A_1258 = arith.index_cast %add3A_1239 : i32 to index
        %swap3A_1259 = arith.constant 16 : index
        %swap3A_1260 = tpu.vector_load %arg9[%swap3A_1258, %swap3A_1259] {strides = array<i32>} : memref<128x128xf32, #tpu.memory_space<vmem>>, vector<1x16xf32>,
        %swap3A_1261 = vector.shape_cast %swap3A_1260 : vector<1x16xf32> to vector<16xf32>
        %swap3A_1262 = vector.shape_cast %mul3A_1257 : vector<16xf32> to vector<1x16xf32>
        tpu.vector_store %arg9[%swap3A_1258, %swap3A_1259], %swap3A_1262 {strides = array<i32>} : memref<128x128xf32, #tpu.memory_space<vmem>>, vector<1x16xf32>,
        %get3A_1263 = arith.index_cast %add3A_1239 : i32 to index
        %get3A_1264 = arith.constant 32 : index
        %get3A_1265 = tpu.vector_load %arg9[%get3A_1263, %get3A_1264] {strides = array<i32>} : memref<128x128xf32, #tpu.memory_space<vmem>>, vector<1x16xf32>,
        %get3A_1266 = vector.shape_cast %get3A_1265 : vector<1x16xf32> to vector<16xf32>
        %mul3A_1267 = arith.mulf %get3A_1266, %broadcast_in_dim3A_1242 : vector<16xf32>
        %swap3A_1268 = arith.index_cast %add3A_1239 : i32 to index
        %swap3A_1269 = arith.constant 32 : index
        %swap3A_1270 = tpu.vector_load %arg9[%swap3A_1268, %swap3A_1269] {strides = array<i32>} : memref<128x128xf32, #tpu.memory_space<vmem>>, vector<1x16xf32>,
        %swap3A_1271 = vector.shape_cast %swap3A_1270 : vector<1x16xf32> to vector<16xf32>
        %swap3A_1272 = vector.shape_cast %mul3A_1267 : vector<16xf32> to vector<1x16xf32>
        tpu.vector_store %arg9[%swap3A_1268, %swap3A_1269], %swap3A_1272 {strides = array<i32>} : memref<128x128xf32, #tpu.memory_space<vmem>>, vector<1x16xf32>,
        %get3A_1273 = arith.index_cast %add3A_1239 : i32 to index
        %get3A_1274 = arith.constant 48 : index
        %get3A_1275 = tpu.vector_load %arg9[%get3A_1273, %get3A_1274] {strides = array<i32>} : memref<128x128xf32, #tpu.memory_space<vmem>>, vector<1x16xf32>,
        %get3A_1276 = vector.shape_cast %get3A_1275 : vector<1x16xf32> to vector<16xf32>
        %mul3A_1277 = arith.mulf %get3A_1276, %broadcast_in_dim3A_1242 : vector<16xf32>
        %swap3A_1278 = arith.index_cast %add3A_1239 : i32 to index
        %swap3A_1279 = arith.constant 48 : index
        %swap3A_1280 = tpu.vector_load %arg9[%swap3A_1278, %swap3A_1279] {strides = array<i32>} : memref<128x128xf32, #tpu.memory_space<vmem>>, vector<1x16xf32>,
        %swap3A_1281 = vector.shape_cast %swap3A_1280 : vector<1x16xf32> to vector<16xf32>
        %swap3A_1282 = vector.shape_cast %mul3A_1277 : vector<16xf32> to vector<1x16xf32>
        tpu.vector_store %arg9[%swap3A_1278, %swap3A_1279], %swap3A_1282 {strides = array<i32>} : memref<128x128xf32, #tpu.memory_space<vmem>>, vector<1x16xf32>,
        %get3A_1283 = arith.index_cast %add3A_1239 : i32 to index
        %get3A_1284 = arith.constant 64 : index
        %get3A_1285 = tpu.vector_load %arg9[%get3A_1283, %get3A_1284] {strides = array<i32>} : memref<128x128xf32, #tpu.memory_space<vmem>>, vector<1x16xf32>,
        %get3A_1286 = vector.shape_cast %get3A_1285 : vector<1x16xf32> to vector<16xf32>
        %mul3A_1287 = arith.mulf %get3A_1286, %broadcast_in_dim3A_1242 : vector<16xf32>
        %swap3A_1288 = arith.index_cast %add3A_1239 : i32 to index
        %swap3A_1289 = arith.constant 64 : index
        %swap3A_1290 = tpu.vector_load %arg9[%swap3A_1288, %swap3A_1289] {strides = array<i32>} : memref<128x128xf32, #tpu.memory_space<vmem>>, vector<1x16xf32>,
        %swap3A_1291 = vector.shape_cast %swap3A_1290 : vector<1x16xf32> to vector<16xf32>
        %swap3A_1292 = vector.shape_cast %mul3A_1287 : vector<16xf32> to vector<1x16xf32>
        tpu.vector_store %arg9[%swap3A_1288, %swap3A_1289], %swap3A_1292 {strides = array<i32>} : memref<128x128xf32, #tpu.memory_space<vmem>>, vector<1x16xf32>,
        %get3A_1293 = arith.index_cast %add3A_1239 : i32 to index
        %get3A_1294 = arith.constant 80 : index
        %get3A_1295 = tpu.vector_load %arg9[%get3A_1293, %get3A_1294] {strides = array<i32>} : memref<128x128xf32, #tpu.memory_space<vmem>>, vector<1x16xf32>,
        %get3A_1296 = vector.shape_cast %get3A_1295 : vector<1x16xf32> to vector<16xf32>
        %mul3A_1297 = arith.mulf %get3A_1296, %broadcast_in_dim3A_1242 : vector<16xf32>
        %swap3A_1298 = arith.index_cast %add3A_1239 : i32 to index
        %swap3A_1299 = arith.constant 80 : index
        %swap3A_1300 = tpu.vector_load %arg9[%swap3A_1298, %swap3A_1299] {strides = array<i32>} : memref<128x128xf32, #tpu.memory_space<vmem>>, vector<1x16xf32>,
        %swap3A_1301 = vector.shape_cast %swap3A_1300 : vector<1x16xf32> to vector<16xf32>
        %swap3A_1302 = vector.shape_cast %mul3A_1297 : vector<16xf32> to vector<1x16xf32>
        tpu.vector_store %arg9[%swap3A_1298, %swap3A_1299], %swap3A_1302 {strides = array<i32>} : memref<128x128xf32, #tpu.memory_space<vmem>>, vector<1x16xf32>,
        %get3A_1303 = arith.index_cast %add3A_1239 : i32 to index
        %get3A_1304 = arith.constant 96 : index
        %get3A_1305 = tpu.vector_load %arg9[%get3A_1303, %get3A_1304] {strides = array<i32>} : memref<128x128xf32, #tpu.memory_space<vmem>>, vector<1x16xf32>,
        %get3A_1306 = vector.shape_cast %get3A_1305 : vector<1x16xf32> to vector<16xf32>
        %mul3A_1307 = arith.mulf %get3A_1306, %broadcast_in_dim3A_1242 : vector<16xf32>
        %swap3A_1308 = arith.index_cast %add3A_1239 : i32 to index
        %swap3A_1309 = arith.constant 96 : index
        %swap3A_1310 = tpu.vector_load %arg9[%swap3A_1308, %swap3A_1309] {strides = array<i32>} : memref<128x128xf32, #tpu.memory_space<vmem>>, vector<1x16xf32>,
        %swap3A_1311 = vector.shape_cast %swap3A_1310 : vector<1x16xf32> to vector<16xf32>
        %swap3A_1312 = vector.shape_cast %mul3A_1307 : vector<16xf32> to vector<1x16xf32>
        tpu.vector_store %arg9[%swap3A_1308, %swap3A_1309], %swap3A_1312 {strides = array<i32>} : memref<128x128xf32, #tpu.memory_space<vmem>>, vector<1x16xf32>,
        %get3A_1313 = arith.index_cast %add3A_1239 : i32 to index
        %get3A_1314 = arith.constant 112 : index
        %get3A_1315 = tpu.vector_load %arg9[%get3A_1313, %get3A_1314] {strides = array<i32>} : memref<128x128xf32, #tpu.memory_space<vmem>>, vector<1x16xf32>,
        %get3A_1316 = vector.shape_cast %get3A_1315 : vector<1x16xf32> to vector<16xf32>
        %mul3A_1317 = arith.mulf %get3A_1316, %broadcast_in_dim3A_1242 : vector<16xf32>
        %swap3A_1318 = arith.index_cast %add3A_1239 : i32 to index
        %swap3A_1319 = arith.constant 112 : index
        %swap3A_1320 = tpu.vector_load %arg9[%swap3A_1318, %swap3A_1319] {strides = array<i32>} : memref<128x128xf32, #tpu.memory_space<vmem>>, vector<1x16xf32>,
        %swap3A_1321 = vector.shape_cast %swap3A_1320 : vector<1x16xf32> to vector<16xf32>
        %swap3A_1322 = vector.shape_cast %mul3A_1317 : vector<16xf32> to vector<1x16xf32>
        tpu.vector_store %arg9[%swap3A_1318, %swap3A_1319], %swap3A_1322 {strides = array<i32>} : memref<128x128xf32, #tpu.memory_space<vmem>>, vector<1x16xf32>,
        %mul3A_1323 = arith.constant 16 : i32
        %mul3A_1324 = arith.muli %scan3A_275, %mul3A_1323 : i32
        %add3A_1325 = arith.constant 12 : i32
        %add3A_1326 = arith.addi %mul3A_1324, %add3A_1325 : i32
        %slice3A_1327 = vector.extract_strided_slice %get3A_280 {offsets = [12], sizes = [1], strides = [1]} : vector<16xf32> to vector<1xf32>
        %squeeze3A_1328 = vector.extract %slice3A_1327[0] : f32 from vector<1xf32>
        %broadcast_in_dim3A_1329 = vector.broadcast %squeeze3A_1328 : f32 to vector<16xf32>
        %get3A_1330 = arith.index_cast %add3A_1326 : i32 to index
        %get3A_1331 = arith.constant 0 : index
        %get3A_1332 = tpu.vector_load %arg9[%get3A_1330, %get3A_1331] {strides = array<i32>} : memref<128x128xf32, #tpu.memory_space<vmem>>, vector<1x16xf32>,
        %get3A_1333 = vector.shape_cast %get3A_1332 : vector<1x16xf32> to vector<16xf32>
        %mul3A_1334 = arith.mulf %get3A_1333, %broadcast_in_dim3A_1329 : vector<16xf32>
        %swap3A_1335 = arith.index_cast %add3A_1326 : i32 to index
        %swap3A_1336 = arith.constant 0 : index
        %swap3A_1337 = tpu.vector_load %arg9[%swap3A_1335, %swap3A_1336] {strides = array<i32>} : memref<128x128xf32, #tpu.memory_space<vmem>>, vector<1x16xf32>,
        %swap3A_1338 = vector.shape_cast %swap3A_1337 : vector<1x16xf32> to vector<16xf32>
        %swap3A_1339 = vector.shape_cast %mul3A_1334 : vector<16xf32> to vector<1x16xf32>
        tpu.vector_store %arg9[%swap3A_1335, %swap3A_1336], %swap3A_1339 {strides = array<i32>} : memref<128x128xf32, #tpu.memory_space<vmem>>, vector<1x16xf32>,
        %get3A_1340 = arith.index_cast %add3A_1326 : i32 to index
        %get3A_1341 = arith.constant 16 : index
        %get3A_1342 = tpu.vector_load %arg9[%get3A_1340, %get3A_1341] {strides = array<i32>} : memref<128x128xf32, #tpu.memory_space<vmem>>, vector<1x16xf32>,
        %get3A_1343 = vector.shape_cast %get3A_1342 : vector<1x16xf32> to vector<16xf32>
        %mul3A_1344 = arith.mulf %get3A_1343, %broadcast_in_dim3A_1329 : vector<16xf32>
        %swap3A_1345 = arith.index_cast %add3A_1326 : i32 to index
        %swap3A_1346 = arith.constant 16 : index
        %swap3A_1347 = tpu.vector_load %arg9[%swap3A_1345, %swap3A_1346] {strides = array<i32>} : memref<128x128xf32, #tpu.memory_space<vmem>>, vector<1x16xf32>,
        %swap3A_1348 = vector.shape_cast %swap3A_1347 : vector<1x16xf32> to vector<16xf32>
        %swap3A_1349 = vector.shape_cast %mul3A_1344 : vector<16xf32> to vector<1x16xf32>
        tpu.vector_store %arg9[%swap3A_1345, %swap3A_1346], %swap3A_1349 {strides = array<i32>} : memref<128x128xf32, #tpu.memory_space<vmem>>, vector<1x16xf32>,
        %get3A_1350 = arith.index_cast %add3A_1326 : i32 to index
        %get3A_1351 = arith.constant 32 : index
        %get3A_1352 = tpu.vector_load %arg9[%get3A_1350, %get3A_1351] {strides = array<i32>} : memref<128x128xf32, #tpu.memory_space<vmem>>, vector<1x16xf32>,
        %get3A_1353 = vector.shape_cast %get3A_1352 : vector<1x16xf32> to vector<16xf32>
        %mul3A_1354 = arith.mulf %get3A_1353, %broadcast_in_dim3A_1329 : vector<16xf32>
        %swap3A_1355 = arith.index_cast %add3A_1326 : i32 to index
        %swap3A_1356 = arith.constant 32 : index
        %swap3A_1357 = tpu.vector_load %arg9[%swap3A_1355, %swap3A_1356] {strides = array<i32>} : memref<128x128xf32, #tpu.memory_space<vmem>>, vector<1x16xf32>,
        %swap3A_1358 = vector.shape_cast %swap3A_1357 : vector<1x16xf32> to vector<16xf32>
        %swap3A_1359 = vector.shape_cast %mul3A_1354 : vector<16xf32> to vector<1x16xf32>
        tpu.vector_store %arg9[%swap3A_1355, %swap3A_1356], %swap3A_1359 {strides = array<i32>} : memref<128x128xf32, #tpu.memory_space<vmem>>, vector<1x16xf32>,
        %get3A_1360 = arith.index_cast %add3A_1326 : i32 to index
        %get3A_1361 = arith.constant 48 : index
        %get3A_1362 = tpu.vector_load %arg9[%get3A_1360, %get3A_1361] {strides = array<i32>} : memref<128x128xf32, #tpu.memory_space<vmem>>, vector<1x16xf32>,
        %get3A_1363 = vector.shape_cast %get3A_1362 : vector<1x16xf32> to vector<16xf32>
        %mul3A_1364 = arith.mulf %get3A_1363, %broadcast_in_dim3A_1329 : vector<16xf32>
        %swap3A_1365 = arith.index_cast %add3A_1326 : i32 to index
        %swap3A_1366 = arith.constant 48 : index
        %swap3A_1367 = tpu.vector_load %arg9[%swap3A_1365, %swap3A_1366] {strides = array<i32>} : memref<128x128xf32, #tpu.memory_space<vmem>>, vector<1x16xf32>,
        %swap3A_1368 = vector.shape_cast %swap3A_1367 : vector<1x16xf32> to vector<16xf32>
        %swap3A_1369 = vector.shape_cast %mul3A_1364 : vector<16xf32> to vector<1x16xf32>
        tpu.vector_store %arg9[%swap3A_1365, %swap3A_1366], %swap3A_1369 {strides = array<i32>} : memref<128x128xf32, #tpu.memory_space<vmem>>, vector<1x16xf32>,
        %get3A_1370 = arith.index_cast %add3A_1326 : i32 to index
        %get3A_1371 = arith.constant 64 : index
        %get3A_1372 = tpu.vector_load %arg9[%get3A_1370, %get3A_1371] {strides = array<i32>} : memref<128x128xf32, #tpu.memory_space<vmem>>, vector<1x16xf32>,
        %get3A_1373 = vector.shape_cast %get3A_1372 : vector<1x16xf32> to vector<16xf32>
        %mul3A_1374 = arith.mulf %get3A_1373, %broadcast_in_dim3A_1329 : vector<16xf32>
        %swap3A_1375 = arith.index_cast %add3A_1326 : i32 to index
        %swap3A_1376 = arith.constant 64 : index
        %swap3A_1377 = tpu.vector_load %arg9[%swap3A_1375, %swap3A_1376] {strides = array<i32>} : memref<128x128xf32, #tpu.memory_space<vmem>>, vector<1x16xf32>,
        %swap3A_1378 = vector.shape_cast %swap3A_1377 : vector<1x16xf32> to vector<16xf32>
        %swap3A_1379 = vector.shape_cast %mul3A_1374 : vector<16xf32> to vector<1x16xf32>
        tpu.vector_store %arg9[%swap3A_1375, %swap3A_1376], %swap3A_1379 {strides = array<i32>} : memref<128x128xf32, #tpu.memory_space<vmem>>, vector<1x16xf32>,
        %get3A_1380 = arith.index_cast %add3A_1326 : i32 to index
        %get3A_1381 = arith.constant 80 : index
        %get3A_1382 = tpu.vector_load %arg9[%get3A_1380, %get3A_1381] {strides = array<i32>} : memref<128x128xf32, #tpu.memory_space<vmem>>, vector<1x16xf32>,
        %get3A_1383 = vector.shape_cast %get3A_1382 : vector<1x16xf32> to vector<16xf32>
        %mul3A_1384 = arith.mulf %get3A_1383, %broadcast_in_dim3A_1329 : vector<16xf32>
        %swap3A_1385 = arith.index_cast %add3A_1326 : i32 to index
        %swap3A_1386 = arith.constant 80 : index
        %swap3A_1387 = tpu.vector_load %arg9[%swap3A_1385, %swap3A_1386] {strides = array<i32>} : memref<128x128xf32, #tpu.memory_space<vmem>>, vector<1x16xf32>,
        %swap3A_1388 = vector.shape_cast %swap3A_1387 : vector<1x16xf32> to vector<16xf32>
        %swap3A_1389 = vector.shape_cast %mul3A_1384 : vector<16xf32> to vector<1x16xf32>
        tpu.vector_store %arg9[%swap3A_1385, %swap3A_1386], %swap3A_1389 {strides = array<i32>} : memref<128x128xf32, #tpu.memory_space<vmem>>, vector<1x16xf32>,
        %get3A_1390 = arith.index_cast %add3A_1326 : i32 to index
        %get3A_1391 = arith.constant 96 : index
        %get3A_1392 = tpu.vector_load %arg9[%get3A_1390, %get3A_1391] {strides = array<i32>} : memref<128x128xf32, #tpu.memory_space<vmem>>, vector<1x16xf32>,
        %get3A_1393 = vector.shape_cast %get3A_1392 : vector<1x16xf32> to vector<16xf32>
        %mul3A_1394 = arith.mulf %get3A_1393, %broadcast_in_dim3A_1329 : vector<16xf32>
        %swap3A_1395 = arith.index_cast %add3A_1326 : i32 to index
        %swap3A_1396 = arith.constant 96 : index
        %swap3A_1397 = tpu.vector_load %arg9[%swap3A_1395, %swap3A_1396] {strides = array<i32>} : memref<128x128xf32, #tpu.memory_space<vmem>>, vector<1x16xf32>,
        %swap3A_1398 = vector.shape_cast %swap3A_1397 : vector<1x16xf32> to vector<16xf32>
        %swap3A_1399 = vector.shape_cast %mul3A_1394 : vector<16xf32> to vector<1x16xf32>
        tpu.vector_store %arg9[%swap3A_1395, %swap3A_1396], %swap3A_1399 {strides = array<i32>} : memref<128x128xf32, #tpu.memory_space<vmem>>, vector<1x16xf32>,
        %get3A_1400 = arith.index_cast %add3A_1326 : i32 to index
        %get3A_1401 = arith.constant 112 : index
        %get3A_1402 = tpu.vector_load %arg9[%get3A_1400, %get3A_1401] {strides = array<i32>} : memref<128x128xf32, #tpu.memory_space<vmem>>, vector<1x16xf32>,
        %get3A_1403 = vector.shape_cast %get3A_1402 : vector<1x16xf32> to vector<16xf32>
        %mul3A_1404 = arith.mulf %get3A_1403, %broadcast_in_dim3A_1329 : vector<16xf32>
        %swap3A_1405 = arith.index_cast %add3A_1326 : i32 to index
        %swap3A_1406 = arith.constant 112 : index
        %swap3A_1407 = tpu.vector_load %arg9[%swap3A_1405, %swap3A_1406] {strides = array<i32>} : memref<128x128xf32, #tpu.memory_space<vmem>>, vector<1x16xf32>,
        %swap3A_1408 = vector.shape_cast %swap3A_1407 : vector<1x16xf32> to vector<16xf32>
        %swap3A_1409 = vector.shape_cast %mul3A_1404 : vector<16xf32> to vector<1x16xf32>
        tpu.vector_store %arg9[%swap3A_1405, %swap3A_1406], %swap3A_1409 {strides = array<i32>} : memref<128x128xf32, #tpu.memory_space<vmem>>, vector<1x16xf32>,
        %mul3A_1410 = arith.constant 16 : i32
        %mul3A_1411 = arith.muli %scan3A_275, %mul3A_1410 : i32
        %add3A_1412 = arith.constant 13 : i32
        %add3A_1413 = arith.addi %mul3A_1411, %add3A_1412 : i32
        %slice3A_1414 = vector.extract_strided_slice %get3A_280 {offsets = [13], sizes = [1], strides = [1]} : vector<16xf32> to vector<1xf32>
        %squeeze3A_1415 = vector.extract %slice3A_1414[0] : f32 from vector<1xf32>
        %broadcast_in_dim3A_1416 = vector.broadcast %squeeze3A_1415 : f32 to vector<16xf32>
        %get3A_1417 = arith.index_cast %add3A_1413 : i32 to index
        %get3A_1418 = arith.constant 0 : index
        %get3A_1419 = tpu.vector_load %arg9[%get3A_1417, %get3A_1418] {strides = array<i32>} : memref<128x128xf32, #tpu.memory_space<vmem>>, vector<1x16xf32>,
        %get3A_1420 = vector.shape_cast %get3A_1419 : vector<1x16xf32> to vector<16xf32>
        %mul3A_1421 = arith.mulf %get3A_1420, %broadcast_in_dim3A_1416 : vector<16xf32>
        %swap3A_1422 = arith.index_cast %add3A_1413 : i32 to index
        %swap3A_1423 = arith.constant 0 : index
        %swap3A_1424 = tpu.vector_load %arg9[%swap3A_1422, %swap3A_1423] {strides = array<i32>} : memref<128x128xf32, #tpu.memory_space<vmem>>, vector<1x16xf32>,
        %swap3A_1425 = vector.shape_cast %swap3A_1424 : vector<1x16xf32> to vector<16xf32>
        %swap3A_1426 = vector.shape_cast %mul3A_1421 : vector<16xf32> to vector<1x16xf32>
        tpu.vector_store %arg9[%swap3A_1422, %swap3A_1423], %swap3A_1426 {strides = array<i32>} : memref<128x128xf32, #tpu.memory_space<vmem>>, vector<1x16xf32>,
        %get3A_1427 = arith.index_cast %add3A_1413 : i32 to index
        %get3A_1428 = arith.constant 16 : index
        %get3A_1429 = tpu.vector_load %arg9[%get3A_1427, %get3A_1428] {strides = array<i32>} : memref<128x128xf32, #tpu.memory_space<vmem>>, vector<1x16xf32>,
        %get3A_1430 = vector.shape_cast %get3A_1429 : vector<1x16xf32> to vector<16xf32>
        %mul3A_1431 = arith.mulf %get3A_1430, %broadcast_in_dim3A_1416 : vector<16xf32>
        %swap3A_1432 = arith.index_cast %add3A_1413 : i32 to index
        %swap3A_1433 = arith.constant 16 : index
        %swap3A_1434 = tpu.vector_load %arg9[%swap3A_1432, %swap3A_1433] {strides = array<i32>} : memref<128x128xf32, #tpu.memory_space<vmem>>, vector<1x16xf32>,
        %swap3A_1435 = vector.shape_cast %swap3A_1434 : vector<1x16xf32> to vector<16xf32>
        %swap3A_1436 = vector.shape_cast %mul3A_1431 : vector<16xf32> to vector<1x16xf32>
        tpu.vector_store %arg9[%swap3A_1432, %swap3A_1433], %swap3A_1436 {strides = array<i32>} : memref<128x128xf32, #tpu.memory_space<vmem>>, vector<1x16xf32>,
        %get3A_1437 = arith.index_cast %add3A_1413 : i32 to index
        %get3A_1438 = arith.constant 32 : index
        %get3A_1439 = tpu.vector_load %arg9[%get3A_1437, %get3A_1438] {strides = array<i32>} : memref<128x128xf32, #tpu.memory_space<vmem>>, vector<1x16xf32>,
        %get3A_1440 = vector.shape_cast %get3A_1439 : vector<1x16xf32> to vector<16xf32>
        %mul3A_1441 = arith.mulf %get3A_1440, %broadcast_in_dim3A_1416 : vector<16xf32>
        %swap3A_1442 = arith.index_cast %add3A_1413 : i32 to index
        %swap3A_1443 = arith.constant 32 : index
        %swap3A_1444 = tpu.vector_load %arg9[%swap3A_1442, %swap3A_1443] {strides = array<i32>} : memref<128x128xf32, #tpu.memory_space<vmem>>, vector<1x16xf32>,
        %swap3A_1445 = vector.shape_cast %swap3A_1444 : vector<1x16xf32> to vector<16xf32>
        %swap3A_1446 = vector.shape_cast %mul3A_1441 : vector<16xf32> to vector<1x16xf32>
        tpu.vector_store %arg9[%swap3A_1442, %swap3A_1443], %swap3A_1446 {strides = array<i32>} : memref<128x128xf32, #tpu.memory_space<vmem>>, vector<1x16xf32>,
        %get3A_1447 = arith.index_cast %add3A_1413 : i32 to index
        %get3A_1448 = arith.constant 48 : index
        %get3A_1449 = tpu.vector_load %arg9[%get3A_1447, %get3A_1448] {strides = array<i32>} : memref<128x128xf32, #tpu.memory_space<vmem>>, vector<1x16xf32>,
        %get3A_1450 = vector.shape_cast %get3A_1449 : vector<1x16xf32> to vector<16xf32>
        %mul3A_1451 = arith.mulf %get3A_1450, %broadcast_in_dim3A_1416 : vector<16xf32>
        %swap3A_1452 = arith.index_cast %add3A_1413 : i32 to index
        %swap3A_1453 = arith.constant 48 : index
        %swap3A_1454 = tpu.vector_load %arg9[%swap3A_1452, %swap3A_1453] {strides = array<i32>} : memref<128x128xf32, #tpu.memory_space<vmem>>, vector<1x16xf32>,
        %swap3A_1455 = vector.shape_cast %swap3A_1454 : vector<1x16xf32> to vector<16xf32>
        %swap3A_1456 = vector.shape_cast %mul3A_1451 : vector<16xf32> to vector<1x16xf32>
        tpu.vector_store %arg9[%swap3A_1452, %swap3A_1453], %swap3A_1456 {strides = array<i32>} : memref<128x128xf32, #tpu.memory_space<vmem>>, vector<1x16xf32>,
        %get3A_1457 = arith.index_cast %add3A_1413 : i32 to index
        %get3A_1458 = arith.constant 64 : index
        %get3A_1459 = tpu.vector_load %arg9[%get3A_1457, %get3A_1458] {strides = array<i32>} : memref<128x128xf32, #tpu.memory_space<vmem>>, vector<1x16xf32>,
        %get3A_1460 = vector.shape_cast %get3A_1459 : vector<1x16xf32> to vector<16xf32>
        %mul3A_1461 = arith.mulf %get3A_1460, %broadcast_in_dim3A_1416 : vector<16xf32>
        %swap3A_1462 = arith.index_cast %add3A_1413 : i32 to index
        %swap3A_1463 = arith.constant 64 : index
        %swap3A_1464 = tpu.vector_load %arg9[%swap3A_1462, %swap3A_1463] {strides = array<i32>} : memref<128x128xf32, #tpu.memory_space<vmem>>, vector<1x16xf32>,
        %swap3A_1465 = vector.shape_cast %swap3A_1464 : vector<1x16xf32> to vector<16xf32>
        %swap3A_1466 = vector.shape_cast %mul3A_1461 : vector<16xf32> to vector<1x16xf32>
        tpu.vector_store %arg9[%swap3A_1462, %swap3A_1463], %swap3A_1466 {strides = array<i32>} : memref<128x128xf32, #tpu.memory_space<vmem>>, vector<1x16xf32>,
        %get3A_1467 = arith.index_cast %add3A_1413 : i32 to index
        %get3A_1468 = arith.constant 80 : index
        %get3A_1469 = tpu.vector_load %arg9[%get3A_1467, %get3A_1468] {strides = array<i32>} : memref<128x128xf32, #tpu.memory_space<vmem>>, vector<1x16xf32>,
        %get3A_1470 = vector.shape_cast %get3A_1469 : vector<1x16xf32> to vector<16xf32>
        %mul3A_1471 = arith.mulf %get3A_1470, %broadcast_in_dim3A_1416 : vector<16xf32>
        %swap3A_1472 = arith.index_cast %add3A_1413 : i32 to index
        %swap3A_1473 = arith.constant 80 : index
        %swap3A_1474 = tpu.vector_load %arg9[%swap3A_1472, %swap3A_1473] {strides = array<i32>} : memref<128x128xf32, #tpu.memory_space<vmem>>, vector<1x16xf32>,
        %swap3A_1475 = vector.shape_cast %swap3A_1474 : vector<1x16xf32> to vector<16xf32>
        %swap3A_1476 = vector.shape_cast %mul3A_1471 : vector<16xf32> to vector<1x16xf32>
        tpu.vector_store %arg9[%swap3A_1472, %swap3A_1473], %swap3A_1476 {strides = array<i32>} : memref<128x128xf32, #tpu.memory_space<vmem>>, vector<1x16xf32>,
        %get3A_1477 = arith.index_cast %add3A_1413 : i32 to index
        %get3A_1478 = arith.constant 96 : index
        %get3A_1479 = tpu.vector_load %arg9[%get3A_1477, %get3A_1478] {strides = array<i32>} : memref<128x128xf32, #tpu.memory_space<vmem>>, vector<1x16xf32>,
        %get3A_1480 = vector.shape_cast %get3A_1479 : vector<1x16xf32> to vector<16xf32>
        %mul3A_1481 = arith.mulf %get3A_1480, %broadcast_in_dim3A_1416 : vector<16xf32>
        %swap3A_1482 = arith.index_cast %add3A_1413 : i32 to index
        %swap3A_1483 = arith.constant 96 : index
        %swap3A_1484 = tpu.vector_load %arg9[%swap3A_1482, %swap3A_1483] {strides = array<i32>} : memref<128x128xf32, #tpu.memory_space<vmem>>, vector<1x16xf32>,
        %swap3A_1485 = vector.shape_cast %swap3A_1484 : vector<1x16xf32> to vector<16xf32>
        %swap3A_1486 = vector.shape_cast %mul3A_1481 : vector<16xf32> to vector<1x16xf32>
        tpu.vector_store %arg9[%swap3A_1482, %swap3A_1483], %swap3A_1486 {strides = array<i32>} : memref<128x128xf32, #tpu.memory_space<vmem>>, vector<1x16xf32>,
        %get3A_1487 = arith.index_cast %add3A_1413 : i32 to index
        %get3A_1488 = arith.constant 112 : index
        %get3A_1489 = tpu.vector_load %arg9[%get3A_1487, %get3A_1488] {strides = array<i32>} : memref<128x128xf32, #tpu.memory_space<vmem>>, vector<1x16xf32>,
        %get3A_1490 = vector.shape_cast %get3A_1489 : vector<1x16xf32> to vector<16xf32>
        %mul3A_1491 = arith.mulf %get3A_1490, %broadcast_in_dim3A_1416 : vector<16xf32>
        %swap3A_1492 = arith.index_cast %add3A_1413 : i32 to index
        %swap3A_1493 = arith.constant 112 : index
        %swap3A_1494 = tpu.vector_load %arg9[%swap3A_1492, %swap3A_1493] {strides = array<i32>} : memref<128x128xf32, #tpu.memory_space<vmem>>, vector<1x16xf32>,
        %swap3A_1495 = vector.shape_cast %swap3A_1494 : vector<1x16xf32> to vector<16xf32>
        %swap3A_1496 = vector.shape_cast %mul3A_1491 : vector<16xf32> to vector<1x16xf32>
        tpu.vector_store %arg9[%swap3A_1492, %swap3A_1493], %swap3A_1496 {strides = array<i32>} : memref<128x128xf32, #tpu.memory_space<vmem>>, vector<1x16xf32>,
        %mul3A_1497 = arith.constant 16 : i32
        %mul3A_1498 = arith.muli %scan3A_275, %mul3A_1497 : i32
        %add3A_1499 = arith.constant 14 : i32
        %add3A_1500 = arith.addi %mul3A_1498, %add3A_1499 : i32
        %slice3A_1501 = vector.extract_strided_slice %get3A_280 {offsets = [14], sizes = [1], strides = [1]} : vector<16xf32> to vector<1xf32>
        %squeeze3A_1502 = vector.extract %slice3A_1501[0] : f32 from vector<1xf32>
        %broadcast_in_dim3A_1503 = vector.broadcast %squeeze3A_1502 : f32 to vector<16xf32>
        %get3A_1504 = arith.index_cast %add3A_1500 : i32 to index
        %get3A_1505 = arith.constant 0 : index
        %get3A_1506 = tpu.vector_load %arg9[%get3A_1504, %get3A_1505] {strides = array<i32>} : memref<128x128xf32, #tpu.memory_space<vmem>>, vector<1x16xf32>,
        %get3A_1507 = vector.shape_cast %get3A_1506 : vector<1x16xf32> to vector<16xf32>
        %mul3A_1508 = arith.mulf %get3A_1507, %broadcast_in_dim3A_1503 : vector<16xf32>
        %swap3A_1509 = arith.index_cast %add3A_1500 : i32 to index
        %swap3A_1510 = arith.constant 0 : index
        %swap3A_1511 = tpu.vector_load %arg9[%swap3A_1509, %swap3A_1510] {strides = array<i32>} : memref<128x128xf32, #tpu.memory_space<vmem>>, vector<1x16xf32>,
        %swap3A_1512 = vector.shape_cast %swap3A_1511 : vector<1x16xf32> to vector<16xf32>
        %swap3A_1513 = vector.shape_cast %mul3A_1508 : vector<16xf32> to vector<1x16xf32>
        tpu.vector_store %arg9[%swap3A_1509, %swap3A_1510], %swap3A_1513 {strides = array<i32>} : memref<128x128xf32, #tpu.memory_space<vmem>>, vector<1x16xf32>,
        %get3A_1514 = arith.index_cast %add3A_1500 : i32 to index
        %get3A_1515 = arith.constant 16 : index
        %get3A_1516 = tpu.vector_load %arg9[%get3A_1514, %get3A_1515] {strides = array<i32>} : memref<128x128xf32, #tpu.memory_space<vmem>>, vector<1x16xf32>,
        %get3A_1517 = vector.shape_cast %get3A_1516 : vector<1x16xf32> to vector<16xf32>
        %mul3A_1518 = arith.mulf %get3A_1517, %broadcast_in_dim3A_1503 : vector<16xf32>
        %swap3A_1519 = arith.index_cast %add3A_1500 : i32 to index
        %swap3A_1520 = arith.constant 16 : index
        %swap3A_1521 = tpu.vector_load %arg9[%swap3A_1519, %swap3A_1520] {strides = array<i32>} : memref<128x128xf32, #tpu.memory_space<vmem>>, vector<1x16xf32>,
        %swap3A_1522 = vector.shape_cast %swap3A_1521 : vector<1x16xf32> to vector<16xf32>
        %swap3A_1523 = vector.shape_cast %mul3A_1518 : vector<16xf32> to vector<1x16xf32>
        tpu.vector_store %arg9[%swap3A_1519, %swap3A_1520], %swap3A_1523 {strides = array<i32>} : memref<128x128xf32, #tpu.memory_space<vmem>>, vector<1x16xf32>,
        %get3A_1524 = arith.index_cast %add3A_1500 : i32 to index
        %get3A_1525 = arith.constant 32 : index
        %get3A_1526 = tpu.vector_load %arg9[%get3A_1524, %get3A_1525] {strides = array<i32>} : memref<128x128xf32, #tpu.memory_space<vmem>>, vector<1x16xf32>,
        %get3A_1527 = vector.shape_cast %get3A_1526 : vector<1x16xf32> to vector<16xf32>
        %mul3A_1528 = arith.mulf %get3A_1527, %broadcast_in_dim3A_1503 : vector<16xf32>
        %swap3A_1529 = arith.index_cast %add3A_1500 : i32 to index
        %swap3A_1530 = arith.constant 32 : index
        %swap3A_1531 = tpu.vector_load %arg9[%swap3A_1529, %swap3A_1530] {strides = array<i32>} : memref<128x128xf32, #tpu.memory_space<vmem>>, vector<1x16xf32>,
        %swap3A_1532 = vector.shape_cast %swap3A_1531 : vector<1x16xf32> to vector<16xf32>
        %swap3A_1533 = vector.shape_cast %mul3A_1528 : vector<16xf32> to vector<1x16xf32>
        tpu.vector_store %arg9[%swap3A_1529, %swap3A_1530], %swap3A_1533 {strides = array<i32>} : memref<128x128xf32, #tpu.memory_space<vmem>>, vector<1x16xf32>,
        %get3A_1534 = arith.index_cast %add3A_1500 : i32 to index
        %get3A_1535 = arith.constant 48 : index
        %get3A_1536 = tpu.vector_load %arg9[%get3A_1534, %get3A_1535] {strides = array<i32>} : memref<128x128xf32, #tpu.memory_space<vmem>>, vector<1x16xf32>,
        %get3A_1537 = vector.shape_cast %get3A_1536 : vector<1x16xf32> to vector<16xf32>
        %mul3A_1538 = arith.mulf %get3A_1537, %broadcast_in_dim3A_1503 : vector<16xf32>
        %swap3A_1539 = arith.index_cast %add3A_1500 : i32 to index
        %swap3A_1540 = arith.constant 48 : index
        %swap3A_1541 = tpu.vector_load %arg9[%swap3A_1539, %swap3A_1540] {strides = array<i32>} : memref<128x128xf32, #tpu.memory_space<vmem>>, vector<1x16xf32>,
        %swap3A_1542 = vector.shape_cast %swap3A_1541 : vector<1x16xf32> to vector<16xf32>
        %swap3A_1543 = vector.shape_cast %mul3A_1538 : vector<16xf32> to vector<1x16xf32>
        tpu.vector_store %arg9[%swap3A_1539, %swap3A_1540], %swap3A_1543 {strides = array<i32>} : memref<128x128xf32, #tpu.memory_space<vmem>>, vector<1x16xf32>,
        %get3A_1544 = arith.index_cast %add3A_1500 : i32 to index
        %get3A_1545 = arith.constant 64 : index
        %get3A_1546 = tpu.vector_load %arg9[%get3A_1544, %get3A_1545] {strides = array<i32>} : memref<128x128xf32, #tpu.memory_space<vmem>>, vector<1x16xf32>,
        %get3A_1547 = vector.shape_cast %get3A_1546 : vector<1x16xf32> to vector<16xf32>
        %mul3A_1548 = arith.mulf %get3A_1547, %broadcast_in_dim3A_1503 : vector<16xf32>
        %swap3A_1549 = arith.index_cast %add3A_1500 : i32 to index
        %swap3A_1550 = arith.constant 64 : index
        %swap3A_1551 = tpu.vector_load %arg9[%swap3A_1549, %swap3A_1550] {strides = array<i32>} : memref<128x128xf32, #tpu.memory_space<vmem>>, vector<1x16xf32>,
        %swap3A_1552 = vector.shape_cast %swap3A_1551 : vector<1x16xf32> to vector<16xf32>
        %swap3A_1553 = vector.shape_cast %mul3A_1548 : vector<16xf32> to vector<1x16xf32>
        tpu.vector_store %arg9[%swap3A_1549, %swap3A_1550], %swap3A_1553 {strides = array<i32>} : memref<128x128xf32, #tpu.memory_space<vmem>>, vector<1x16xf32>,
        %get3A_1554 = arith.index_cast %add3A_1500 : i32 to index
        %get3A_1555 = arith.constant 80 : index
        %get3A_1556 = tpu.vector_load %arg9[%get3A_1554, %get3A_1555] {strides = array<i32>} : memref<128x128xf32, #tpu.memory_space<vmem>>, vector<1x16xf32>,
        %get3A_1557 = vector.shape_cast %get3A_1556 : vector<1x16xf32> to vector<16xf32>
        %mul3A_1558 = arith.mulf %get3A_1557, %broadcast_in_dim3A_1503 : vector<16xf32>
        %swap3A_1559 = arith.index_cast %add3A_1500 : i32 to index
        %swap3A_1560 = arith.constant 80 : index
        %swap3A_1561 = tpu.vector_load %arg9[%swap3A_1559, %swap3A_1560] {strides = array<i32>} : memref<128x128xf32, #tpu.memory_space<vmem>>, vector<1x16xf32>,
        %swap3A_1562 = vector.shape_cast %swap3A_1561 : vector<1x16xf32> to vector<16xf32>
        %swap3A_1563 = vector.shape_cast %mul3A_1558 : vector<16xf32> to vector<1x16xf32>
        tpu.vector_store %arg9[%swap3A_1559, %swap3A_1560], %swap3A_1563 {strides = array<i32>} : memref<128x128xf32, #tpu.memory_space<vmem>>, vector<1x16xf32>,
        %get3A_1564 = arith.index_cast %add3A_1500 : i32 to index
        %get3A_1565 = arith.constant 96 : index
        %get3A_1566 = tpu.vector_load %arg9[%get3A_1564, %get3A_1565] {strides = array<i32>} : memref<128x128xf32, #tpu.memory_space<vmem>>, vector<1x16xf32>,
        %get3A_1567 = vector.shape_cast %get3A_1566 : vector<1x16xf32> to vector<16xf32>
        %mul3A_1568 = arith.mulf %get3A_1567, %broadcast_in_dim3A_1503 : vector<16xf32>
        %swap3A_1569 = arith.index_cast %add3A_1500 : i32 to index
        %swap3A_1570 = arith.constant 96 : index
        %swap3A_1571 = tpu.vector_load %arg9[%swap3A_1569, %swap3A_1570] {strides = array<i32>} : memref<128x128xf32, #tpu.memory_space<vmem>>, vector<1x16xf32>,
        %swap3A_1572 = vector.shape_cast %swap3A_1571 : vector<1x16xf32> to vector<16xf32>
        %swap3A_1573 = vector.shape_cast %mul3A_1568 : vector<16xf32> to vector<1x16xf32>
        tpu.vector_store %arg9[%swap3A_1569, %swap3A_1570], %swap3A_1573 {strides = array<i32>} : memref<128x128xf32, #tpu.memory_space<vmem>>, vector<1x16xf32>,
        %get3A_1574 = arith.index_cast %add3A_1500 : i32 to index
        %get3A_1575 = arith.constant 112 : index
        %get3A_1576 = tpu.vector_load %arg9[%get3A_1574, %get3A_1575] {strides = array<i32>} : memref<128x128xf32, #tpu.memory_space<vmem>>, vector<1x16xf32>,
        %get3A_1577 = vector.shape_cast %get3A_1576 : vector<1x16xf32> to vector<16xf32>
        %mul3A_1578 = arith.mulf %get3A_1577, %broadcast_in_dim3A_1503 : vector<16xf32>
        %swap3A_1579 = arith.index_cast %add3A_1500 : i32 to index
        %swap3A_1580 = arith.constant 112 : index
        %swap3A_1581 = tpu.vector_load %arg9[%swap3A_1579, %swap3A_1580] {strides = array<i32>} : memref<128x128xf32, #tpu.memory_space<vmem>>, vector<1x16xf32>,
        %swap3A_1582 = vector.shape_cast %swap3A_1581 : vector<1x16xf32> to vector<16xf32>
        %swap3A_1583 = vector.shape_cast %mul3A_1578 : vector<16xf32> to vector<1x16xf32>
        tpu.vector_store %arg9[%swap3A_1579, %swap3A_1580], %swap3A_1583 {strides = array<i32>} : memref<128x128xf32, #tpu.memory_space<vmem>>, vector<1x16xf32>,
        %mul3A_1584 = arith.constant 16 : i32
        %mul3A_1585 = arith.muli %scan3A_275, %mul3A_1584 : i32
        %add3A_1586 = arith.constant 15 : i32
        %add3A_1587 = arith.addi %mul3A_1585, %add3A_1586 : i32
        %slice3A_1588 = vector.extract_strided_slice %get3A_280 {offsets = [15], sizes = [1], strides = [1]} : vector<16xf32> to vector<1xf32>
        %squeeze3A_1589 = vector.extract %slice3A_1588[0] : f32 from vector<1xf32>
        %broadcast_in_dim3A_1590 = vector.broadcast %squeeze3A_1589 : f32 to vector<16xf32>
        %get3A_1591 = arith.index_cast %add3A_1587 : i32 to index
        %get3A_1592 = arith.constant 0 : index
        %get3A_1593 = tpu.vector_load %arg9[%get3A_1591, %get3A_1592] {strides = array<i32>} : memref<128x128xf32, #tpu.memory_space<vmem>>, vector<1x16xf32>,
        %get3A_1594 = vector.shape_cast %get3A_1593 : vector<1x16xf32> to vector<16xf32>
        %mul3A_1595 = arith.mulf %get3A_1594, %broadcast_in_dim3A_1590 : vector<16xf32>
        %swap3A_1596 = arith.index_cast %add3A_1587 : i32 to index
        %swap3A_1597 = arith.constant 0 : index
        %swap3A_1598 = tpu.vector_load %arg9[%swap3A_1596, %swap3A_1597] {strides = array<i32>} : memref<128x128xf32, #tpu.memory_space<vmem>>, vector<1x16xf32>,
        %swap3A_1599 = vector.shape_cast %swap3A_1598 : vector<1x16xf32> to vector<16xf32>
        %swap3A_1600 = vector.shape_cast %mul3A_1595 : vector<16xf32> to vector<1x16xf32>
        tpu.vector_store %arg9[%swap3A_1596, %swap3A_1597], %swap3A_1600 {strides = array<i32>} : memref<128x128xf32, #tpu.memory_space<vmem>>, vector<1x16xf32>,
        %get3A_1601 = arith.index_cast %add3A_1587 : i32 to index
        %get3A_1602 = arith.constant 16 : index
        %get3A_1603 = tpu.vector_load %arg9[%get3A_1601, %get3A_1602] {strides = array<i32>} : memref<128x128xf32, #tpu.memory_space<vmem>>, vector<1x16xf32>,
        %get3A_1604 = vector.shape_cast %get3A_1603 : vector<1x16xf32> to vector<16xf32>
        %mul3A_1605 = arith.mulf %get3A_1604, %broadcast_in_dim3A_1590 : vector<16xf32>
        %swap3A_1606 = arith.index_cast %add3A_1587 : i32 to index
        %swap3A_1607 = arith.constant 16 : index
        %swap3A_1608 = tpu.vector_load %arg9[%swap3A_1606, %swap3A_1607] {strides = array<i32>} : memref<128x128xf32, #tpu.memory_space<vmem>>, vector<1x16xf32>,
        %swap3A_1609 = vector.shape_cast %swap3A_1608 : vector<1x16xf32> to vector<16xf32>
        %swap3A_1610 = vector.shape_cast %mul3A_1605 : vector<16xf32> to vector<1x16xf32>
        tpu.vector_store %arg9[%swap3A_1606, %swap3A_1607], %swap3A_1610 {strides = array<i32>} : memref<128x128xf32, #tpu.memory_space<vmem>>, vector<1x16xf32>,
        %get3A_1611 = arith.index_cast %add3A_1587 : i32 to index
        %get3A_1612 = arith.constant 32 : index
        %get3A_1613 = tpu.vector_load %arg9[%get3A_1611, %get3A_1612] {strides = array<i32>} : memref<128x128xf32, #tpu.memory_space<vmem>>, vector<1x16xf32>,
        %get3A_1614 = vector.shape_cast %get3A_1613 : vector<1x16xf32> to vector<16xf32>
        %mul3A_1615 = arith.mulf %get3A_1614, %broadcast_in_dim3A_1590 : vector<16xf32>
        %swap3A_1616 = arith.index_cast %add3A_1587 : i32 to index
        %swap3A_1617 = arith.constant 32 : index
        %swap3A_1618 = tpu.vector_load %arg9[%swap3A_1616, %swap3A_1617] {strides = array<i32>} : memref<128x128xf32, #tpu.memory_space<vmem>>, vector<1x16xf32>,
        %swap3A_1619 = vector.shape_cast %swap3A_1618 : vector<1x16xf32> to vector<16xf32>
        %swap3A_1620 = vector.shape_cast %mul3A_1615 : vector<16xf32> to vector<1x16xf32>
        tpu.vector_store %arg9[%swap3A_1616, %swap3A_1617], %swap3A_1620 {strides = array<i32>} : memref<128x128xf32, #tpu.memory_space<vmem>>, vector<1x16xf32>,
        %get3A_1621 = arith.index_cast %add3A_1587 : i32 to index
        %get3A_1622 = arith.constant 48 : index
        %get3A_1623 = tpu.vector_load %arg9[%get3A_1621, %get3A_1622] {strides = array<i32>} : memref<128x128xf32, #tpu.memory_space<vmem>>, vector<1x16xf32>,
        %get3A_1624 = vector.shape_cast %get3A_1623 : vector<1x16xf32> to vector<16xf32>
        %mul3A_1625 = arith.mulf %get3A_1624, %broadcast_in_dim3A_1590 : vector<16xf32>
        %swap3A_1626 = arith.index_cast %add3A_1587 : i32 to index
        %swap3A_1627 = arith.constant 48 : index
        %swap3A_1628 = tpu.vector_load %arg9[%swap3A_1626, %swap3A_1627] {strides = array<i32>} : memref<128x128xf32, #tpu.memory_space<vmem>>, vector<1x16xf32>,
        %swap3A_1629 = vector.shape_cast %swap3A_1628 : vector<1x16xf32> to vector<16xf32>
        %swap3A_1630 = vector.shape_cast %mul3A_1625 : vector<16xf32> to vector<1x16xf32>
        tpu.vector_store %arg9[%swap3A_1626, %swap3A_1627], %swap3A_1630 {strides = array<i32>} : memref<128x128xf32, #tpu.memory_space<vmem>>, vector<1x16xf32>,
        %get3A_1631 = arith.index_cast %add3A_1587 : i32 to index
        %get3A_1632 = arith.constant 64 : index
        %get3A_1633 = tpu.vector_load %arg9[%get3A_1631, %get3A_1632] {strides = array<i32>} : memref<128x128xf32, #tpu.memory_space<vmem>>, vector<1x16xf32>,
        %get3A_1634 = vector.shape_cast %get3A_1633 : vector<1x16xf32> to vector<16xf32>
        %mul3A_1635 = arith.mulf %get3A_1634, %broadcast_in_dim3A_1590 : vector<16xf32>
        %swap3A_1636 = arith.index_cast %add3A_1587 : i32 to index
        %swap3A_1637 = arith.constant 64 : index
        %swap3A_1638 = tpu.vector_load %arg9[%swap3A_1636, %swap3A_1637] {strides = array<i32>} : memref<128x128xf32, #tpu.memory_space<vmem>>, vector<1x16xf32>,
        %swap3A_1639 = vector.shape_cast %swap3A_1638 : vector<1x16xf32> to vector<16xf32>
        %swap3A_1640 = vector.shape_cast %mul3A_1635 : vector<16xf32> to vector<1x16xf32>
        tpu.vector_store %arg9[%swap3A_1636, %swap3A_1637], %swap3A_1640 {strides = array<i32>} : memref<128x128xf32, #tpu.memory_space<vmem>>, vector<1x16xf32>,
        %get3A_1641 = arith.index_cast %add3A_1587 : i32 to index
        %get3A_1642 = arith.constant 80 : index
        %get3A_1643 = tpu.vector_load %arg9[%get3A_1641, %get3A_1642] {strides = array<i32>} : memref<128x128xf32, #tpu.memory_space<vmem>>, vector<1x16xf32>,
        %get3A_1644 = vector.shape_cast %get3A_1643 : vector<1x16xf32> to vector<16xf32>
        %mul3A_1645 = arith.mulf %get3A_1644, %broadcast_in_dim3A_1590 : vector<16xf32>
        %swap3A_1646 = arith.index_cast %add3A_1587 : i32 to index
        %swap3A_1647 = arith.constant 80 : index
        %swap3A_1648 = tpu.vector_load %arg9[%swap3A_1646, %swap3A_1647] {strides = array<i32>} : memref<128x128xf32, #tpu.memory_space<vmem>>, vector<1x16xf32>,
        %swap3A_1649 = vector.shape_cast %swap3A_1648 : vector<1x16xf32> to vector<16xf32>
        %swap3A_1650 = vector.shape_cast %mul3A_1645 : vector<16xf32> to vector<1x16xf32>
        tpu.vector_store %arg9[%swap3A_1646, %swap3A_1647], %swap3A_1650 {strides = array<i32>} : memref<128x128xf32, #tpu.memory_space<vmem>>, vector<1x16xf32>,
        %get3A_1651 = arith.index_cast %add3A_1587 : i32 to index
        %get3A_1652 = arith.constant 96 : index
        %get3A_1653 = tpu.vector_load %arg9[%get3A_1651, %get3A_1652] {strides = array<i32>} : memref<128x128xf32, #tpu.memory_space<vmem>>, vector<1x16xf32>,
        %get3A_1654 = vector.shape_cast %get3A_1653 : vector<1x16xf32> to vector<16xf32>
        %mul3A_1655 = arith.mulf %get3A_1654, %broadcast_in_dim3A_1590 : vector<16xf32>
        %swap3A_1656 = arith.index_cast %add3A_1587 : i32 to index
        %swap3A_1657 = arith.constant 96 : index
        %swap3A_1658 = tpu.vector_load %arg9[%swap3A_1656, %swap3A_1657] {strides = array<i32>} : memref<128x128xf32, #tpu.memory_space<vmem>>, vector<1x16xf32>,
        %swap3A_1659 = vector.shape_cast %swap3A_1658 : vector<1x16xf32> to vector<16xf32>
        %swap3A_1660 = vector.shape_cast %mul3A_1655 : vector<16xf32> to vector<1x16xf32>
        tpu.vector_store %arg9[%swap3A_1656, %swap3A_1657], %swap3A_1660 {strides = array<i32>} : memref<128x128xf32, #tpu.memory_space<vmem>>, vector<1x16xf32>,
        %get3A_1661 = arith.index_cast %add3A_1587 : i32 to index
        %get3A_1662 = arith.constant 112 : index
        %get3A_1663 = tpu.vector_load %arg9[%get3A_1661, %get3A_1662] {strides = array<i32>} : memref<128x128xf32, #tpu.memory_space<vmem>>, vector<1x16xf32>,
        %get3A_1664 = vector.shape_cast %get3A_1663 : vector<1x16xf32> to vector<16xf32>
        %mul3A_1665 = arith.mulf %get3A_1664, %broadcast_in_dim3A_1590 : vector<16xf32>
        %swap3A_1666 = arith.index_cast %add3A_1587 : i32 to index
        %swap3A_1667 = arith.constant 112 : index
        %swap3A_1668 = tpu.vector_load %arg9[%swap3A_1666, %swap3A_1667] {strides = array<i32>} : memref<128x128xf32, #tpu.memory_space<vmem>>, vector<1x16xf32>,
        %swap3A_1669 = vector.shape_cast %swap3A_1668 : vector<1x16xf32> to vector<16xf32>
        %swap3A_1670 = vector.shape_cast %mul3A_1665 : vector<16xf32> to vector<1x16xf32>
        tpu.vector_store %arg9[%swap3A_1666, %swap3A_1667], %swap3A_1670 {strides = array<i32>} : memref<128x128xf32, #tpu.memory_space<vmem>>, vector<1x16xf32>,
      }
      %scan3A_274 = arith.constant 8 : i32
      "tpu.region"() ({
        %run_scoped3A = tpu.sem_alloc : memref<!tpu.dma_semaphore, #tpu.memory_space<semaphore_mem>>
        %dma_start3A_275 = arith.constant 0 : i32
        %dma_start3A_276 = arith.constant 0 : i32
        %dma_start3A_277 = tpu.memref_slice %arg8[%dma_start3A_275, %dma_start3A_276] : memref<10016x128xf32, #tpu.memory_space<vmem_shared>> -> memref<10016x128xf32, #tpu.memory_space<vmem_shared>>
        tpu.enqueue_indirect_dma source(%arg9 : memref<128x128xf32, #tpu.memory_space<vmem>>) target(%dma_start3A_277 : memref<10016x128xf32, #tpu.memory_space<vmem_shared>>) offsets(%arg11 : memref<128xi32, #tpu.memory_space<vmem>>) semaphore(%run_scoped3A : memref<!tpu.dma_semaphore, #tpu.memory_space<semaphore_mem>>) {add = true}
        %dma_wait3A_278 = arith.constant 0 : i32
        %dma_wait3A_279 = arith.constant 0 : i32
        %dma_wait3A_280 = tpu.memref_slice %arg8[%dma_wait3A_278, %dma_wait3A_279] : memref<10016x128xf32, #tpu.memory_space<vmem_shared>> -> memref<10016x128xf32, #tpu.memory_space<vmem_shared>>
        tpu.wait_indirect_dma semaphore(%run_scoped3A : memref<!tpu.dma_semaphore, #tpu.memory_space<semaphore_mem>>) src(%arg9 : memref<128x128xf32, #tpu.memory_space<vmem>>) dst(%dma_wait3A_280 : memref<10016x128xf32, #tpu.memory_space<vmem_shared>>)
        tpu.yield
      }) : () -> ()
    }
    %scan3A_103 = arith.constant 162 : i32
    %barrier3A_104 = arith.constant 0 : index
    tpu.barrier barrier_id(%barrier3A_104)
    %mul3A_105 = arith.constant 624 : i32
    %mul3A_106 = arith.muli %arg1, %mul3A_105 : i32
    %mul3A_107 = arith.constant 624 : i32
    %mul3A_108 = arith.muli %arg1, %mul3A_107 : i32
    "tpu.region"() ({
      %run_scoped3A = tpu.sem_alloc : memref<!tpu.dma_semaphore, #tpu.memory_space<semaphore_mem>>
      %dma_start3A = arith.constant 0 : i32
      %dma_start3A_111 = tpu.memref_slice %arg6[%arg0, %mul3A_108, %dma_start3A] : memref<2x10000x128xf32, #tpu.memory_space<hbm>> -> memref<1x624x128xf32, #tpu.memory_space<hbm>>
      %dma_start3A_112 = tpu.memref_squeeze %dma_start3A_111 : memref<1x624x128xf32, #tpu.memory_space<hbm>> -> memref<624x128xf32, #tpu.memory_space<hbm>>
      %dma_start3A_113 = arith.constant 0 : i32
      %dma_start3A_114 = tpu.memref_slice %arg8[%mul3A_106, %dma_start3A_113] : memref<10016x128xf32, #tpu.memory_space<vmem_shared>> -> memref<624x128xf32, #tpu.memory_space<vmem_shared>>
      tpu.enqueue_dma source(%dma_start3A_114 : memref<624x128xf32, #tpu.memory_space<vmem_shared>>) target(%dma_start3A_112 : memref<624x128xf32, #tpu.memory_space<hbm>>) target_semaphore(%run_scoped3A : memref<!tpu.dma_semaphore, #tpu.memory_space<semaphore_mem>>)
      %dma_wait3A = arith.constant 0 : i32
      %dma_wait3A_115 = tpu.memref_slice %arg6[%arg0, %mul3A_108, %dma_wait3A] : memref<2x10000x128xf32, #tpu.memory_space<hbm>> -> memref<1x624x128xf32, #tpu.memory_space<hbm>>
      %dma_wait3A_116 = tpu.memref_squeeze %dma_wait3A_115 : memref<1x624x128xf32, #tpu.memory_space<hbm>> -> memref<624x128xf32, #tpu.memory_space<hbm>>
      %dma_wait3A_117 = arith.constant 0 : i32
      %dma_wait3A_118 = tpu.memref_slice %arg8[%mul3A_106, %dma_wait3A_117] : memref<10016x128xf32, #tpu.memory_space<vmem_shared>> -> memref<624x128xf32, #tpu.memory_space<vmem_shared>>
      tpu.wait_dma2 semaphore(%run_scoped3A : memref<!tpu.dma_semaphore, #tpu.memory_space<semaphore_mem>>) src(%dma_wait3A_118 : memref<624x128xf32, #tpu.memory_space<vmem_shared>>) dst(%dma_wait3A_116 : memref<624x128xf32, #tpu.memory_space<hbm>>)
      tpu.yield
    }) : () -> ()
    %eq3A = arith.constant 0 : i32
    %eq3A_109 = arith.cmpi eq, %arg1, %eq3A : i32
    %convert_element_type3A = arith.extui %eq3A_109 : i1 to i32
    %cond3A = arith.constant 0 : i32
    %cond3A_110 = arith.cmpi ne, %convert_element_type3A, %cond3A : i32
    scf.if %cond3A_110 {
      "tpu.region"() ({
        %run_scoped3A = tpu.sem_alloc : memref<!tpu.dma_semaphore, #tpu.memory_space<semaphore_mem>>
        %dma_start3A = arith.constant 9984 : i32
        %dma_start3A_111 = arith.constant 0 : i32
        %dma_start3A_112 = tpu.memref_slice %arg6[%arg0, %dma_start3A, %dma_start3A_111] : memref<2x10000x128xf32, #tpu.memory_space<hbm>> -> memref<1x16x128xf32, #tpu.memory_space<hbm>>
        %dma_start3A_113 = tpu.memref_squeeze %dma_start3A_112 : memref<1x16x128xf32, #tpu.memory_space<hbm>> -> memref<16x128xf32, #tpu.memory_space<hbm>>
        %dma_start3A_114 = arith.constant 9984 : i32
        %dma_start3A_115 = arith.constant 0 : i32
        %dma_start3A_116 = tpu.memref_slice %arg8[%dma_start3A_114, %dma_start3A_115] : memref<10016x128xf32, #tpu.memory_space<vmem_shared>> -> memref<16x128xf32, #tpu.memory_space<vmem_shared>>
        tpu.enqueue_dma source(%dma_start3A_116 : memref<16x128xf32, #tpu.memory_space<vmem_shared>>) target(%dma_start3A_113 : memref<16x128xf32, #tpu.memory_space<hbm>>) target_semaphore(%run_scoped3A : memref<!tpu.dma_semaphore, #tpu.memory_space<semaphore_mem>>)
        %dma_wait3A = arith.constant 9984 : i32
        %dma_wait3A_117 = arith.constant 0 : i32
        %dma_wait3A_118 = tpu.memref_slice %arg6[%arg0, %dma_wait3A, %dma_wait3A_117] : memref<2x10000x128xf32, #tpu.memory_space<hbm>> -> memref<1x16x128xf32, #tpu.memory_space<hbm>>
        %dma_wait3A_119 = tpu.memref_squeeze %dma_wait3A_118 : memref<1x16x128xf32, #tpu.memory_space<hbm>> -> memref<16x128xf32, #tpu.memory_space<hbm>>
        %dma_wait3A_120 = arith.constant 9984 : i32
        %dma_wait3A_121 = arith.constant 0 : i32
        %dma_wait3A_122 = tpu.memref_slice %arg8[%dma_wait3A_120, %dma_wait3A_121] : memref<10016x128xf32, #tpu.memory_space<vmem_shared>> -> memref<16x128xf32, #tpu.memory_space<vmem_shared>>
        tpu.wait_dma2 semaphore(%run_scoped3A : memref<!tpu.dma_semaphore, #tpu.memory_space<semaphore_mem>>) src(%dma_wait3A_122 : memref<16x128xf32, #tpu.memory_space<vmem_shared>>) dst(%dma_wait3A_119 : memref<16x128xf32, #tpu.memory_space<hbm>>)
        tpu.yield
      }) : () -> ()
    } else {
    }
    return
  }
}

module attributes {stable_mosaic.version = 14 : i64} {
  func.func @_fw_body(%arg0: i32, %arg1: i32, %arg2: i32, %arg3: memref<1000x256xf32, #tpu.memory_space<vmem>>, %arg4: memref<1x256x128xf32, #tpu.memory_space<vmem>>, %arg5: memref<1x1000x128xf32, #tpu.memory_space<vmem>>) attributes {dimension_semantics = [#tpu.dimension_semantics<arbitrary>, #tpu.dimension_semantics<arbitrary>, #tpu.dimension_semantics<arbitrary>], iteration_bounds = array<i64: 10, 17, 2>, scalar_prefetch = 0 : i64, scratch_operands = 0 : i64, tpu.core_type = #tpu.core_type<tc>, window_params = [{transform_indices = @transform_0, window_bounds = array<i64: 1000, 256>}, {transform_indices = @transform_1, window_bounds = array<i64: 1, 256, 128>}, {transform_indices = @transform_2, window_bounds = array<i64: 1, 1000, 128>}]} {
    %get3A = arith.constant 0 : index
    %get3A_0 = arith.constant 0 : index
    %get3A_1 = vector.load %arg3[%get3A, %get3A_0] : memref<1000x256xf32, #tpu.memory_space<vmem>>, vector<1000x256xf32>
    %get3A_2 = arith.constant 0 : index
    %get3A_3 = arith.constant 0 : index
    %get3A_4 = arith.constant 0 : index
    %get3A_5 = vector.load %arg4[%get3A_2, %get3A_3, %get3A_4] : memref<1x256x128xf32, #tpu.memory_space<vmem>>, vector<1x256x128xf32>
    %get3A_6 = vector.shape_cast %get3A_5 : vector<1x256x128xf32> to vector<256x128xf32>
    %dot_general3A = arith.constant dense<0.000000e+00> : vector<1000x128xf32>
    %dot_general3A_7 = tpu.matmul %get3A_1, %get3A_6, %dot_general3A {dimension_numbers = #tpu.dot_dimension_numbers<[1], [0], [0], [1], [0, 0, 1, 1], [], []>, transpose_lhs_hint = false} : vector<1000x256xf32>, vector<256x128xf32>, vector<1000x128xf32> -> vector<1000x128xf32>
    %swap3A = arith.constant 0 : index
    %swap3A_8 = arith.constant 0 : index
    %swap3A_9 = arith.constant 0 : index
    %swap3A_10 = vector.load %arg5[%swap3A, %swap3A_8, %swap3A_9] : memref<1x1000x128xf32, #tpu.memory_space<vmem>>, vector<1x1000x128xf32>
    %swap3A_11 = vector.shape_cast %swap3A_10 : vector<1x1000x128xf32> to vector<1000x128xf32>
    %swap3A_12 = vector.shape_cast %dot_general3A_7 : vector<1000x128xf32> to vector<1x1000x128xf32>
    tpu.vector_store %arg5[%swap3A, %swap3A_8, %swap3A_9], %swap3A_12 {strides = array<i32>} : memref<1x1000x128xf32, #tpu.memory_space<vmem>>, vector<1x1000x128xf32>,
    return
  }
  func.func @transform_0(%arg0: i32, %arg1: i32, %arg2: i32) -> (i32, i32) {
    %c0_i32 = arith.constant 0 : i32
    %c0_i32_0 = arith.constant 0 : i32
    return %arg0, %c0_i32 : i32, i32
  }
  func.func @transform_1(%arg0: i32, %arg1: i32, %arg2: i32) -> (i32, i32, i32) {
    %c0_i32 = arith.constant 0 : i32
    %c0_i32_0 = arith.constant 0 : i32
    return %arg1, %c0_i32, %arg2 : i32, i32, i32
  }
  func.func @transform_2(%arg0: i32, %arg1: i32, %arg2: i32) -> (i32, i32, i32) {
    %mul3A = arith.constant 10 : i32
    %mul3A_0 = arith.muli %arg1, %mul3A : i32
    %add3A = arith.addi %mul3A_0, %arg0 : i32
    %c0_i32 = arith.constant 0 : i32
    %c0_i32_1 = arith.constant 0 : i32
    return %arg2, %add3A, %c0_i32 : i32, i32, i32
  }
}

</mosaic_0001>

<sc_bundles>
// kernel: kernel.4.cloned.1.call-start
scs
__scs_entry_jumppad:
0x0: {  	(pc) =	sbr.rel $0x88, $3  }
0x1: {  	(tag) =	ssettag $0x0;
	lr =	simm.s32 $0x1  }
0x2: {  	[smem:$0x3F9E] =	sst lr;
	_ =	strace $0xD0000000  }
0x3: {  	_ = 	snop  }
0x4: {  	_ = 	snop  }
0x5: {  	_ = 	snop  }
0x6: {  	_ = 	snop  }
0x7: {  	_ = 	snop  }
__scs_overlays_trampoline_lowered:
0x8: {  	[smem:$0x3FAD] =	sst s0  }
0x9: {  	[smem:$0x3FAE] =	sst s1  }
0xa: {  	[smem:$0x3FAF] =	sst s2  }
0xb: {  	[smem:$0x3FB0] =	sst s3  }
0xc: {  	[smem:$0x3FB1] =	sst s4  }
0xd: {  	[smem:$0x3FB2] =	sst s5  }
0xe: {  	[smem:$0x3FB3] =	sst s6  }
0xf: {  	[smem:$0x3FB4] =	sst s7  }
0x10: {  	[smem:$0x3FB5] =	sst s8  }
0x11: {  	[smem:$0x3FB6] =	sst s9;
	s0 =	simm.s32 @!p0 $0x0  }
0x12: {  	s1 =	sld [smem:$0x3F9C];
	s0 =	simm.s32 @p0 $0x1  }
0x13: {  	[smem:$0x3FB7] =	sst s0;
	s0 =	simm.s32 @!p1 $0x0  }
0x14: {  	s2 =	sld [smem:$0x3F9B];
	s0 =	simm.s32 @p1 $0x1  }
0x15: {  	[smem:$0x3FB8] =	sst s0;
	s0 =	simm.s32 @!p2 $0x0  }
0x16: {  	s3 =	sld [smem:$0x3FDB];
	s0 =	simm.s32 @p2 $0x1  }
0x17: {  	s4 =	simm.s32 $0x1BF5;
	[smem:$0x3FBA] =	sst s0  }
0x18: {  	s0 =	sld [smem:$0x3F9D];
	_ =	swait.ge [sflag:s4], $0x0  }
0x19: {  	s7 =	sld [smem:$0x3F9E]  }
0x1a: {  	s8 =	sadd.s32 $0xFFFFE003, lr  }
0x1b: {  	s9 =	sadd.s32 $0xFFFFFEF7, lr;
	s5 =	simm.s32 $0xFFFFFFFF;
	p2 =	slt.u32 s8, $0xFFFFF086  }
0x1c: {  	p1 =	slt.u32 s9, $0xF7A;
	s5 =	simm.s32 @!p2 $0x0  }
0x1d: {  	s5 =	simm.s32 @p1 $0x1;
	p0 =	seq.s32 s7, s2  }
0x1e: {  	s7 =	smul.u32 @!p0 $0xF7A, s2;
	p2 =	seq.s32 @!p0 s5, $0x0  }
0x1f: {  	s9 =	smul.u32 $0xF7A, s1;
	s8 =	simm.s32 @!p0 $0x1BF5;
	p2 =	por !p2, p0  }
0x20: {  	[sflag:s8] =	ssyncset.s32 @!p0 $0xFFFFF086;
	s6 =	sadd.s32 @!p0 s3, s7;
	s7 =	simm.s32 @!p0 $0x108  }
0x21: {  	s3 =	sadd.s32 s3, s9;
	s6 =	sadd.s32 @!p0 $0x88, s6;
	s7 =	simm.s32 @p2 $0x1082  }
0x22: {  	[simem:s7], [sflag:s8] =	dma.local @!p0 [hbm:s6], $0xF7A  }
0x23: {  	s9 =	sor.u32 $0xD0000000, s2;
	s6 =	simm.s32 $0x108;
	_ =	swait.ge @!p0 [sflag:s8], $0x0  }
0x24: {  	s3 =	sadd.s32 $0x88, s3;
	s6 =	simm.s32 @!p1 $0x1082;
	[sflag:s4] =	ssyncset.s32 $0xFFFFF086  }
0x25: {  	[simem:s6], [sflag:s4] =	dma.local [hbm:s3], $0xF7A  }
0x26: {  	[smem:$0x3F9E] =	sst s1;
	(tag) =	ssettag s2;
	_ =	strace s9  }
0x27: {  	s1 =	sld [smem:$0x3FAE]  }
0x28: {  	s2 =	sld [smem:$0x3FAF]  }
0x29: {  	s4 =	sld [smem:$0x3FB1]  }
0x2a: {  	p0 =	seq.s32 s5, $0x0;
	s5 =	sld [smem:$0x3FB2]  }
0x2b: {  	s6 =	sld [smem:$0x3FB3]  }
0x2c: {  	s7 =	sld [smem:$0x3FB4]  }
0x2d: {  	s3 =	simm.s32 $0x108;
	s8 =	sld [smem:$0x3FB5]  }
0x2e: {  	s3 =	simm.s32 @!p0 $0x1082;
	s9 =	sld [smem:$0x3FB6]  }
0x2f: {  	lr =	sadd.s32 s0, s3;
	s0 =	sld [smem:$0x3FAD]  }
0x30: {  	s3 =	sld [smem:$0x3FB0]  }
0x31: {  	[smem:$0x3FB9] =	sst s10  }
0x32: {  	s10 =	sld [smem:$0x3FB7];
	_ =	sdelay $0x3  }
0x33: {  	p0 =	seq.s32 s10, $0x1;
	s10 =	sld [smem:$0x3FB9];
	_ =	sdelay $0x3  }
0x34: {  	[smem:$0x3FB9] =	sst s10  }
0x35: {  	s10 =	sld [smem:$0x3FB8];
	_ =	sdelay $0x3  }
0x36: {  	p1 =	seq.s32 s10, $0x1;
	s10 =	sld [smem:$0x3FB9];
	_ =	sdelay $0x3  }
0x37: {  	[smem:$0x3FB9] =	sst s10  }
0x38: {  	s10 =	sld [smem:$0x3FBA]  }
0x39: {  	_ = 	snop;
	(pc) =	sbr.ind lr, $3  }
0x3a: {  	_ = 	snop  }
0x3b: {  	_ = 	snop  }
0x3c: {  	p2 =	seq.s32 s10, $0x1;
	s10 =	sld [smem:$0x3FB9]  }
0x3d: {  	_ =	shalt  }
0x3e: {  	_ =	shalt  }
0x3f: {  	_ =	shalt  }
0x40: {  	_ =	shalt  }
0x41: {  	_ =	shalt  }
0x42: {  	_ =	shalt  }
0x43: {  	_ =	shalt  }
0x44: {  	_ =	shalt  }
0x45: {  	_ =	shalt  }
0x46: {  	_ =	shalt  }
0x47: {  	_ =	shalt  }
0x48: {  	_ =	shalt  }
0x49: {  	_ =	shalt  }
0x4a: {  	_ =	shalt  }
0x4b: {  	_ =	shalt  }
0x4c: {  	_ =	shalt  }
0x4d: {  	_ =	shalt  }
0x4e: {  	_ =	shalt  }
0x4f: {  	_ =	shalt  }
0x50: {  	_ =	shalt  }
0x51: {  	_ =	shalt  }
0x52: {  	_ =	shalt  }
0x53: {  	_ =	shalt  }
0x54: {  	_ =	shalt  }
0x55: {  	_ =	shalt  }
0x56: {  	_ =	shalt  }
0x57: {  	_ =	shalt  }
0x58: {  	_ =	shalt  }
0x59: {  	_ =	shalt  }
0x5a: {  	_ =	shalt  }
0x5b: {  	_ =	shalt  }
0x5c: {  	_ =	shalt  }
0x5d: {  	_ =	shalt  }
0x5e: {  	_ =	shalt  }
0x5f: {  	_ =	shalt  }
0x60: {  	_ =	shalt  }
0x61: {  	_ =	shalt  }
0x62: {  	_ =	shalt  }
0x63: {  	_ =	shalt  }
0x64: {  	_ =	shalt  }
0x65: {  	_ =	shalt  }
0x66: {  	_ =	shalt  }
0x67: {  	_ =	shalt  }
0x68: {  	_ =	shalt  }
0x69: {  	_ =	shalt  }
0x6a: {  	_ =	shalt  }
0x6b: {  	_ =	shalt  }
0x6c: {  	_ =	shalt  }
0x6d: {  	_ =	shalt  }
0x6e: {  	_ =	shalt  }
0x6f: {  	_ =	shalt  }
0x70: {  	_ =	shalt  }
0x71: {  	_ =	shalt  }
0x72: {  	_ =	shalt  }
0x73: {  	_ =	shalt  }
0x74: {  	_ =	shalt  }
0x75: {  	_ =	shalt  }
0x76: {  	_ =	shalt  }
0x77: {  	_ =	shalt  }
0x78: {  	_ =	shalt  }
0x79: {  	_ =	shalt  }
0x7a: {  	_ =	shalt  }
0x7b: {  	_ =	shalt  }
0x7c: {  	_ =	shalt  }
0x7d: {  	_ =	shalt  }
0x7e: {  	_ =	shalt  }
0x7f: {  	_ =	shalt  }
0x80: {  	_ =	shalt  }
0x81: {  	_ =	shalt  }
0x82: {  	_ =	shalt  }
0x83: {  	_ =	shalt  }
0x84: {  	_ =	shalt  }
0x85: {  	_ =	shalt  }
0x86: {  	_ =	shalt  }
0x87: {  	_ =	shalt  }
.Lfunc_end0:
.L_simem_size_0:
called_computation_lowered:
.L_overlay_start_0:
0x88: {  	s2 =	sld [smem:$0x3FD9]  }
0x89: {  	s3 =	sld [smem:$0x3FFE];
	_ =	sdelay $0x1  }
0x8a: {  	s1 =	srdreg.scid  }
0x8b: {  	s0 =	sand.u32 $0x1, s1  }
0x8c: {  	s17 =	sshll.u32 s0, $0xA;
	s2 =	sadd.s32 s3, s2  }
0x8d: {  	s2 =	sadd.s32 s2, s17  }
0x8e: {  	[smem:$0x3FC5] =	sst s2  }
0x8f: {  	_ = 	snop  }
0x90: {  	s2 =	sld [smem:$0x3FD0];
	(tm) =	ssettm $0x1  }
0x91: {  	s18 =	sld [smem:$0x3FFB];
	_ =	sdelay $0x3  }
0x92: {  	_ =	strace s18  }
0x93: {  	s3 =	sld [smem:$0x3FFC];
	_ =	sdelay $0x3  }
0x94: {  	_ =	strace s3  }
0x95: {  	s3 =	sld [smem:$0x3FFD];
	_ =	sdelay $0x3  }
0x96: {  	_ =	strace s3  }
0x97: {  	_ =	strace $0x8FFFFFFF  }
0x98: {  	s19 =	sld [smem:$0x3FDB];
	_ =	sdelay $0x1  }
0x99: {  	s4 =	simm.s32 $_scs_section_size  }
0x9a: {  	s5 =	simm.s32 $_size__tile_overlayer_lowered;
	s6 =	simm.s32 $_tile_overlayer_lowered  }
0x9b: {  	s22 =	simm.s32 $0x1BFF;
	s21 =	sshll.u32 s6, $0x1;
	s3 =	sadd.s32 s4, s19  }
0x9c: {  	s7 =	simm.s32 $0x0;
	s20 =	sshll.u32 s5, $0x1;
	s5 =	sadd.s32 s21, s3  }
0x9d: {  	[timem:s7], [sflag:s22] =	dma.local [hbm:s5], s20  }
0x9e: {  	_ =	swait.ge [sflag:s22], s20  }
0x9f: {  	s4 =	ssub.s32 $0x0, s20;
	[sflag:s22] =	ssyncset.done $0x0  }
0xa0: {  	[sflag:s22] =	ssyncadd.s32 s4;
	_ =	sdelay $0x1  }
0xa1: {  	s23 =	simm.s32 $0x1B8B  }
0xa2: {  	_ =	swait.ge [sflag:s23], $0x1  }
0xa3: {  	[sflag:s23] =	ssyncset.done $0x0  }
0xa4: {  	s25 =	simm.s32 $0x1B8E;
	s24 =	sld [smem:$0x3FFE];
	[sflag:s23] =	ssyncadd.s32 $0xFFFFFFFF  }
0xa5: {  	s26 =	simm.s32 $execute0_lowered;
	[smem:$0x3FD2] =	sst s25  }
0xa6: {  	s5 =	sshll.u32 s26, $0x1;
	_ =	strace $0x80000046;
	[dreg:$0x1] =	wrdreg $0xFFFFFFFF  }
0xa7: {  	s28 =	simm.s32 $_size_execute0_lowered;
	s3 =	sadd.s32 s3, s5;
	[dreg:$0x0] =	wrdreg $0x0  }
0xa8: {  	s5 =	sshll.u32 s28, $0x1;
	[dreg:$0x2] =	wrdreg s3  }
0xa9: {  	[dreg:$0x3] =	wrdreg s5  }
0xaa: {  	[dreg:$0x4] =	wrdreg $0xC0  }
0xab: {  	_ =	task [dreg:s7], $0x5FFFF  }
0xac: {  	[dreg:$0x1] =	wrdreg $0xFFFFFFFF  }
0xad: {  	[dreg:$0x0] =	wrdreg $0x60  }
0xae: {  	[dreg:$0x2] =	wrdreg s24  }
0xaf: {  	[dreg:$0x3] =	wrdreg s2  }
0xb0: {  	[dreg:$0x4] =	wrdreg $0x29900  }
0xb1: {  	[dreg:$0x5] =	wrdreg $0x0  }
0xb2: {  	[dreg:$0x6] =	wrdreg $0x9  }
0xb3: {  	_ =	task.clear_ibuf [dreg:s7], $0x7FFFF;
	_ =	strace $0x90000046  }
0xb4: {  	s29 =	simm.s32 $0x9;
	_ =	strace $0x80000048  }
0xb5: {  	_ =	swait.ge [sflag:s29], $0x1  }
0xb6: {  	[sflag:s29] =	ssyncadd.s32 $0xFFFFFFFF  }
0xb7: {  	_ =	strace $0x90000048  }
0xb8: {  	_ =	sfence  }
0xb9: {  	s30 =	sld [smem:$0x0];
	_ =	sdelay $0x2  }
0xba: {  	s31 =	sshll.u32 s1, $0xD;
	s1 =	sshrl.u32 s1, $0x2  }
0xbb: {  	s3 =	sand.u32 $0x4000, s31;
	s1 =	sadd.s32 s1, s30  }
0xbc: {  	s0 =	sor.u32 s3, s0;
	s1 =	sshll.u32 s1, $0x11  }
0xbd: {  	s0 =	sor.u32 s1, s0  }
0xbe: {  	s0 =	sadd.s32 $0x8F2B, s0  }
0xbf: {  	[sflag:s0] =	ssyncadd.remote.s32 $0x1  }
0xc0: {  	_ =	sfence.sel $0xFFFF  }
0xc1: {  	[dreg:$0x0] =	wrdreg $0xFFFFFFFF;
	(pc) =	sbr.abs _section_cstart, $3  }
0xc2: {  	[dreg:$0x1] =	wrdreg $0xFFFFFFFF  }
0xc3: {  	_ =	task.clear_ibuf [dreg:s7], $0x2FFFF;
	_ =	strace $0x9FFFFFFF  }
0xc4: {  	(tm) =	ssettm $0x7FFFFFFF  }
0xc5: {  	_ =	shalt  }
tec
execute0_lowered:
.L_overlay_start_1:
0x0: {  	(tag) =	ssettag $0x1  }
0x1: {  	s1 =	rddreg [dreg:$0x0]  }
0x2: {  	s0 =	rddreg [dreg:$0x1]  }
0x3: {  	s2 =	rddreg [dreg:$0x2]  }
0x4: {  	s3 =	rddreg [dreg:$0x3]  }
0x5: {  	s4 =	simm.s32 $0x0;
	s5 =	srdreg.scid;
	s20 =	stileid.u32  }
0x6: {  	s28 =	simm.s32 $0x1A590;
	s29 =	simm.s32 $0x1A290;
	s10 =	smul.u32 $0xA640, s20  }
0x7: {  	s30 =	simm.s32 $0x1A310;
	s31 =	simm.s32 $0x1A510;
	s12 =	smul.u32 $0x4E400, s20  }
0x8: {  	[smem:$0x7FF] =	sst s4;
	s5 =	sand.u32 $0x1, s5;
	s22 =	smul.u32 $0x13800, s20  }
0x9: {  	s6 =	sadd.s32 $0xA200, s1;
	s7 =	sadd.s32 $0x544600, s1;
	s25 =	smul.u32 $0x4E000, s20  }
0xa: {  	s8 =	sadd.s32 $0x53A400, s1;
	p0 =	sne.s32 s20, $0x0;
	s21 =	smul.u32 $0x138800, s5  }
0xb: {  	_ =	strace $0x80000047;
	s9 =	ssub.s32 $0x2, s5;
	s5 =	smul.u32 $0x29810, s5  }
0xc: {  	s11 =	sshrl.u32 s9, $0x1;
	s10 =	sshrl.u32 s10, $0x2;
	s19 =	sshrl.u32 s12, $0x2  }
0xd: {  	s13 =	ssub.s32 s9, s11;
	s9 =	smul.u32 $0x5100, s20;
	s10 =	sadd.s32 s10, s3  }
0xe: {  	s11 =	sadd.s32 s19, s2;
	s12 =	sshrl.u32 s21, $0x3;
	s19 =	smul.u32 $0xA20, s20  }
0xf: {  	v0 =	vmov s5;
	s20 =	simm.s32 $0x1A410;
	s5 =	simm.s32 $0x0;
	[dreg:$0x5] =	wrdreg s10  }
0x10: {  	s14 =	sadd.s32 $0x4000, s11;
	s23 =	sadd.s32 $0x8000, s11;
	s24 =	sadd.s32 $0xC000, s11  }
0x11: {  	s15 =	sadd.s32 $0x10000, s11;
	s10 =	sadd.s32 s22, s21;
	[dreg:$0x6] =	wrdreg s14  }
0x12: {  	s12 =	sadd.s32 s0, s12;
	s18 =	smax.u32 s13, $0x1;
	[dreg:$0x7] =	wrdreg s23  }
0x13: {  	s21 =	simm.s32 $0x2;
	s22 =	simm.s32 $0x16290;
	[dreg:$0x8] =	wrdreg s24  }
0x14: {  	s10 =	sshrl.u32 s10, $0x3;
	s14 =	sshrl.u32 s25, $0x2;
	s17 =	sadd.s32 $0x27000, s12  }
0x15: {  	s19 =	sadd.s32 s19, s8;
	s25 =	simm.s32 $0x1A390;
	s16 =	sadd.s32 s0, s10  }
0x16: {  	s26 =	sadd.s32 s14, s2;
	s10 =	sadd.s32 $0x138000, s2;
	s0 =	simm.s32 $0x1  }
0x17: {  	v1 =	vimm.f32 $0.0e+00;
	v2 =	vimm.f32 $1.000000000e+00;
	s23 =	sshrl.u32 s26, $0x3;
	s24 =	sshrl.u32 @!p0 s10, $0x3;
	s26 =	simm.s32 $0x80  }
.LBB2_1:
0x18: {  	s10 =	simm.s32 $0x0;
	s12 =	simm.s32 $0x200  }
.LBB2_2:
0x19: {  	p1 =	sne.s32 s12, $0xFE00;
	[tilespmem:s10+$0x16300] =	vst v1  }
0x1a: {  	[tilespmem:s10+$0x16290] =	vst v1  }
0x1b: {  	[tilespmem:s10+$0x162A0] =	vst v1  }
.Ltmp0:
0x1c: {  	[tilespmem:s10+$0x162B0] =	vst v1;
	(pc) =	sbr.rel @p1 .LBB2_2-.Ltmp0, $4  }
0x1d: {  	[tilespmem:s10+$0x162C0] =	vst v1  }
0x1e: {  	[tilespmem:s10+$0x162D0] =	vst v1  }
0x1f: {  	[tilespmem:s10+$0x162E0] =	vst v1  }
0x20: {  	[tilespmem:s10+$0x162F0] =	vst v1;
	s10 =	sshra.s32 s12, $0x2;
	s12 =	sadd.s32 $0x200, s12  }
0x21: {  	[tilespmem:s10+$0x16300] =	vst v1  }
0x22: {  	[tilespmem:s10+$0x16290] =	vst v1  }
0x23: {  	[tilespmem:s10+$0x162A0] =	vst v1  }
0x24: {  	[tilespmem:s10+$0x162B0] =	vst v1  }
0x25: {  	[tilespmem:s10+$0x162C0] =	vst v1  }
0x26: {  	[tilespmem:s10+$0x162D0] =	vst v1  }
0x27: {  	[tilespmem:s10+$0x162E0] =	vst v1  }
0x28: {  	[tilespmem:s10+$0x162F0] =	vst v1;
	s10 =	simm.s32 $0x40;
	s12 =	simm.s32 $0x0  }
.LBB2_4:
0x29: {  	p1 =	sne.s32 s10, $0xA600;
	[tilespmem:s12+$0x1A610] =	vst v1;
	s12 =	smov.u32 s10;
	s10 =	sadd.s32 $0x40, s10  }
.Ltmp1:
0x2a: {  	(pc) =	sbr.rel @p1 .LBB2_4-.Ltmp1, $2  }
0x2b: {  	_ =	sdelay $0x2  }
0x2c: {  	s12 =	sshra.s32 s12, $0x2  }
0x2d: {  	[tilespmem:s12+$0x1A610] =	vst v1  }
0x2e: {  	[tilespmem:$0x1A590] =	vst v2  }
0x2f: {  	[tilespmem:$0x1A5A0] =	vst v2  }
0x30: {  	[tilespmem:$0x1A5B0] =	vst v2  }
0x31: {  	[tilespmem:$0x1A5C0] =	vst v2  }
0x32: {  	[tilespmem:$0x1A5D0] =	vst v2  }
0x33: {  	[tilespmem:$0x1A5E0] =	vst v2  }
0x34: {  	[tilespmem:$0x1A5F0] =	vst v2  }
0x35: {  	s10 =	rddreg [dreg:$0x5];
	s13 =	simm.s32 $0x1A610;
	[tilespmem:$0x1A600] =	vst v2  }
0x36: {  	[spmem:s10] =	stream.linear.scatter [tilespmem:s13], [sflag:$0x2], $0x2990, $0x38;
	[tilespmem:$0x1D010] =	vst v63  }
0x37: {  	_ =	swait.ge [sflag:s21], $0x2990  }
0x38: {  	[sflag:s21] =	ssyncset.done $0x0  }
0x39: {  	[sflag:s21] =	ssyncadd.s32 $0xFFFFD670  }
0x3a: {  	[spmem:s11] =	stream.linear.scatter [tilespmem:s22], [sflag:$0x2], $0x4000, $0x38;
	[tilespmem:$0x1D010] =	vst v63  }
0x3b: {  	_ =	swait.ge [sflag:s21], $0x4000  }
0x3c: {  	[sflag:s21] =	ssyncset.done $0x0  }
0x3d: {  	s14 =	rddreg [dreg:$0x6];
	[sflag:s21] =	ssyncadd.s32 $0xFFFFC000  }
0x3e: {  	[spmem:s14] =	stream.linear.scatter [tilespmem:s22], [sflag:$0x2], $0x4000, $0x38;
	[tilespmem:$0x1D010] =	vst v63  }
0x3f: {  	_ =	swait.ge [sflag:s21], $0x4000  }
0x40: {  	[sflag:s21] =	ssyncset.done $0x0  }
0x41: {  	s12 =	rddreg [dreg:$0x7];
	[sflag:s21] =	ssyncadd.s32 $0xFFFFC000  }
0x42: {  	[spmem:s12] =	stream.linear.scatter [tilespmem:s22], [sflag:$0x2], $0x4000, $0x38;
	[tilespmem:$0x1D010] =	vst v63  }
0x43: {  	_ =	swait.ge [sflag:s21], $0x4000  }
0x44: {  	[sflag:s21] =	ssyncset.done $0x0  }
0x45: {  	s13 =	rddreg [dreg:$0x8];
	[sflag:s21] =	ssyncadd.s32 $0xFFFFC000  }
0x46: {  	[spmem:s13] =	stream.linear.scatter [tilespmem:s22], [sflag:$0x2], $0x4000, $0x38;
	[tilespmem:$0x1D010] =	vst v63  }
0x47: {  	_ =	swait.ge [sflag:s21], $0x4000  }
0x48: {  	[sflag:s21] =	ssyncset.done $0x0  }
0x49: {  	[sflag:s21] =	ssyncadd.s32 $0xFFFFC000  }
0x4a: {  	[spmem:s15] =	stream.linear.scatter [tilespmem:s22], [sflag:$0x2], $0x3900, $0x38;
	[tilespmem:$0x1D010] =	vst v63  }
0x4b: {  	_ =	swait.ge [sflag:s21], $0x3900  }
0x4c: {  	[sflag:s21] =	ssyncset.done $0x0  }
0x4d: {  	[sflag:s21] =	ssyncadd.s32 $0xFFFFC700  }
0x4e: {  	s14 =	sadd.s32 $0x0, s19;
	[bflag:$0x0] =	sbarrier.arrive $0xFFFF  }
0x4f: {  	[tilespmem:s25], [sflag:$0x2] =	stream.linear.gather [hbm4b:s14+s4], $0x80, $0x38;
	[tilespmem:$0x1D010] =	vst v63  }
0x50: {  	_ =	swait.ge [sflag:s21], $0x80  }
0x51: {  	[sflag:s21] =	ssyncset.done $0x0  }
0x52: {  	[sflag:s21] =	ssyncadd.s32 $0xFFFFFF80  }
0x53: {  	[spmem:s3] =	stream.indirect.scatter.add.f32 [tilespmem:s28], [sflag:$0x2], $0x1, s25, s26, $0xb8;
	[tilespmem:$0x1D010] =	vst v63  }
0x54: {  	_ =	swait.ge [sflag:s21], $0x80  }
0x55: {  	s10 =	simm.s32 $0x10;
	s12 =	simm.s32 $0x20;
	[sflag:s21] =	ssyncset.done $0x0  }
.LBB2_6:
0x56: {  	s13 =	sadd.s32 s10, s19  }
0x57: {  	[sflag:s21] =	ssyncadd.s32 $0xFFFFFF80;
	s10 =	smov.u32 s12;
	s14 =	sadd.s32 $0x10, s12  }
0x58: {  	[tilespmem:s25], [sflag:$0x2] =	stream.linear.gather [hbm4b:s13+s4], $0x80, $0x38;
	[tilespmem:$0x1D010] =	vst v63  }
0x59: {  	p1 =	sne.s32 s12, $0xA10;
	_ =	swait.ge [sflag:s21], $0x80  }
.Ltmp2:
0x5a: {  	[sflag:s21] =	ssyncset.done $0x0;
	(pc) =	sbr.rel @p1 .LBB2_6-.Ltmp2, $4  }
0x5b: {  	[sflag:s21] =	ssyncadd.s32 $0xFFFFFF80  }
0x5c: {  	[spmem:s3] =	stream.indirect.scatter.add.f32 [tilespmem:s28], [sflag:$0x2], $0x1, s25, s26, $0xb8;
	[tilespmem:$0x1D010] =	vst v63  }
0x5d: {  	_ =	swait.ge [sflag:s21], $0x80  }
0x5e: {  	s12 =	smov.u32 s14;
	[sflag:s21] =	ssyncset.done $0x0  }
0x5f: {  	s10 =	sadd.s32 s10, s19;
	[sflag:s21] =	ssyncadd.s32 $0xFFFFFF80  }
0x60: {  	[tilespmem:s25], [sflag:$0x2] =	stream.linear.gather [hbm4b:s10+s4], $0x80, $0x38;
	[tilespmem:$0x1D010] =	vst v63  }
0x61: {  	_ =	swait.ge [sflag:s21], $0x80  }
0x62: {  	[sflag:s21] =	ssyncset.done $0x0  }
0x63: {  	[sflag:s21] =	ssyncadd.s32 $0xFFFFFF80  }
0x64: {  	[spmem:s3] =	stream.indirect.scatter.add.f32 [tilespmem:s28], [sflag:$0x2], $0x1, s25, s26, $0xb8;
	[tilespmem:$0x1D010] =	vst v63  }
0x65: {  	_ =	swait.ge [sflag:s21], $0x80  }
0x66: {  	[sflag:s21] =	ssyncset.done $0x0  }
0x67: {  	[sflag:s21] =	ssyncadd.s32 $0xFFFFFF80  }
0x68: {  	s12 =	simm.s32 $0x0;
	s10 =	simm.s32 $0x0;
	[bflag:$0x0] =	sbarrier.arrive $0xFFFF  }
.LBB2_8:
0x69: {  	s13 =	sshll.u32 s12, $0x7  }
0x6a: {  	s13 =	sadd.s32 s9, s13  }
0x6b: {  	s13 =	sshrl.u32 s13, $0x3  }
0x6c: {  	s14 =	sadd.s32 s7, s13  }
0x6d: {  	[tilespmem:s29], [sflag:$0x2] =	stream.linear.gather [hbm4b:s14+s10], $0x80, $0x38;
	[tilespmem:$0x1D010] =	vst v63  }
0x6e: {  	_ =	swait.ge [sflag:s21], $0x80  }
0x6f: {  	[sflag:s21] =	ssyncset.done $0x0  }
0x70: {  	s14 =	sadd.s32 s1, s13;
	[sflag:s21] =	ssyncadd.s32 $0xFFFFFF80  }
0x71: {  	[tilespmem:s30], [sflag:$0x2] =	stream.linear.gather [hbm4b:s14+s10], $0x80, $0x38;
	[tilespmem:$0x1D010] =	vst v63  }
0x72: {  	_ =	swait.ge [sflag:s21], $0x80  }
0x73: {  	[sflag:s21] =	ssyncset.done $0x0  }
0x74: {  	s13 =	sadd.s32 s8, s13;
	[sflag:s21] =	ssyncadd.s32 $0xFFFFFF80  }
0x75: {  	[tilespmem:s25], [sflag:$0x2] =	stream.linear.gather [hbm4b:s13+s10], $0x80, $0x38;
	[tilespmem:$0x1D010] =	vst v63  }
0x76: {  	_ =	swait.ge [sflag:s21], $0x80  }
0x77: {  	[sflag:s21] =	ssyncset.done $0x0  }
0x78: {  	[sflag:s21] =	ssyncadd.s32 $0xFFFFFF80  }
0x79: {  	v3 =	vld [tilespmem:$0x1A290]  }
0x7a: {  	v4 =	vld [tilespmem:$0x1A2A0]  }
0x7b: {  	v5 =	vld [tilespmem:$0x1A2B0]  }
0x7c: {  	v6 =	vld [tilespmem:$0x1A2C0]  }
0x7d: {  	v7 =	vld [tilespmem:$0x1A2D0]  }
0x7e: {  	v8 =	vld [tilespmem:$0x1A2E0];
	v3 =	vadd.s32 v0, v3  }
0x7f: {  	v53 =	vld [tilespmem:$0x1A2F0];
	[tilespmem:$0x1A510] =	vst v3;
	v3 =	vadd.s32 v0, v4  }
0x80: {  	v54 =	vld [tilespmem:$0x1A300];
	[tilespmem:$0x1A520] =	vst v3;
	v3 =	vadd.s32 v0, v5  }
0x81: {  	[tilespmem:$0x1A530] =	vst v3;
	v3 =	vadd.s32 v0, v6  }
0x82: {  	[tilespmem:$0x1A540] =	vst v3;
	v3 =	vadd.s32 v0, v7  }
0x83: {  	[tilespmem:$0x1A550] =	vst v3;
	v3 =	vadd.s32 v0, v8  }
0x84: {  	[tilespmem:$0x1A560] =	vst v3;
	v3 =	vadd.s32 v0, v53  }
0x85: {  	[tilespmem:$0x1A570] =	vst v3;
	v3 =	vadd.s32 v0, v54  }
0x86: {  	[tilespmem:$0x1A580] =	vst v3  }
0x87: {  	[tilespmem:s22], [sflag:$0x1] =	stream.indirect.gather [hbm4b:s6+s26], $0x80, s31, s26, $0xb8;
	[tilespmem:$0x1D010] =	vst v63  }
0x88: {  	_ =	swait.ge [sflag:s0], $0x4000  }
0x89: {  	[sflag:s0] =	ssyncset.done $0x0  }
0x8a: {  	[sflag:s0] =	ssyncadd.s32 $0xFFFFC000  }
0x8b: {  	[tilespmem:s20], [sflag:$0x2] =	stream.indirect.gather [spmem:s3], $0x1, s25, s26, $0xb8;
	[tilespmem:$0x1D010] =	vst v63  }
0x8c: {  	_ =	swait.ge [sflag:s21], $0x80  }
0x8d: {  	[sflag:s21] =	ssyncset.done $0x0  }
0x8e: {  	[sflag:s21] =	ssyncadd.s32 $0xFFFFFF80  }
0x8f: {  	v3 =	vld [tilespmem:$0x1A410]  }
0x90: {  	v55 =	vld [tilespmem:$0x1A420]  }
0x91: {  	v56 =	vld [tilespmem:$0x1A430]  }
0x92: {  	v57 =	vld [tilespmem:$0x1A440]  }
0x93: {  	v58 =	vld [tilespmem:$0x1A450]  }
0x94: {  	(erf) = vrcp.f32 v3;
	v3 =	vld [tilespmem:$0x1A460]  }
0x95: {  	v59 =	vld [tilespmem:$0x1A470];
	(erf) = vrcp.f32 v55  }
0x96: {  	v60 =	vld [tilespmem:$0x1A480];
	(erf) = vrcp.f32 v56  }
0x97: {  	(erf) = vrcp.f32 v57  }
0x98: {  	(erf) = vrcp.f32 v58  }
0x99: {  	(erf) = vrcp.f32 v3  }
0x9a: {  	(erf) = vrcp.f32 v59  }
0x9b: {  	(erf) = vrcp.f32 v60;
	_ =	sdelay $0x1  }
0x9c: {  	v3 =	vpop (erf)  }
0x9d: {  	v61 =	vpop (erf);
	[tilespmem:$0x1A490] =	vst v3  }
0x9e: {  	v3 =	vpop (erf);
	[tilespmem:$0x1A4A0] =	vst v61  }
0x9f: {  	v62 =	vpop (erf);
	[tilespmem:$0x1A4B0] =	vst v3  }
0xa0: {  	v3 =	vpop (erf);
	[tilespmem:$0x1A4C0] =	vst v62  }
0xa1: {  	v63 =	vpop (erf);
	[tilespmem:$0x1A4D0] =	vst v3  }
0xa2: {  	v3 =	vpop (erf);
	[tilespmem:$0x1A4E0] =	vst v63  }
0xa3: {  	[tilespmem:$0x1A4F0] =	vst v3;
	v3 =	vpop (erf)  }
0xa4: {  	s13 =	simm.s32 $0x0;
	[tilespmem:$0x1A500] =	vst v3  }
.LBB2_9:
0xa5: {  	s14 =	sshll.u32 s13, $0x4  }
0xa6: {  	s14 =	sand.u32 $0x3FFFFFF0, s14  }
0xa7: {  	v3 =	vld [tilespmem:s14+$0x1A490];
	s14 =	sshll.u32 s13, $0xB  }
0xa8: {  	s14 =	sand.u32 $0x3FFFF800, s14  }
0xa9: {  	v4 =	vld [tilespmem:s14+$0x16290]  }
0xaa: {  	v5 =	vld [tilespmem:s14+$0x162A0]  }
0xab: {  	v6 =	vld [tilespmem:s14+$0x162B0]  }
0xac: {  	v8 =	vld [tilespmem:s14+$0x162C0];
	v7 =	vbroadcast v3, $0x0  }
0xad: {  	v9 =	vld [tilespmem:s14+$0x162D0]  }
0xae: {  	v10 =	vld [tilespmem:s14+$0x162E0];
	v4 =	vmul.f32 v7, v4  }
0xaf: {  	v11 =	vld [tilespmem:s14+$0x162F0];
	v5 =	vmul.f32 v5, v7  }
0xb0: {  	v55 =	vld [tilespmem:s14+$0x16300];
	v54 =	vmul.f32 v6, v7;
	[tilespmem:s14+$0x16290] =	vst v4  }
0xb1: {  	v57 =	vld [tilespmem:s14+$0x16310];
	v56 =	vmul.f32 v8, v7;
	[tilespmem:s14+$0x162A0] =	vst v5  }
0xb2: {  	v59 =	vld [tilespmem:s14+$0x16320];
	v58 =	vmul.f32 v9, v7;
	[tilespmem:s14+$0x162B0] =	vst v54  }
0xb3: {  	v61 =	vld [tilespmem:s14+$0x16330];
	v60 =	vmul.f32 v10, v7;
	[tilespmem:s14+$0x162C0] =	vst v56  }
0xb4: {  	v12 =	vld [tilespmem:s14+$0x16340];
	v63 =	vbroadcast v3, $0x1;
	v62 =	vmul.f32 v11, v7;
	[tilespmem:s14+$0x162D0] =	vst v58  }
0xb5: {  	v14 =	vld [tilespmem:s14+$0x16350];
	v13 =	vmul.f32 v55, v7;
	[tilespmem:s14+$0x162E0] =	vst v60  }
0xb6: {  	v16 =	vld [tilespmem:s14+$0x16360];
	v15 =	vmul.f32 v57, v63;
	[tilespmem:s14+$0x162F0] =	vst v62  }
0xb7: {  	v18 =	vld [tilespmem:s14+$0x16370];
	v17 =	vmul.f32 v59, v63;
	[tilespmem:s14+$0x16300] =	vst v13  }
0xb8: {  	v20 =	vld [tilespmem:s14+$0x16380];
	v19 =	vmul.f32 v61, v63;
	[tilespmem:s14+$0x16310] =	vst v15  }
0xb9: {  	v22 =	vld [tilespmem:s14+$0x16390];
	v21 =	vmul.f32 v12, v63;
	[tilespmem:s14+$0x16320] =	vst v17  }
0xba: {  	v24 =	vld [tilespmem:s14+$0x163A0];
	v23 =	vmul.f32 v14, v63;
	[tilespmem:s14+$0x16330] =	vst v19  }
0xbb: {  	v26 =	vld [tilespmem:s14+$0x163B0];
	v25 =	vmul.f32 v16, v63;
	[tilespmem:s14+$0x16340] =	vst v21  }
0xbc: {  	v29 =	vld [tilespmem:s14+$0x163C0];
	v28 =	vbroadcast v3, $0x2;
	v27 =	vmul.f32 v18, v63;
	[tilespmem:s14+$0x16350] =	vst v23  }
0xbd: {  	v31 =	vld [tilespmem:s14+$0x163D0];
	v30 =	vmul.f32 v20, v63;
	[tilespmem:s14+$0x16360] =	vst v25  }
0xbe: {  	v33 =	vld [tilespmem:s14+$0x163E0];
	v32 =	vmul.f32 v22, v28;
	[tilespmem:s14+$0x16370] =	vst v27  }
0xbf: {  	v35 =	vld [tilespmem:s14+$0x163F0];
	v34 =	vmul.f32 v24, v28;
	[tilespmem:s14+$0x16380] =	vst v30  }
0xc0: {  	v37 =	vld [tilespmem:s14+$0x16400];
	v36 =	vmul.f32 v26, v28;
	[tilespmem:s14+$0x16390] =	vst v32  }
0xc1: {  	v39 =	vld [tilespmem:s14+$0x16410];
	v38 =	vmul.f32 v29, v28;
	[tilespmem:s14+$0x163A0] =	vst v34  }
0xc2: {  	v41 =	vld [tilespmem:s14+$0x16420];
	v40 =	vmul.f32 v31, v28;
	[tilespmem:s14+$0x163B0] =	vst v36  }
0xc3: {  	v43 =	vld [tilespmem:s14+$0x16430];
	v42 =	vmul.f32 v33, v28;
	[tilespmem:s14+$0x163C0] =	vst v38  }
0xc4: {  	v46 =	vld [tilespmem:s14+$0x16440];
	v45 =	vbroadcast v3, $0x3;
	v44 =	vmul.f32 v35, v28;
	[tilespmem:s14+$0x163D0] =	vst v40  }
0xc5: {  	v48 =	vld [tilespmem:s14+$0x16450];
	v47 =	vmul.f32 v37, v28;
	[tilespmem:s14+$0x163E0] =	vst v42  }
0xc6: {  	v50 =	vld [tilespmem:s14+$0x16460];
	v49 =	vmul.f32 v39, v45;
	[tilespmem:s14+$0x163F0] =	vst v44  }
0xc7: {  	v52 =	vld [tilespmem:s14+$0x16470];
	v51 =	vmul.f32 v41, v45;
	[tilespmem:s14+$0x16400] =	vst v47  }
0xc8: {  	v53 =	vmul.f32 v43, v45;
	v63 =	vld [tilespmem:s14+$0x164C0];
	[tilespmem:s14+$0x16410] =	vst v49  }
0xc9: {  	v55 =	vmul.f32 v46, v45;
	v14 =	vld [tilespmem:s14+$0x164D0];
	[tilespmem:s14+$0x16420] =	vst v51  }
0xca: {  	v57 =	vmul.f32 v48, v45;
	v16 =	vld [tilespmem:s14+$0x164E0];
	[tilespmem:s14+$0x16430] =	vst v53  }
0xcb: {  	v59 =	vmul.f32 v50, v45;
	v18 =	vld [tilespmem:s14+$0x164F0];
	[tilespmem:s14+$0x16440] =	vst v55;
	v62 =	vbroadcast v3, $0x4  }
0xcc: {  	v61 =	vmul.f32 v52, v45;
	v20 =	vld [tilespmem:s14+$0x16500];
	[tilespmem:s14+$0x16450] =	vst v57  }
0xcd: {  	v22 =	vld [tilespmem:s14+$0x16510];
	[tilespmem:s14+$0x16460] =	vst v59;
	v21 =	vmul.f32 v63, v62  }
0xce: {  	v24 =	vld [tilespmem:s14+$0x16520];
	[tilespmem:s14+$0x16470] =	vst v61;
	v23 =	vmul.f32 v14, v62  }
0xcf: {  	v26 =	vld [tilespmem:s14+$0x16530];
	v25 =	vmul.f32 v16, v62;
	[tilespmem:s14+$0x164C0] =	vst v21  }
0xd0: {  	v28 =	vbroadcast v3, $0x5;
	v29 =	vld [tilespmem:s14+$0x16540];
	v27 =	vmul.f32 v18, v62;
	[tilespmem:s14+$0x164D0] =	vst v23  }
0xd1: {  	v31 =	vld [tilespmem:s14+$0x16550];
	v30 =	vmul.f32 v20, v62;
	[tilespmem:s14+$0x164E0] =	vst v25  }
0xd2: {  	v33 =	vld [tilespmem:s14+$0x16560];
	v32 =	vmul.f32 v22, v28;
	[tilespmem:s14+$0x164F0] =	vst v27  }
0xd3: {  	v35 =	vld [tilespmem:s14+$0x16570];
	v34 =	vmul.f32 v24, v28;
	[tilespmem:s14+$0x16500] =	vst v30  }
0xd4: {  	v37 =	vld [tilespmem:s14+$0x16580];
	v36 =	vmul.f32 v26, v28;
	[tilespmem:s14+$0x16510] =	vst v32  }
0xd5: {  	v54 =	vld [tilespmem:s14+$0x16480];
	v38 =	vmul.f32 v29, v28;
	[tilespmem:s14+$0x16520] =	vst v34  }
0xd6: {  	v56 =	vld [tilespmem:s14+$0x16490];
	v40 =	vmul.f32 v31, v28;
	[tilespmem:s14+$0x16530] =	vst v36  }
0xd7: {  	v58 =	vld [tilespmem:s14+$0x164A0];
	v42 =	vmul.f32 v33, v28;
	[tilespmem:s14+$0x16540] =	vst v38  }
0xd8: {  	v60 =	vld [tilespmem:s14+$0x164B0];
	v44 =	vmul.f32 v35, v28;
	[tilespmem:s14+$0x16550] =	vst v40  }
0xd9: {  	v39 =	vld [tilespmem:s14+$0x16590];
	v47 =	vmul.f32 v37, v28;
	[tilespmem:s14+$0x16560] =	vst v42  }
0xda: {  	v41 =	vld [tilespmem:s14+$0x165A0];
	v13 =	vmul.f32 v54, v45;
	[tilespmem:s14+$0x16570] =	vst v44  }
0xdb: {  	v43 =	vld [tilespmem:s14+$0x165B0];
	v15 =	vmul.f32 v56, v62;
	[tilespmem:s14+$0x16580] =	vst v47  }
0xdc: {  	v46 =	vld [tilespmem:s14+$0x165C0];
	v17 =	vmul.f32 v58, v62;
	v45 =	vbroadcast v3, $0x6;
	[tilespmem:s14+$0x16480] =	vst v13  }
0xdd: {  	v48 =	vld [tilespmem:s14+$0x165D0];
	v19 =	vmul.f32 v60, v62;
	[tilespmem:s14+$0x16490] =	vst v15  }
0xde: {  	v50 =	vld [tilespmem:s14+$0x165E0];
	[tilespmem:s14+$0x164A0] =	vst v17;
	v49 =	vmul.f32 v39, v45  }
0xdf: {  	v52 =	vld [tilespmem:s14+$0x165F0];
	[tilespmem:s14+$0x164B0] =	vst v19;
	v51 =	vmul.f32 v41, v45  }
0xe0: {  	v63 =	vld [tilespmem:s14+$0x16640];
	v53 =	vmul.f32 v43, v45;
	[tilespmem:s14+$0x16590] =	vst v49  }
0xe1: {  	v14 =	vld [tilespmem:s14+$0x16650];
	v55 =	vmul.f32 v46, v45;
	[tilespmem:s14+$0x165A0] =	vst v51  }
0xe2: {  	v16 =	vld [tilespmem:s14+$0x16660];
	v57 =	vmul.f32 v48, v45;
	[tilespmem:s14+$0x165B0] =	vst v53  }
0xe3: {  	v18 =	vld [tilespmem:s14+$0x16670];
	v62 =	vbroadcast v3, $0x7;
	v59 =	vmul.f32 v50, v45;
	[tilespmem:s14+$0x165C0] =	vst v55  }
0xe4: {  	v20 =	vld [tilespmem:s14+$0x16680];
	v61 =	vmul.f32 v52, v45;
	[tilespmem:s14+$0x165D0] =	vst v57  }
0xe5: {  	v22 =	vld [tilespmem:s14+$0x16690];
	v21 =	vmul.f32 v63, v62;
	[tilespmem:s14+$0x165E0] =	vst v59  }
0xe6: {  	v24 =	vld [tilespmem:s14+$0x166A0];
	v23 =	vmul.f32 v14, v62;
	[tilespmem:s14+$0x165F0] =	vst v61  }
0xe7: {  	v26 =	vld [tilespmem:s14+$0x166B0];
	v25 =	vmul.f32 v16, v62;
	[tilespmem:s14+$0x16640] =	vst v21  }
0xe8: {  	v28 =	vbroadcast v3, $0x8;
	v29 =	vld [tilespmem:s14+$0x166C0];
	v27 =	vmul.f32 v18, v62;
	[tilespmem:s14+$0x16650] =	vst v23  }
0xe9: {  	v31 =	vld [tilespmem:s14+$0x166D0];
	v30 =	vmul.f32 v20, v62;
	[tilespmem:s14+$0x16660] =	vst v25  }
0xea: {  	v33 =	vld [tilespmem:s14+$0x166E0];
	v32 =	vmul.f32 v22, v28;
	[tilespmem:s14+$0x16670] =	vst v27  }
0xeb: {  	v35 =	vld [tilespmem:s14+$0x166F0];
	v34 =	vmul.f32 v24, v28;
	[tilespmem:s14+$0x16680] =	vst v30  }
0xec: {  	v37 =	vld [tilespmem:s14+$0x16700];
	v36 =	vmul.f32 v26, v28;
	[tilespmem:s14+$0x16690] =	vst v32  }
0xed: {  	v54 =	vld [tilespmem:s14+$0x16600];
	v38 =	vmul.f32 v29, v28;
	[tilespmem:s14+$0x166A0] =	vst v34  }
0xee: {  	v56 =	vld [tilespmem:s14+$0x16610];
	v40 =	vmul.f32 v31, v28;
	[tilespmem:s14+$0x166B0] =	vst v36  }
0xef: {  	v58 =	vld [tilespmem:s14+$0x16620];
	v42 =	vmul.f32 v33, v28;
	[tilespmem:s14+$0x166C0] =	vst v38  }
0xf0: {  	v60 =	vld [tilespmem:s14+$0x16630];
	v44 =	vmul.f32 v35, v28;
	[tilespmem:s14+$0x166D0] =	vst v40  }
0xf1: {  	v39 =	vld [tilespmem:s14+$0x16710];
	v47 =	vmul.f32 v37, v28;
	[tilespmem:s14+$0x166E0] =	vst v42  }
0xf2: {  	v41 =	vld [tilespmem:s14+$0x16720];
	v13 =	vmul.f32 v54, v45;
	[tilespmem:s14+$0x166F0] =	vst v44  }
0xf3: {  	v43 =	vld [tilespmem:s14+$0x16730];
	v15 =	vmul.f32 v56, v62;
	[tilespmem:s14+$0x16700] =	vst v47  }
0xf4: {  	v46 =	vld [tilespmem:s14+$0x16740];
	v17 =	vmul.f32 v58, v62;
	v45 =	vbroadcast v3, $0x9;
	[tilespmem:s14+$0x16600] =	vst v13  }
0xf5: {  	v48 =	vld [tilespmem:s14+$0x16750];
	v19 =	vmul.f32 v60, v62;
	[tilespmem:s14+$0x16610] =	vst v15  }
0xf6: {  	v50 =	vld [tilespmem:s14+$0x16760];
	[tilespmem:s14+$0x16620] =	vst v17;
	v49 =	vmul.f32 v39, v45  }
0xf7: {  	v52 =	vld [tilespmem:s14+$0x16770];
	[tilespmem:s14+$0x16630] =	vst v19;
	v51 =	vmul.f32 v41, v45  }
0xf8: {  	v63 =	vld [tilespmem:s14+$0x167C0];
	v53 =	vmul.f32 v43, v45;
	[tilespmem:s14+$0x16710] =	vst v49  }
0xf9: {  	v29 =	vld [tilespmem:s14+$0x16830];
	v55 =	vmul.f32 v46, v45;
	[tilespmem:s14+$0x16720] =	vst v51  }
0xfa: {  	v54 =	vld [tilespmem:s14+$0x16780];
	v57 =	vmul.f32 v48, v45;
	[tilespmem:s14+$0x16730] =	vst v53  }
0xfb: {  	v56 =	vld [tilespmem:s14+$0x16790];
	v62 =	vbroadcast v3, $0xA;
	v59 =	vmul.f32 v50, v45;
	[tilespmem:s14+$0x16740] =	vst v55  }
0xfc: {  	v31 =	vbroadcast v3, $0xB;
	v58 =	vld [tilespmem:s14+$0x167A0];
	v61 =	vmul.f32 v52, v45;
	[tilespmem:s14+$0x16750] =	vst v57  }
0xfd: {  	v60 =	vld [tilespmem:s14+$0x167B0];
	v24 =	vmul.f32 v63, v62;
	[tilespmem:s14+$0x16760] =	vst v59  }
0xfe: {  	v21 =	vld [tilespmem:s14+$0x167F0];
	v39 =	vmul.f32 v29, v31;
	[tilespmem:s14+$0x16770] =	vst v61  }
0xff: {  	v23 =	vld [tilespmem:s14+$0x16800];
	v16 =	vmul.f32 v54, v45;
	[tilespmem:s14+$0x167C0] =	vst v24  }
0x100: {  	v25 =	vld [tilespmem:s14+$0x16810];
	v18 =	vmul.f32 v56, v62;
	[tilespmem:s14+$0x16830] =	vst v39  }
0x101: {  	v27 =	vld [tilespmem:s14+$0x16820];
	v20 =	vmul.f32 v58, v62;
	[tilespmem:s14+$0x16780] =	vst v16  }
0x102: {  	v32 =	vld [tilespmem:s14+$0x16840];
	v22 =	vmul.f32 v60, v62;
	[tilespmem:s14+$0x16790] =	vst v18  }
0x103: {  	v34 =	vld [tilespmem:s14+$0x16850];
	v30 =	vmul.f32 v21, v62;
	[tilespmem:s14+$0x167A0] =	vst v20  }
0x104: {  	v36 =	vld [tilespmem:s14+$0x16860];
	v33 =	vmul.f32 v23, v62;
	[tilespmem:s14+$0x167B0] =	vst v22  }
0x105: {  	v38 =	vld [tilespmem:s14+$0x16870];
	v35 =	vmul.f32 v25, v31;
	[tilespmem:s14+$0x167F0] =	vst v30  }
0x106: {  	v40 =	vld [tilespmem:s14+$0x16880];
	v37 =	vmul.f32 v27, v31;
	[tilespmem:s14+$0x16800] =	vst v33  }
0x107: {  	v42 =	vld [tilespmem:s14+$0x16890];
	v41 =	vmul.f32 v32, v31;
	[tilespmem:s14+$0x16810] =	vst v35  }
0x108: {  	v44 =	vld [tilespmem:s14+$0x168A0];
	v43 =	vmul.f32 v34, v31;
	[tilespmem:s14+$0x16820] =	vst v37  }
0x109: {  	v17 =	vld [tilespmem:s14+$0x167D0];
	v45 =	vmul.f32 v36, v31;
	[tilespmem:s14+$0x16840] =	vst v41  }
0x10a: {  	v19 =	vld [tilespmem:s14+$0x167E0];
	v48 =	vbroadcast v3, $0xC;
	v47 =	vmul.f32 v38, v31;
	[tilespmem:s14+$0x16850] =	vst v43  }
0x10b: {  	v46 =	vld [tilespmem:s14+$0x168B0];
	v50 =	vmul.f32 v40, v31;
	[tilespmem:s14+$0x16860] =	vst v45  }
0x10c: {  	v49 =	vld [tilespmem:s14+$0x168C0];
	v52 =	vmul.f32 v42, v48;
	[tilespmem:s14+$0x16870] =	vst v47  }
0x10d: {  	v51 =	vld [tilespmem:s14+$0x168D0];
	v54 =	vmul.f32 v44, v48;
	[tilespmem:s14+$0x16880] =	vst v50  }
0x10e: {  	v53 =	vld [tilespmem:s14+$0x168E0];
	v26 =	vmul.f32 v17, v62;
	[tilespmem:s14+$0x16890] =	vst v52  }
0x10f: {  	v55 =	vld [tilespmem:s14+$0x168F0];
	v28 =	vmul.f32 v19, v62;
	[tilespmem:s14+$0x168A0] =	vst v54  }
0x110: {  	v57 =	vld [tilespmem:s14+$0x16900];
	v56 =	vmul.f32 v46, v48;
	[tilespmem:s14+$0x167D0] =	vst v26  }
0x111: {  	v59 =	vld [tilespmem:s14+$0x16910];
	[tilespmem:s14+$0x167E0] =	vst v28;
	v58 =	vmul.f32 v49, v48  }
0x112: {  	v61 =	vld [tilespmem:s14+$0x16920];
	[tilespmem:s14+$0x168B0] =	vst v56;
	v60 =	vmul.f32 v51, v48  }
0x113: {  	v63 =	vld [tilespmem:s14+$0x16930];
	v62 =	vmul.f32 v53, v48;
	[tilespmem:s14+$0x168C0] =	vst v58  }
0x114: {  	v24 =	vld [tilespmem:s14+$0x16970];
	v17 =	vbroadcast v3, $0xD;
	v16 =	vmul.f32 v55, v48;
	[tilespmem:s14+$0x168D0] =	vst v60  }
0x115: {  	v32 =	vld [tilespmem:s14+$0x169B0];
	v19 =	vmul.f32 v57, v48;
	[tilespmem:s14+$0x168E0] =	vst v62  }
0x116: {  	v39 =	vld [tilespmem:s14+$0x169E0];
	v21 =	vmul.f32 v59, v17;
	[tilespmem:s14+$0x168F0] =	vst v16  }
0x117: {  	v18 =	vld [tilespmem:s14+$0x16940];
	v23 =	vmul.f32 v61, v17;
	[tilespmem:s14+$0x16900] =	vst v19  }
0x118: {  	v34 =	vbroadcast v3, $0xE;
	v20 =	vld [tilespmem:s14+$0x16950];
	v25 =	vmul.f32 v63, v17;
	[tilespmem:s14+$0x16910] =	vst v21  }
0x119: {  	v22 =	vld [tilespmem:s14+$0x16960];
	v33 =	vmul.f32 v24, v17;
	[tilespmem:s14+$0x16920] =	vst v23  }
0x11a: {  	v30 =	vld [tilespmem:s14+$0x169A0];
	v42 =	vmul.f32 v32, v34;
	[tilespmem:s14+$0x16930] =	vst v25  }
0x11b: {  	v35 =	vld [tilespmem:s14+$0x169C0];
	v48 =	vmul.f32 v39, v34;
	[tilespmem:s14+$0x16970] =	vst v33  }
0x11c: {  	v37 =	vld [tilespmem:s14+$0x169D0];
	v27 =	vmul.f32 v18, v17;
	[tilespmem:s14+$0x169B0] =	vst v42  }
0x11d: {  	v41 =	vld [tilespmem:s14+$0x169F0];
	v29 =	vmul.f32 v20, v17;
	[tilespmem:s14+$0x169E0] =	vst v48  }
0x11e: {  	v43 =	vld [tilespmem:s14+$0x16A00];
	v31 =	vmul.f32 v22, v17;
	[tilespmem:s14+$0x16940] =	vst v27  }
0x11f: {  	v45 =	vld [tilespmem:s14+$0x16A10];
	v40 =	vmul.f32 v30, v34;
	[tilespmem:s14+$0x16950] =	vst v29  }
0x120: {  	v47 =	vld [tilespmem:s14+$0x16A20];
	v44 =	vmul.f32 v35, v34;
	[tilespmem:s14+$0x16960] =	vst v31  }
0x121: {  	v26 =	vld [tilespmem:s14+$0x16980];
	v46 =	vmul.f32 v37, v34;
	[tilespmem:s14+$0x169A0] =	vst v40  }
0x122: {  	v3 =	vbroadcast v3, $0xF;
	v28 =	vld [tilespmem:s14+$0x16990];
	v50 =	vmul.f32 v41, v34;
	[tilespmem:s14+$0x169C0] =	vst v44  }
0x123: {  	v49 =	vld [tilespmem:s14+$0x16A30];
	v52 =	vmul.f32 v43, v34;
	[tilespmem:s14+$0x169D0] =	vst v46  }
0x124: {  	v51 =	vld [tilespmem:s14+$0x16A40];
	v54 =	vmul.f32 v45, v3;
	[tilespmem:s14+$0x169F0] =	vst v50  }
0x125: {  	v53 =	vld [tilespmem:s14+$0x16A50];
	v56 =	vmul.f32 v47, v3;
	[tilespmem:s14+$0x16A00] =	vst v52  }
0x126: {  	v55 =	vld [tilespmem:s14+$0x16A60];
	v36 =	vmul.f32 v26, v17;
	[tilespmem:s14+$0x16A10] =	vst v54  }
0x127: {  	v57 =	vld [tilespmem:s14+$0x16A70];
	v38 =	vmul.f32 v28, v34;
	[tilespmem:s14+$0x16A20] =	vst v56  }
0x128: {  	v59 =	vld [tilespmem:s14+$0x16A80];
	v58 =	vmul.f32 v49, v3;
	[tilespmem:s14+$0x16980] =	vst v36  }
0x129: {  	v60 =	vmul.f32 v51, v3;
	[tilespmem:s14+$0x16990] =	vst v38  }
0x12a: {  	p1 =	sne.s32 s13, $0x7;
	v61 =	vmul.f32 v53, v3;
	[tilespmem:s14+$0x16A30] =	vst v58  }
.Ltmp3:
0x12b: {  	v62 =	vmul.f32 v55, v3;
	[tilespmem:s14+$0x16A40] =	vst v60;
	(pc) =	sbr.rel @p1 .LBB2_9-.Ltmp3, $4  }
0x12c: {  	v63 =	vmul.f32 v57, v3;
	[tilespmem:s14+$0x16A50] =	vst v61  }
0x12d: {  	v3 =	vmul.f32 v59, v3;
	[tilespmem:s14+$0x16A60] =	vst v62  }
0x12e: {  	[tilespmem:s14+$0x16A70] =	vst v63  }
0x12f: {  	s13 =	sadd.s32 $0x1, s13;
	[tilespmem:s14+$0x16A80] =	vst v3  }
0x130: {  	s12 =	sadd.s32 $0x1, s12  }
0x131: {  	p1 =	sne.s32 s12, $0xA2  }
.Ltmp4:
0x132: {  	_ = 	snop;
	(pc) =	sbr.rel @p1 .LBB2_8-.Ltmp4, $4  }
0x133: {  	[spmem:s2] =	stream.indirect.scatter.add.f32 [tilespmem:s22], [sflag:$0x2], $0x80, s30, s26, $0xb8;
	[tilespmem:$0x1D010] =	vst v63  }
0x134: {  	_ =	swait.ge [sflag:s21], $0x4000  }
0x135: {  	[sflag:s21] =	ssyncset.done $0x0  }
0x136: {  	[sflag:s21] =	ssyncadd.s32 $0xFFFFC000  }
0x137: {  	s10 =	stileid.u32  }
0x138: {  	s10 =	sshll.u32 s10, $0x6  }
0x139: {  	[bflag:$0x0] =	sbarrier.arrive $0xFFFF;
	s10 =	sor.u32 $0x1C02, s10  }
0x13a: {  	[hbm:s16], [sflag:s10] =	dma.local [spmem:s23], $0x2700  }
0x13b: {  	_ =	swait.ge [sflag:s21], $0x2700  }
0x13c: {  	s5 =	sadd.s32 $0x1, s5;
	[sflag:s21] =	ssyncset.done $0x0  }
0x13d: {  	p1 =	sne.s32 s5, s18;
	[sflag:s21] =	ssyncadd.s32 $0xFFFFD900  }
0x13e: {  	[hbm:s17], [sflag:s10] =	dma.local @!p0 [spmem:s24], $0x100  }
.Ltmp5:
0x13f: {  	_ = 	snop;
	(pc) =	sbr.rel @p1 .LBB2_1-.Ltmp5, $4  }
0x140: {  	s10 =	simm.s32 @!p0 $0x2  }
0x141: {  	_ =	swait.ge @!p0 [sflag:s10], $0x100  }
0x142: {  	[sflag:s10] =	ssyncset.done @!p0 $0x0  }
0x143: {  	[sflag:s10] =	ssyncadd.s32 @!p0 $0xFFFFFF00  }
0x144: {  	_ =	sfence.sel $0x180000  }
0x145: {  	[bflag:$0x0] =	sbarrier.arrive $0xFFFF  }
0x146: {  	_ =	strace $0x90000047  }
0x147: {  	[bflag:$0x2] =	sbarrier.arrive $0xFFFF  }
0x148: {  	s0 =	rddreg [dreg:$0x4]  }
0x149: {  	s0 =	sadd.s32 @!p0 $0x100000, s0  }
0x14a: {  	[sflag:s0] =	ssyncadd.tile.s32 @!p0 $0x1;
	_ =	shalt  }
.Lfunc_end2:
_tile_overlayer_lowered:
.L_overlay_start_2:
0x14b: {  	(tag) =	ssettag $0x2  }
0x14c: {  	s0 =	rddreg [dreg:$0x0];
	s2 =	stileid.u32  }
0x14d: {  	s1 =	rddreg [dreg:$0x1];
	p0 =	sne.s32 s2, $0x0  }
0x14e: {  	s3 =	rddreg [dreg:$0x2];
	[bflag:$0x3] =	sbarrier.arrive $0xFFFF;
	s2 =	simm.s32 @!p0 $0x1C02  }
0x14f: {  	[timem:s3], [sflag:s2] =	dma.local @!p0 [hbm:s0], s1  }
0x150: {  	s0 =	simm.s32 @!p0 $0x2  }
0x151: {  	_ =	swait.ge @!p0 [sflag:s0], s1  }
0x152: {  	s1 =	ssub.s32 @!p0 $0x0, s1;
	[sflag:s0] =	ssyncset.done @!p0 $0x0  }
0x153: {  	[sflag:s0] =	ssyncadd.s32 @!p0 s1  }
0x154: {  	[bflag:$0x3] =	sbarrier.arrive $0xFFFF  }
0x155: {  	_ =	shalt  }

</sc_bundles>
